<compile_context>
chip_gen: v7x
topology: tpu7x:2x2x1
jax: 0.10.2.dev20260603
libtpu: 0.0.44.dev20260713+nightly
codegen_flags: <defaults>
</compile_context>

<pallas_src>
import functools

import jax
import jax.numpy as jnp
from jax import lax
from jax.experimental import pallas as pl
from jax.experimental.pallas import tpu as pltpu
from jax.experimental.pallas import tpu_sc as plsc

NUM_EMB = 16384
DIM = 64
DIM2 = DIM // 2
NT = 262144
NC = 2
NS = 16
L = 16
NW = NC * NS
TPW = NT // NW
CHUNK = 128
NCHUNK = TPW // CHUNK


def _normalize_rows(emb):
    def body(e_ref, o_ref):
        x = e_ref[...]
        norm = jnp.sqrt(jnp.sum(x * x, axis=1, keepdims=True))
        o_ref[...] = x / norm

    return pl.pallas_call(
        body,
        out_shape=jax.ShapeDtypeStruct((NUM_EMB, DIM), jnp.float32),
    )(emb)


_mesh = plsc.VectorSubcoreMesh(core_axis_name="c", subcore_axis_name="s")


@functools.partial(
    pl.kernel,
    out_type=[
        jax.ShapeDtypeStruct((NW, L), jnp.float32),
        jax.ShapeDtypeStruct((NW, L), jnp.int32),
    ],
    mesh=_mesh,
    compiler_params=pltpu.CompilerParams(
        needs_layout_passes=False, use_tc_tiling_on_sc=False,
        disable_bounds_checks=True),
    scratch_types=[
        pltpu.VMEM((TPW,), jnp.int32),
        pltpu.VMEM((TPW,), jnp.int32),
        pltpu.VMEM((TPW,), jnp.int32),
        pltpu.VMEM((TPW,), jnp.float32),
        pltpu.VMEM((CHUNK, DIM2), jnp.int32),
        pltpu.VMEM((CHUNK, DIM2), jnp.int32),
        pltpu.VMEM((CHUNK, DIM2), jnp.int32),
        pltpu.VMEM((CHUNK, DIM2), jnp.int32),
        pltpu.VMEM((CHUNK, DIM2), jnp.int32),
        pltpu.VMEM((CHUNK, DIM2), jnp.int32),
        pltpu.VMEM((L, L), jnp.float32),
        pltpu.VMEM((L,), jnp.float32),
        pltpu.VMEM((L,), jnp.int32),
        pltpu.SemaphoreType.DMA,
        pltpu.SemaphoreType.DMA,
    ],
)
def _triplet_sc(ehat, ia_all, ip_all, in_all, m_all, loss_out, cnt_out,
                ia_v, ip_v, in_v, m_v, ar0, pr0, nr0, ar1, pr1, nr1,
                ts, lstage, cstage, sem0, sem1):
    wid = lax.axis_index("s") * NC + lax.axis_index("c")
    base = wid * TPW
    pltpu.sync_copy(ia_all.at[pl.ds(base, TPW)], ia_v)
    pltpu.sync_copy(ip_all.at[pl.ds(base, TPW)], ip_v)
    pltpu.sync_copy(in_all.at[pl.ds(base, TPW)], in_v)
    pltpu.sync_copy(m_all.at[pl.ds(base, TPW)], m_v)

    def fire(c, ar, pr, nr, sem):
        off = c * CHUNK
        pltpu.async_copy(ehat.at[ia_v.at[pl.ds(off, CHUNK)]], ar, sem)
        pltpu.async_copy(ehat.at[ip_v.at[pl.ds(off, CHUNK)]], pr, sem)
        pltpu.async_copy(ehat.at[in_v.at[pl.ds(off, CHUNK)]], nr, sem)

    def drain(c, ar, pr, nr, sem):
        off = c * CHUNK
        pltpu.make_async_copy(ehat.at[ia_v.at[pl.ds(off, CHUNK)]], ar, sem).wait()
        pltpu.make_async_copy(ehat.at[ip_v.at[pl.ds(off, CHUNK)]], pr, sem).wait()
        pltpu.make_async_copy(ehat.at[in_v.at[pl.ds(off, CHUNK)]], nr, sem).wait()

    def compute(c, ar, pr, nr, carry):
        off = c * CHUNK

        def grp_body(g, carry2):
            sloss2, scnt2 = carry2
            mv = m_v[pl.ds(off + g * L, L)]
            lane = lax.broadcasted_iota(jnp.int32, (L,), 0)
            zero = jnp.zeros((L,), jnp.float32)
            himask = jnp.full((L,), -65536, jnp.int32)

            def widen(w):
                lo = plsc.bitcast(jnp.left_shift(w, 16), jnp.float32)
                hi = plsc.bitcast(jnp.bitwise_and(w, himask), jnp.float32)
                return lo, hi

            def bf(w):
                return plsc.bitcast(w, jnp.bfloat16)

            for t in range(L):
                row = g * L + t
                a0 = ar[row, pl.ds(0, L)]
                a1 = ar[row, pl.ds(L, L)]
                p0 = pr[row, pl.ds(0, L)]
                p1 = pr[row, pl.ds(L, L)]
                n0 = nr[row, pl.ds(0, L)]
                n1 = nr[row, pl.ds(L, L)]
                q0 = plsc.bitcast(bf(a0) * (bf(n0) - bf(p0)), jnp.int32)
                q1 = plsc.bitcast(bf(a1) * (bf(n1) - bf(p1)), jnp.int32)
                lo0, hi0 = widen(q0)
                lo1, hi1 = widen(q1)
                ts[t, :] = (lo0 + hi0) + (lo1 + hi1)
            sd = [zero, zero, zero, zero]
            for k in range(L):
                sd[k % 4] = sd[k % 4] + plsc.load_gather(
                    ts, [lane, lane ^ k])
            x = (sd[0] + sd[1]) + (sd[2] + sd[3]) + mv
            sloss2 = sloss2 + jnp.maximum(x, 0.0)
            scnt2 = scnt2 + jnp.where(x > 0.0, 1, 0)
            return sloss2, scnt2

        return lax.fori_loop(0, CHUNK // L, grp_body, carry)

    NPAIR = NCHUNK // 2
    fire(0, ar0, pr0, nr0, sem0)

    def pair_body(i, carry):
        c0 = 2 * i
        fire(c0 + 1, ar1, pr1, nr1, sem1)
        drain(c0, ar0, pr0, nr0, sem0)
        carry = compute(c0, ar0, pr0, nr0, carry)

        @pl.when(i < NPAIR - 1)
        def _():
            fire(c0 + 2, ar0, pr0, nr0, sem0)

        drain(c0 + 1, ar1, pr1, nr1, sem1)
        carry = compute(c0 + 1, ar1, pr1, nr1, carry)
        return carry

    sloss, scnt = lax.fori_loop(
        0, NPAIR, pair_body,
        (jnp.zeros((L,), jnp.float32), jnp.zeros((L,), jnp.int32)))

    lstage[...] = sloss
    cstage[...] = scnt
    pltpu.sync_copy(lstage, loss_out.at[wid])
    pltpu.sync_copy(cstage, cnt_out.at[wid])


def _finish(lp, cp):
    def body(l_ref, c_ref, mean_ref, cnt_ref):
        mean_ref[0, 0] = jnp.sum(l_ref[...]) * (1.0 / NT)
        cnt_ref[0, 0] = jnp.sum(c_ref[...])

    return pl.pallas_call(
        body,
        out_shape=[
            jax.ShapeDtypeStruct((1, 1), jnp.float32),
            jax.ShapeDtypeStruct((1, 1), jnp.int32),
        ],
        out_specs=[
            pl.BlockSpec(memory_space=pltpu.SMEM),
            pl.BlockSpec(memory_space=pltpu.SMEM),
        ],
    )(lp, cp)


def kernel(embeddings, triplet_indices, margins):
    ehat_f32 = _normalize_rows(embeddings)
    ehat_bf = ehat_f32.astype(jnp.bfloat16)
    ehat = jax.lax.bitcast_convert_type(
        ehat_bf.reshape(NUM_EMB, DIM2, 2), jnp.int32)
    ia = jnp.asarray(triplet_indices[:, 0])
    ip = jnp.asarray(triplet_indices[:, 1])
    ineg = jnp.asarray(triplet_indices[:, 2])
    lp, cp = _triplet_sc(ehat, ia, ip, ineg, margins)
    mean, cnt = _finish(lp, cp)
    return (mean[0, 0], cnt[0, 0])

# --- scband reference (transcript-rebuilt; emitter-appended) ---
"""Pipeline reference for scband-triplet-loss-82317343195233 (READ-ONLY COPY).

The authoritative reference and input builder live on the scoring server;
editing this copy changes nothing except your own understanding.
"""

import jax, jax.numpy as jnp
import numpy as np


def cosine_distance(x1, x2, eps=1e-08):
    dot_product = jnp.sum(x1 * x2, axis=1)
    x1_norm = jnp.linalg.norm(x1, ord=2, axis=1)
    x2_norm = jnp.linalg.norm(x2, ord=2, axis=1)
    return 1.0 - dot_product / (x1_norm * x2_norm + eps)


def setup_inputs(seed: int = 0) -> dict:
    key = jax.random.key(seed)
    k1, k2, k3 = jax.random.split(key, 3)
    embeddings = jax.random.normal(k1, (16384, 64), dtype=jnp.float32)
    triplet_indices = jax.random.randint(k2, (262144, 3), 0, 16384, dtype=jnp.int64 if jax.config.read('jax_enable_x64') else jnp.int32).astype(jnp.int32)
    margins = jax.random.uniform(k3, (262144,), dtype=jnp.float32)
    return {"embeddings": embeddings, "triplet_indices": triplet_indices, "margins": margins}


def reference(embeddings, triplet_indices, margins):
    anchor = jnp.take(embeddings, triplet_indices[:, 0], axis=0)
    positive = jnp.take(embeddings, triplet_indices[:, 1], axis=0)
    negative = jnp.take(embeddings, triplet_indices[:, 2], axis=0)
    positive_distance = cosine_distance(anchor, positive)
    negative_distance = cosine_distance(anchor, negative)
    loss = jax.nn.relu(positive_distance - negative_distance + margins)
    number_failed_triplets = jnp.sum(loss > 0)
    return (loss.mean(), number_failed_triplets)

if __name__ == "__main__":
    import jax
    _d = setup_inputs()
    print(jax.jit(kernel)(*tuple(_d.values())))

</pallas_src>

<mosaic_0001>
#map = affine_map<(d0, d1) -> (0, 0)>
#map1 = affine_map<(d0, d1) -> (0)>
module attributes {stable_mosaic.version = 14 : i64} {
  func.func @_triplet_sc(%arg0: i32, %arg1: i32, %arg2: memref<16384x32xi32, #tpu.memory_space<hbm>>, %arg3: memref<262144xi32, #tpu.memory_space<hbm>>, %arg4: memref<262144xi32, #tpu.memory_space<hbm>>, %arg5: memref<262144xi32, #tpu.memory_space<hbm>>, %arg6: memref<262144xf32, #tpu.memory_space<hbm>>, %arg7: memref<32x16xf32, #tpu.memory_space<hbm>>, %arg8: memref<32x16xi32, #tpu.memory_space<hbm>>, %arg9: memref<8192xi32, #tpu.memory_space<vmem>>, %arg10: memref<8192xi32, #tpu.memory_space<vmem>>, %arg11: memref<8192xi32, #tpu.memory_space<vmem>>, %arg12: memref<8192xf32, #tpu.memory_space<vmem>>, %arg13: memref<128x32xi32, #tpu.memory_space<vmem>>, %arg14: memref<128x32xi32, #tpu.memory_space<vmem>>, %arg15: memref<128x32xi32, #tpu.memory_space<vmem>>, %arg16: memref<128x32xi32, #tpu.memory_space<vmem>>, %arg17: memref<128x32xi32, #tpu.memory_space<vmem>>, %arg18: memref<128x32xi32, #tpu.memory_space<vmem>>, %arg19: memref<16x16xf32, #tpu.memory_space<vmem>>, %arg20: memref<16xf32, #tpu.memory_space<vmem>>, %arg21: memref<16xi32, #tpu.memory_space<vmem>>, %arg22: memref<!tpu.dma_semaphore, #tpu.memory_space<semaphore_mem>>, %arg23: memref<!tpu.dma_semaphore, #tpu.memory_space<semaphore_mem>>) attributes {dimension_semantics = [#tpu.dimension_semantics<core_parallel>, #tpu.dimension_semantics<subcore_parallel>], iteration_bounds = array<i64: 2, 16>, scalar_prefetch = 0 : i64, scratch_operands = 15 : i64, tpu.core_type = #tpu.core_type<sc_vector_subcore>, window_params = [{transform_indices = #map}, {transform_indices = #map1}, {transform_indices = #map1}, {transform_indices = #map1}, {transform_indices = #map1}, {transform_indices = #map}, {transform_indices = #map}]} {
    %mul3A = arith.constant 2 : i32
    %mul3A_0 = arith.muli %arg1, %mul3A : i32
    %add3A = arith.addi %mul3A_0, %arg0 : i32
    %mul3A_1 = arith.constant 8192 : i32
    %mul3A_2 = arith.muli %add3A, %mul3A_1 : i32
    "tpu.region"() ({
      %run_scoped3A = tpu.sem_alloc : memref<!tpu.dma_semaphore, #tpu.memory_space<semaphore_mem>>
      %dma_start3A_28 = tpu.memref_slice %arg3[%mul3A_2] : memref<262144xi32, #tpu.memory_space<hbm>> -> memref<8192xi32, #tpu.memory_space<hbm>>
      %dma_start3A_29 = tpu.memref_slice %arg3[%mul3A_2] : memref<262144xi32, #tpu.memory_space<hbm>> -> memref<8192xi32, #tpu.memory_space<hbm>>
      tpu.enqueue_dma source(%dma_start3A_29 : memref<8192xi32, #tpu.memory_space<hbm>>) target(%arg9 : memref<8192xi32, #tpu.memory_space<vmem>>) target_semaphore(%run_scoped3A : memref<!tpu.dma_semaphore, #tpu.memory_space<semaphore_mem>>)
      %dma_wait3A = tpu.memref_slice %arg3[%mul3A_2] : memref<262144xi32, #tpu.memory_space<hbm>> -> memref<8192xi32, #tpu.memory_space<hbm>>
      %dma_wait3A_30 = tpu.memref_slice %arg3[%mul3A_2] : memref<262144xi32, #tpu.memory_space<hbm>> -> memref<8192xi32, #tpu.memory_space<hbm>>
      tpu.wait_dma2 semaphore(%run_scoped3A : memref<!tpu.dma_semaphore, #tpu.memory_space<semaphore_mem>>) src(%dma_wait3A_30 : memref<8192xi32, #tpu.memory_space<hbm>>) dst(%arg9 : memref<8192xi32, #tpu.memory_space<vmem>>)
      tpu.yield
    }) : () -> ()
    "tpu.region"() ({
      %run_scoped3A = tpu.sem_alloc : memref<!tpu.dma_semaphore, #tpu.memory_space<semaphore_mem>>
      %dma_start3A_28 = tpu.memref_slice %arg4[%mul3A_2] : memref<262144xi32, #tpu.memory_space<hbm>> -> memref<8192xi32, #tpu.memory_space<hbm>>
      %dma_start3A_29 = tpu.memref_slice %arg4[%mul3A_2] : memref<262144xi32, #tpu.memory_space<hbm>> -> memref<8192xi32, #tpu.memory_space<hbm>>
      tpu.enqueue_dma source(%dma_start3A_29 : memref<8192xi32, #tpu.memory_space<hbm>>) target(%arg10 : memref<8192xi32, #tpu.memory_space<vmem>>) target_semaphore(%run_scoped3A : memref<!tpu.dma_semaphore, #tpu.memory_space<semaphore_mem>>)
      %dma_wait3A = tpu.memref_slice %arg4[%mul3A_2] : memref<262144xi32, #tpu.memory_space<hbm>> -> memref<8192xi32, #tpu.memory_space<hbm>>
      %dma_wait3A_30 = tpu.memref_slice %arg4[%mul3A_2] : memref<262144xi32, #tpu.memory_space<hbm>> -> memref<8192xi32, #tpu.memory_space<hbm>>
      tpu.wait_dma2 semaphore(%run_scoped3A : memref<!tpu.dma_semaphore, #tpu.memory_space<semaphore_mem>>) src(%dma_wait3A_30 : memref<8192xi32, #tpu.memory_space<hbm>>) dst(%arg10 : memref<8192xi32, #tpu.memory_space<vmem>>)
      tpu.yield
    }) : () -> ()
    "tpu.region"() ({
      %run_scoped3A = tpu.sem_alloc : memref<!tpu.dma_semaphore, #tpu.memory_space<semaphore_mem>>
      %dma_start3A_28 = tpu.memref_slice %arg5[%mul3A_2] : memref<262144xi32, #tpu.memory_space<hbm>> -> memref<8192xi32, #tpu.memory_space<hbm>>
      %dma_start3A_29 = tpu.memref_slice %arg5[%mul3A_2] : memref<262144xi32, #tpu.memory_space<hbm>> -> memref<8192xi32, #tpu.memory_space<hbm>>
      tpu.enqueue_dma source(%dma_start3A_29 : memref<8192xi32, #tpu.memory_space<hbm>>) target(%arg11 : memref<8192xi32, #tpu.memory_space<vmem>>) target_semaphore(%run_scoped3A : memref<!tpu.dma_semaphore, #tpu.memory_space<semaphore_mem>>)
      %dma_wait3A = tpu.memref_slice %arg5[%mul3A_2] : memref<262144xi32, #tpu.memory_space<hbm>> -> memref<8192xi32, #tpu.memory_space<hbm>>
      %dma_wait3A_30 = tpu.memref_slice %arg5[%mul3A_2] : memref<262144xi32, #tpu.memory_space<hbm>> -> memref<8192xi32, #tpu.memory_space<hbm>>
      tpu.wait_dma2 semaphore(%run_scoped3A : memref<!tpu.dma_semaphore, #tpu.memory_space<semaphore_mem>>) src(%dma_wait3A_30 : memref<8192xi32, #tpu.memory_space<hbm>>) dst(%arg11 : memref<8192xi32, #tpu.memory_space<vmem>>)
      tpu.yield
    }) : () -> ()
    "tpu.region"() ({
      %run_scoped3A = tpu.sem_alloc : memref<!tpu.dma_semaphore, #tpu.memory_space<semaphore_mem>>
      %dma_start3A_28 = tpu.memref_slice %arg6[%mul3A_2] : memref<262144xf32, #tpu.memory_space<hbm>> -> memref<8192xf32, #tpu.memory_space<hbm>>
      %dma_start3A_29 = tpu.memref_slice %arg6[%mul3A_2] : memref<262144xf32, #tpu.memory_space<hbm>> -> memref<8192xf32, #tpu.memory_space<hbm>>
      tpu.enqueue_dma source(%dma_start3A_29 : memref<8192xf32, #tpu.memory_space<hbm>>) target(%arg12 : memref<8192xf32, #tpu.memory_space<vmem>>) target_semaphore(%run_scoped3A : memref<!tpu.dma_semaphore, #tpu.memory_space<semaphore_mem>>)
      %dma_wait3A = tpu.memref_slice %arg6[%mul3A_2] : memref<262144xf32, #tpu.memory_space<hbm>> -> memref<8192xf32, #tpu.memory_space<hbm>>
      %dma_wait3A_30 = tpu.memref_slice %arg6[%mul3A_2] : memref<262144xf32, #tpu.memory_space<hbm>> -> memref<8192xf32, #tpu.memory_space<hbm>>
      tpu.wait_dma2 semaphore(%run_scoped3A : memref<!tpu.dma_semaphore, #tpu.memory_space<semaphore_mem>>) src(%dma_wait3A_30 : memref<8192xf32, #tpu.memory_space<hbm>>) dst(%arg12 : memref<8192xf32, #tpu.memory_space<vmem>>)
      tpu.yield
    }) : () -> ()
    %dma_start3A = arith.constant 0 : i32
    %dma_start3A_3 = tpu.memref_slice %arg9[%dma_start3A] : memref<8192xi32, #tpu.memory_space<vmem>> -> memref<128xi32, #tpu.memory_space<vmem>>
    %dma_start3A_4 = arith.constant 0 : i32
    %dma_start3A_5 = arith.constant 0 : i32
    %dma_start3A_6 = tpu.memref_slice %arg2[%dma_start3A_4, %dma_start3A_5] : memref<16384x32xi32, #tpu.memory_space<hbm>> -> memref<16384x32xi32, #tpu.memory_space<hbm>>
    tpu.enqueue_indirect_dma source(%dma_start3A_6 : memref<16384x32xi32, #tpu.memory_space<hbm>>) target(%arg13 : memref<128x32xi32, #tpu.memory_space<vmem>>) offsets(%dma_start3A_3 : memref<128xi32, #tpu.memory_space<vmem>>) semaphore(%arg22 : memref<!tpu.dma_semaphore, #tpu.memory_space<semaphore_mem>>)
    %dma_start3A_7 = arith.constant 0 : i32
    %dma_start3A_8 = tpu.memref_slice %arg10[%dma_start3A_7] : memref<8192xi32, #tpu.memory_space<vmem>> -> memref<128xi32, #tpu.memory_space<vmem>>
    %dma_start3A_9 = arith.constant 0 : i32
    %dma_start3A_10 = arith.constant 0 : i32
    %dma_start3A_11 = tpu.memref_slice %arg2[%dma_start3A_9, %dma_start3A_10] : memref<16384x32xi32, #tpu.memory_space<hbm>> -> memref<16384x32xi32, #tpu.memory_space<hbm>>
    tpu.enqueue_indirect_dma source(%dma_start3A_11 : memref<16384x32xi32, #tpu.memory_space<hbm>>) target(%arg14 : memref<128x32xi32, #tpu.memory_space<vmem>>) offsets(%dma_start3A_8 : memref<128xi32, #tpu.memory_space<vmem>>) semaphore(%arg22 : memref<!tpu.dma_semaphore, #tpu.memory_space<semaphore_mem>>)
    %dma_start3A_12 = arith.constant 0 : i32
    %dma_start3A_13 = tpu.memref_slice %arg11[%dma_start3A_12] : memref<8192xi32, #tpu.memory_space<vmem>> -> memref<128xi32, #tpu.memory_space<vmem>>
    %dma_start3A_14 = arith.constant 0 : i32
    %dma_start3A_15 = arith.constant 0 : i32
    %dma_start3A_16 = tpu.memref_slice %arg2[%dma_start3A_14, %dma_start3A_15] : memref<16384x32xi32, #tpu.memory_space<hbm>> -> memref<16384x32xi32, #tpu.memory_space<hbm>>
    tpu.enqueue_indirect_dma source(%dma_start3A_16 : memref<16384x32xi32, #tpu.memory_space<hbm>>) target(%arg15 : memref<128x32xi32, #tpu.memory_space<vmem>>) offsets(%dma_start3A_13 : memref<128xi32, #tpu.memory_space<vmem>>) semaphore(%arg22 : memref<!tpu.dma_semaphore, #tpu.memory_space<semaphore_mem>>)
    %broadcast_in_dim3A = arith.constant 0.000000e+00 : f32
    %broadcast_in_dim3A_17 = vector.broadcast %broadcast_in_dim3A : f32 to vector<16xf32>
    %broadcast_in_dim3A_18 = arith.constant 0 : i32
    %broadcast_in_dim3A_19 = vector.broadcast %broadcast_in_dim3A_18 : i32 to vector<16xi32>
    %scan3A = arith.constant 0 : i32
    %scan3A_20 = arith.constant 32 : i32
    %scan3A_21 = arith.addi %scan3A, %scan3A_20 : i32
    %scan3A_22 = arith.constant 1 : i32
    %scan3A_23:2 = scf.for %scan3A_28 = %scan3A to %scan3A_21 step %scan3A_22 iter_args(%scan3A_29 = %broadcast_in_dim3A_17, %scan3A_30 = %broadcast_in_dim3A_19) -> (vector<16xf32>, vector<16xi32>)  : i32 {
      %mul3A_31 = arith.constant 2 : i32
      %mul3A_32 = arith.muli %mul3A_31, %scan3A_28 : i32
      %add3A_33 = arith.constant 1 : i32
      %add3A_34 = arith.addi %mul3A_32, %add3A_33 : i32
      %mul3A_35 = arith.constant 128 : i32
      %mul3A_36 = arith.muli %add3A_34, %mul3A_35 : i32
      %dma_start3A_37 = tpu.memref_slice %arg9[%mul3A_36] : memref<8192xi32, #tpu.memory_space<vmem>> -> memref<128xi32, #tpu.memory_space<vmem>>
      %dma_start3A_38 = arith.constant 0 : i32
      %dma_start3A_39 = arith.constant 0 : i32
      %dma_start3A_40 = tpu.memref_slice %arg2[%dma_start3A_38, %dma_start3A_39] : memref<16384x32xi32, #tpu.memory_space<hbm>> -> memref<16384x32xi32, #tpu.memory_space<hbm>>
      tpu.enqueue_indirect_dma source(%dma_start3A_40 : memref<16384x32xi32, #tpu.memory_space<hbm>>) target(%arg16 : memref<128x32xi32, #tpu.memory_space<vmem>>) offsets(%dma_start3A_37 : memref<128xi32, #tpu.memory_space<vmem>>) semaphore(%arg23 : memref<!tpu.dma_semaphore, #tpu.memory_space<semaphore_mem>>)
      %dma_start3A_41 = tpu.memref_slice %arg10[%mul3A_36] : memref<8192xi32, #tpu.memory_space<vmem>> -> memref<128xi32, #tpu.memory_space<vmem>>
      %dma_start3A_42 = arith.constant 0 : i32
      %dma_start3A_43 = arith.constant 0 : i32
      %dma_start3A_44 = tpu.memref_slice %arg2[%dma_start3A_42, %dma_start3A_43] : memref<16384x32xi32, #tpu.memory_space<hbm>> -> memref<16384x32xi32, #tpu.memory_space<hbm>>
      tpu.enqueue_indirect_dma source(%dma_start3A_44 : memref<16384x32xi32, #tpu.memory_space<hbm>>) target(%arg17 : memref<128x32xi32, #tpu.memory_space<vmem>>) offsets(%dma_start3A_41 : memref<128xi32, #tpu.memory_space<vmem>>) semaphore(%arg23 : memref<!tpu.dma_semaphore, #tpu.memory_space<semaphore_mem>>)
      %dma_start3A_45 = tpu.memref_slice %arg11[%mul3A_36] : memref<8192xi32, #tpu.memory_space<vmem>> -> memref<128xi32, #tpu.memory_space<vmem>>
      %dma_start3A_46 = arith.constant 0 : i32
      %dma_start3A_47 = arith.constant 0 : i32
      %dma_start3A_48 = tpu.memref_slice %arg2[%dma_start3A_46, %dma_start3A_47] : memref<16384x32xi32, #tpu.memory_space<hbm>> -> memref<16384x32xi32, #tpu.memory_space<hbm>>
      tpu.enqueue_indirect_dma source(%dma_start3A_48 : memref<16384x32xi32, #tpu.memory_space<hbm>>) target(%arg18 : memref<128x32xi32, #tpu.memory_space<vmem>>) offsets(%dma_start3A_45 : memref<128xi32, #tpu.memory_space<vmem>>) semaphore(%arg23 : memref<!tpu.dma_semaphore, #tpu.memory_space<semaphore_mem>>)
      %mul3A_49 = arith.constant 128 : i32
      %mul3A_50 = arith.muli %mul3A_32, %mul3A_49 : i32
      %dma_wait3A = tpu.memref_slice %arg9[%mul3A_50] : memref<8192xi32, #tpu.memory_space<vmem>> -> memref<128xi32, #tpu.memory_space<vmem>>
      %dma_wait3A_51 = arith.constant 0 : i32
      %dma_wait3A_52 = arith.constant 0 : i32
      %dma_wait3A_53 = tpu.memref_slice %arg2[%dma_wait3A_51, %dma_wait3A_52] : memref<16384x32xi32, #tpu.memory_space<hbm>> -> memref<16384x32xi32, #tpu.memory_space<hbm>>
      tpu.wait_indirect_dma semaphore(%arg22 : memref<!tpu.dma_semaphore, #tpu.memory_space<semaphore_mem>>) src(%dma_wait3A_53 : memref<16384x32xi32, #tpu.memory_space<hbm>>) dst(%arg13 : memref<128x32xi32, #tpu.memory_space<vmem>>)
      %dma_wait3A_54 = tpu.memref_slice %arg10[%mul3A_50] : memref<8192xi32, #tpu.memory_space<vmem>> -> memref<128xi32, #tpu.memory_space<vmem>>
      %dma_wait3A_55 = arith.constant 0 : i32
      %dma_wait3A_56 = arith.constant 0 : i32
      %dma_wait3A_57 = tpu.memref_slice %arg2[%dma_wait3A_55, %dma_wait3A_56] : memref<16384x32xi32, #tpu.memory_space<hbm>> -> memref<16384x32xi32, #tpu.memory_space<hbm>>
      tpu.wait_indirect_dma semaphore(%arg22 : memref<!tpu.dma_semaphore, #tpu.memory_space<semaphore_mem>>) src(%dma_wait3A_57 : memref<16384x32xi32, #tpu.memory_space<hbm>>) dst(%arg14 : memref<128x32xi32, #tpu.memory_space<vmem>>)
      %dma_wait3A_58 = tpu.memref_slice %arg11[%mul3A_50] : memref<8192xi32, #tpu.memory_space<vmem>> -> memref<128xi32, #tpu.memory_space<vmem>>
      %dma_wait3A_59 = arith.constant 0 : i32
      %dma_wait3A_60 = arith.constant 0 : i32
      %dma_wait3A_61 = tpu.memref_slice %arg2[%dma_wait3A_59, %dma_wait3A_60] : memref<16384x32xi32, #tpu.memory_space<hbm>> -> memref<16384x32xi32, #tpu.memory_space<hbm>>
      tpu.wait_indirect_dma semaphore(%arg22 : memref<!tpu.dma_semaphore, #tpu.memory_space<semaphore_mem>>) src(%dma_wait3A_61 : memref<16384x32xi32, #tpu.memory_space<hbm>>) dst(%arg15 : memref<128x32xi32, #tpu.memory_space<vmem>>)
      %mul3A_62 = arith.constant 128 : i32
      %mul3A_63 = arith.muli %mul3A_32, %mul3A_62 : i32
      %scan3A_64 = arith.constant 0 : i32
      %scan3A_65 = arith.constant 8 : i32
      %scan3A_66 = arith.addi %scan3A_64, %scan3A_65 : i32
      %scan3A_67 = arith.constant 1 : i32
      %scan3A_68:2 = scf.for %scan3A_98 = %scan3A_64 to %scan3A_66 step %scan3A_67 iter_args(%scan3A_99 = %scan3A_29, %scan3A_100 = %scan3A_30) -> (vector<16xf32>, vector<16xi32>)  : i32 {
        %mul3A_101 = arith.constant 16 : i32
        %mul3A_102 = arith.muli %scan3A_98, %mul3A_101 : i32
        %add3A_103 = arith.addi %mul3A_63, %mul3A_102 : i32
        %get3A = arith.index_cast %add3A_103 : i32 to index
        %get3A_104 = tpu.vector_load %arg12[%get3A] {strides = array<i32>} : memref<8192xf32, #tpu.memory_space<vmem>>, vector<16xf32>,
        %iota3A = tpu.iota {dimensions = array<i32: 0>} : vector<16xi32>
        %broadcast_in_dim3A_105 = arith.constant 0.000000e+00 : f32
        %broadcast_in_dim3A_106 = vector.broadcast %broadcast_in_dim3A_105 : f32 to vector<16xf32>
        %broadcast_in_dim3A_107 = arith.constant -65536 : i32
        %broadcast_in_dim3A_108 = vector.broadcast %broadcast_in_dim3A_107 : i32 to vector<16xi32>
        %mul3A_109 = arith.constant 16 : i32
        %mul3A_110 = arith.muli %scan3A_98, %mul3A_109 : i32
        %add3A_111 = arith.constant 0 : i32
        %add3A_112 = arith.addi %mul3A_110, %add3A_111 : i32
        %get3A_113 = arith.index_cast %add3A_112 : i32 to index
        %get3A_114 = arith.constant 0 : index
        %get3A_115 = tpu.vector_load %arg13[%get3A_113, %get3A_114] {strides = array<i32>} : memref<128x32xi32, #tpu.memory_space<vmem>>, vector<16xi32>,
        %get3A_116 = arith.index_cast %add3A_112 : i32 to index
        %get3A_117 = arith.constant 16 : index
        %get3A_118 = tpu.vector_load %arg13[%get3A_116, %get3A_117] {strides = array<i32>} : memref<128x32xi32, #tpu.memory_space<vmem>>, vector<16xi32>,
        %get3A_119 = arith.index_cast %add3A_112 : i32 to index
        %get3A_120 = arith.constant 0 : index
        %get3A_121 = tpu.vector_load %arg14[%get3A_119, %get3A_120] {strides = array<i32>} : memref<128x32xi32, #tpu.memory_space<vmem>>, vector<16xi32>,
        %get3A_122 = arith.index_cast %add3A_112 : i32 to index
        %get3A_123 = arith.constant 16 : index
        %get3A_124 = tpu.vector_load %arg14[%get3A_122, %get3A_123] {strides = array<i32>} : memref<128x32xi32, #tpu.memory_space<vmem>>, vector<16xi32>,
        %get3A_125 = arith.index_cast %add3A_112 : i32 to index
        %get3A_126 = arith.constant 0 : index
        %get3A_127 = tpu.vector_load %arg15[%get3A_125, %get3A_126] {strides = array<i32>} : memref<128x32xi32, #tpu.memory_space<vmem>>, vector<16xi32>,
        %get3A_128 = arith.index_cast %add3A_112 : i32 to index
        %get3A_129 = arith.constant 16 : index
        %get3A_130 = tpu.vector_load %arg15[%get3A_128, %get3A_129] {strides = array<i32>} : memref<128x32xi32, #tpu.memory_space<vmem>>, vector<16xi32>,
        %bitcast3A = vector.bitcast %get3A_115 : vector<16xi32> to vector<32xbf16>
        %bitcast3A_131 = vector.bitcast %get3A_127 : vector<16xi32> to vector<32xbf16>
        %bitcast3A_132 = vector.bitcast %get3A_121 : vector<16xi32> to vector<32xbf16>
        %sub3A = arith.subf %bitcast3A_131, %bitcast3A_132 : vector<32xbf16>
        %mul3A_133 = arith.mulf %bitcast3A, %sub3A : vector<32xbf16>
        %bitcast3A_134 = vector.bitcast %mul3A_133 : vector<32xbf16> to vector<16xi32>
        %bitcast3A_135 = vector.bitcast %get3A_118 : vector<16xi32> to vector<32xbf16>
        %bitcast3A_136 = vector.bitcast %get3A_130 : vector<16xi32> to vector<32xbf16>
        %bitcast3A_137 = vector.bitcast %get3A_124 : vector<16xi32> to vector<32xbf16>
        %sub3A_138 = arith.subf %bitcast3A_136, %bitcast3A_137 : vector<32xbf16>
        %mul3A_139 = arith.mulf %bitcast3A_135, %sub3A_138 : vector<32xbf16>
        %bitcast3A_140 = vector.bitcast %mul3A_139 : vector<32xbf16> to vector<16xi32>
        %shift_left3A = arith.constant 16 : i32
        %shift_left3A_141 = vector.broadcast %shift_left3A : i32 to vector<16xi32>
        %shift_left3A_142 = arith.shli %bitcast3A_134, %shift_left3A_141 : vector<16xi32>
        %bitcast3A_143 = vector.bitcast %shift_left3A_142 : vector<16xi32> to vector<16xf32>
        %and3A = arith.andi %bitcast3A_134, %broadcast_in_dim3A_108 : vector<16xi32>
        %bitcast3A_144 = vector.bitcast %and3A : vector<16xi32> to vector<16xf32>
        %shift_left3A_145 = arith.constant 16 : i32
        %shift_left3A_146 = vector.broadcast %shift_left3A_145 : i32 to vector<16xi32>
        %shift_left3A_147 = arith.shli %bitcast3A_140, %shift_left3A_146 : vector<16xi32>
        %bitcast3A_148 = vector.bitcast %shift_left3A_147 : vector<16xi32> to vector<16xf32>
        %and3A_149 = arith.andi %bitcast3A_140, %broadcast_in_dim3A_108 : vector<16xi32>
        %bitcast3A_150 = vector.bitcast %and3A_149 : vector<16xi32> to vector<16xf32>
        %add3A_151 = arith.addf %bitcast3A_143, %bitcast3A_144 : vector<16xf32>
        %add3A_152 = arith.addf %bitcast3A_148, %bitcast3A_150 : vector<16xf32>
        %add3A_153 = arith.addf %add3A_151, %add3A_152 : vector<16xf32>
        %swap3A_154 = arith.constant 0 : i32
        %swap3A_155 = arith.index_cast %swap3A_154 : i32 to index
        %swap3A_156 = arith.constant 0 : index
        %swap3A_157 = tpu.vector_load %arg19[%swap3A_155, %swap3A_156] {strides = array<i32>} : memref<16x16xf32, #tpu.memory_space<vmem>>, vector<16xf32>,
        tpu.vector_store %arg19[%swap3A_155, %swap3A_156], %add3A_153 {strides = array<i32>} : memref<16x16xf32, #tpu.memory_space<vmem>>, vector<16xf32>,
        %mul3A_158 = arith.constant 16 : i32
        %mul3A_159 = arith.muli %scan3A_98, %mul3A_158 : i32
        %add3A_160 = arith.constant 1 : i32
        %add3A_161 = arith.addi %mul3A_159, %add3A_160 : i32
        %get3A_162 = arith.index_cast %add3A_161 : i32 to index
        %get3A_163 = arith.constant 0 : index
        %get3A_164 = tpu.vector_load %arg13[%get3A_162, %get3A_163] {strides = array<i32>} : memref<128x32xi32, #tpu.memory_space<vmem>>, vector<16xi32>,
        %get3A_165 = arith.index_cast %add3A_161 : i32 to index
        %get3A_166 = arith.constant 16 : index
        %get3A_167 = tpu.vector_load %arg13[%get3A_165, %get3A_166] {strides = array<i32>} : memref<128x32xi32, #tpu.memory_space<vmem>>, vector<16xi32>,
        %get3A_168 = arith.index_cast %add3A_161 : i32 to index
        %get3A_169 = arith.constant 0 : index
        %get3A_170 = tpu.vector_load %arg14[%get3A_168, %get3A_169] {strides = array<i32>} : memref<128x32xi32, #tpu.memory_space<vmem>>, vector<16xi32>,
        %get3A_171 = arith.index_cast %add3A_161 : i32 to index
        %get3A_172 = arith.constant 16 : index
        %get3A_173 = tpu.vector_load %arg14[%get3A_171, %get3A_172] {strides = array<i32>} : memref<128x32xi32, #tpu.memory_space<vmem>>, vector<16xi32>,
        %get3A_174 = arith.index_cast %add3A_161 : i32 to index
        %get3A_175 = arith.constant 0 : index
        %get3A_176 = tpu.vector_load %arg15[%get3A_174, %get3A_175] {strides = array<i32>} : memref<128x32xi32, #tpu.memory_space<vmem>>, vector<16xi32>,
        %get3A_177 = arith.index_cast %add3A_161 : i32 to index
        %get3A_178 = arith.constant 16 : index
        %get3A_179 = tpu.vector_load %arg15[%get3A_177, %get3A_178] {strides = array<i32>} : memref<128x32xi32, #tpu.memory_space<vmem>>, vector<16xi32>,
        %bitcast3A_180 = vector.bitcast %get3A_164 : vector<16xi32> to vector<32xbf16>
        %bitcast3A_181 = vector.bitcast %get3A_176 : vector<16xi32> to vector<32xbf16>
        %bitcast3A_182 = vector.bitcast %get3A_170 : vector<16xi32> to vector<32xbf16>
        %sub3A_183 = arith.subf %bitcast3A_181, %bitcast3A_182 : vector<32xbf16>
        %mul3A_184 = arith.mulf %bitcast3A_180, %sub3A_183 : vector<32xbf16>
        %bitcast3A_185 = vector.bitcast %mul3A_184 : vector<32xbf16> to vector<16xi32>
        %bitcast3A_186 = vector.bitcast %get3A_167 : vector<16xi32> to vector<32xbf16>
        %bitcast3A_187 = vector.bitcast %get3A_179 : vector<16xi32> to vector<32xbf16>
        %bitcast3A_188 = vector.bitcast %get3A_173 : vector<16xi32> to vector<32xbf16>
        %sub3A_189 = arith.subf %bitcast3A_187, %bitcast3A_188 : vector<32xbf16>
        %mul3A_190 = arith.mulf %bitcast3A_186, %sub3A_189 : vector<32xbf16>
        %bitcast3A_191 = vector.bitcast %mul3A_190 : vector<32xbf16> to vector<16xi32>
        %shift_left3A_192 = arith.constant 16 : i32
        %shift_left3A_193 = vector.broadcast %shift_left3A_192 : i32 to vector<16xi32>
        %shift_left3A_194 = arith.shli %bitcast3A_185, %shift_left3A_193 : vector<16xi32>
        %bitcast3A_195 = vector.bitcast %shift_left3A_194 : vector<16xi32> to vector<16xf32>
        %and3A_196 = arith.andi %bitcast3A_185, %broadcast_in_dim3A_108 : vector<16xi32>
        %bitcast3A_197 = vector.bitcast %and3A_196 : vector<16xi32> to vector<16xf32>
        %shift_left3A_198 = arith.constant 16 : i32
        %shift_left3A_199 = vector.broadcast %shift_left3A_198 : i32 to vector<16xi32>
        %shift_left3A_200 = arith.shli %bitcast3A_191, %shift_left3A_199 : vector<16xi32>
        %bitcast3A_201 = vector.bitcast %shift_left3A_200 : vector<16xi32> to vector<16xf32>
        %and3A_202 = arith.andi %bitcast3A_191, %broadcast_in_dim3A_108 : vector<16xi32>
        %bitcast3A_203 = vector.bitcast %and3A_202 : vector<16xi32> to vector<16xf32>
        %add3A_204 = arith.addf %bitcast3A_195, %bitcast3A_197 : vector<16xf32>
        %add3A_205 = arith.addf %bitcast3A_201, %bitcast3A_203 : vector<16xf32>
        %add3A_206 = arith.addf %add3A_204, %add3A_205 : vector<16xf32>
        %swap3A_207 = arith.constant 1 : i32
        %swap3A_208 = arith.index_cast %swap3A_207 : i32 to index
        %swap3A_209 = arith.constant 0 : index
        %swap3A_210 = tpu.vector_load %arg19[%swap3A_208, %swap3A_209] {strides = array<i32>} : memref<16x16xf32, #tpu.memory_space<vmem>>, vector<16xf32>,
        tpu.vector_store %arg19[%swap3A_208, %swap3A_209], %add3A_206 {strides = array<i32>} : memref<16x16xf32, #tpu.memory_space<vmem>>, vector<16xf32>,
        %mul3A_211 = arith.constant 16 : i32
        %mul3A_212 = arith.muli %scan3A_98, %mul3A_211 : i32
        %add3A_213 = arith.constant 2 : i32
        %add3A_214 = arith.addi %mul3A_212, %add3A_213 : i32
        %get3A_215 = arith.index_cast %add3A_214 : i32 to index
        %get3A_216 = arith.constant 0 : index
        %get3A_217 = tpu.vector_load %arg13[%get3A_215, %get3A_216] {strides = array<i32>} : memref<128x32xi32, #tpu.memory_space<vmem>>, vector<16xi32>,
        %get3A_218 = arith.index_cast %add3A_214 : i32 to index
        %get3A_219 = arith.constant 16 : index
        %get3A_220 = tpu.vector_load %arg13[%get3A_218, %get3A_219] {strides = array<i32>} : memref<128x32xi32, #tpu.memory_space<vmem>>, vector<16xi32>,
        %get3A_221 = arith.index_cast %add3A_214 : i32 to index
        %get3A_222 = arith.constant 0 : index
        %get3A_223 = tpu.vector_load %arg14[%get3A_221, %get3A_222] {strides = array<i32>} : memref<128x32xi32, #tpu.memory_space<vmem>>, vector<16xi32>,
        %get3A_224 = arith.index_cast %add3A_214 : i32 to index
        %get3A_225 = arith.constant 16 : index
        %get3A_226 = tpu.vector_load %arg14[%get3A_224, %get3A_225] {strides = array<i32>} : memref<128x32xi32, #tpu.memory_space<vmem>>, vector<16xi32>,
        %get3A_227 = arith.index_cast %add3A_214 : i32 to index
        %get3A_228 = arith.constant 0 : index
        %get3A_229 = tpu.vector_load %arg15[%get3A_227, %get3A_228] {strides = array<i32>} : memref<128x32xi32, #tpu.memory_space<vmem>>, vector<16xi32>,
        %get3A_230 = arith.index_cast %add3A_214 : i32 to index
        %get3A_231 = arith.constant 16 : index
        %get3A_232 = tpu.vector_load %arg15[%get3A_230, %get3A_231] {strides = array<i32>} : memref<128x32xi32, #tpu.memory_space<vmem>>, vector<16xi32>,
        %bitcast3A_233 = vector.bitcast %get3A_217 : vector<16xi32> to vector<32xbf16>
        %bitcast3A_234 = vector.bitcast %get3A_229 : vector<16xi32> to vector<32xbf16>
        %bitcast3A_235 = vector.bitcast %get3A_223 : vector<16xi32> to vector<32xbf16>
        %sub3A_236 = arith.subf %bitcast3A_234, %bitcast3A_235 : vector<32xbf16>
        %mul3A_237 = arith.mulf %bitcast3A_233, %sub3A_236 : vector<32xbf16>
        %bitcast3A_238 = vector.bitcast %mul3A_237 : vector<32xbf16> to vector<16xi32>
        %bitcast3A_239 = vector.bitcast %get3A_220 : vector<16xi32> to vector<32xbf16>
        %bitcast3A_240 = vector.bitcast %get3A_232 : vector<16xi32> to vector<32xbf16>
        %bitcast3A_241 = vector.bitcast %get3A_226 : vector<16xi32> to vector<32xbf16>
        %sub3A_242 = arith.subf %bitcast3A_240, %bitcast3A_241 : vector<32xbf16>
        %mul3A_243 = arith.mulf %bitcast3A_239, %sub3A_242 : vector<32xbf16>
        %bitcast3A_244 = vector.bitcast %mul3A_243 : vector<32xbf16> to vector<16xi32>
        %shift_left3A_245 = arith.constant 16 : i32
        %shift_left3A_246 = vector.broadcast %shift_left3A_245 : i32 to vector<16xi32>
        %shift_left3A_247 = arith.shli %bitcast3A_238, %shift_left3A_246 : vector<16xi32>
        %bitcast3A_248 = vector.bitcast %shift_left3A_247 : vector<16xi32> to vector<16xf32>
        %and3A_249 = arith.andi %bitcast3A_238, %broadcast_in_dim3A_108 : vector<16xi32>
        %bitcast3A_250 = vector.bitcast %and3A_249 : vector<16xi32> to vector<16xf32>
        %shift_left3A_251 = arith.constant 16 : i32
        %shift_left3A_252 = vector.broadcast %shift_left3A_251 : i32 to vector<16xi32>
        %shift_left3A_253 = arith.shli %bitcast3A_244, %shift_left3A_252 : vector<16xi32>
        %bitcast3A_254 = vector.bitcast %shift_left3A_253 : vector<16xi32> to vector<16xf32>
        %and3A_255 = arith.andi %bitcast3A_244, %broadcast_in_dim3A_108 : vector<16xi32>
        %bitcast3A_256 = vector.bitcast %and3A_255 : vector<16xi32> to vector<16xf32>
        %add3A_257 = arith.addf %bitcast3A_248, %bitcast3A_250 : vector<16xf32>
        %add3A_258 = arith.addf %bitcast3A_254, %bitcast3A_256 : vector<16xf32>
        %add3A_259 = arith.addf %add3A_257, %add3A_258 : vector<16xf32>
        %swap3A_260 = arith.constant 2 : i32
        %swap3A_261 = arith.index_cast %swap3A_260 : i32 to index
        %swap3A_262 = arith.constant 0 : index
        %swap3A_263 = tpu.vector_load %arg19[%swap3A_261, %swap3A_262] {strides = array<i32>} : memref<16x16xf32, #tpu.memory_space<vmem>>, vector<16xf32>,
        tpu.vector_store %arg19[%swap3A_261, %swap3A_262], %add3A_259 {strides = array<i32>} : memref<16x16xf32, #tpu.memory_space<vmem>>, vector<16xf32>,
        %mul3A_264 = arith.constant 16 : i32
        %mul3A_265 = arith.muli %scan3A_98, %mul3A_264 : i32
        %add3A_266 = arith.constant 3 : i32
        %add3A_267 = arith.addi %mul3A_265, %add3A_266 : i32
        %get3A_268 = arith.index_cast %add3A_267 : i32 to index
        %get3A_269 = arith.constant 0 : index
        %get3A_270 = tpu.vector_load %arg13[%get3A_268, %get3A_269] {strides = array<i32>} : memref<128x32xi32, #tpu.memory_space<vmem>>, vector<16xi32>,
        %get3A_271 = arith.index_cast %add3A_267 : i32 to index
        %get3A_272 = arith.constant 16 : index
        %get3A_273 = tpu.vector_load %arg13[%get3A_271, %get3A_272] {strides = array<i32>} : memref<128x32xi32, #tpu.memory_space<vmem>>, vector<16xi32>,
        %get3A_274 = arith.index_cast %add3A_267 : i32 to index
        %get3A_275 = arith.constant 0 : index
        %get3A_276 = tpu.vector_load %arg14[%get3A_274, %get3A_275] {strides = array<i32>} : memref<128x32xi32, #tpu.memory_space<vmem>>, vector<16xi32>,
        %get3A_277 = arith.index_cast %add3A_267 : i32 to index
        %get3A_278 = arith.constant 16 : index
        %get3A_279 = tpu.vector_load %arg14[%get3A_277, %get3A_278] {strides = array<i32>} : memref<128x32xi32, #tpu.memory_space<vmem>>, vector<16xi32>,
        %get3A_280 = arith.index_cast %add3A_267 : i32 to index
        %get3A_281 = arith.constant 0 : index
        %get3A_282 = tpu.vector_load %arg15[%get3A_280, %get3A_281] {strides = array<i32>} : memref<128x32xi32, #tpu.memory_space<vmem>>, vector<16xi32>,
        %get3A_283 = arith.index_cast %add3A_267 : i32 to index
        %get3A_284 = arith.constant 16 : index
        %get3A_285 = tpu.vector_load %arg15[%get3A_283, %get3A_284] {strides = array<i32>} : memref<128x32xi32, #tpu.memory_space<vmem>>, vector<16xi32>,
        %bitcast3A_286 = vector.bitcast %get3A_270 : vector<16xi32> to vector<32xbf16>
        %bitcast3A_287 = vector.bitcast %get3A_282 : vector<16xi32> to vector<32xbf16>
        %bitcast3A_288 = vector.bitcast %get3A_276 : vector<16xi32> to vector<32xbf16>
        %sub3A_289 = arith.subf %bitcast3A_287, %bitcast3A_288 : vector<32xbf16>
        %mul3A_290 = arith.mulf %bitcast3A_286, %sub3A_289 : vector<32xbf16>
        %bitcast3A_291 = vector.bitcast %mul3A_290 : vector<32xbf16> to vector<16xi32>
        %bitcast3A_292 = vector.bitcast %get3A_273 : vector<16xi32> to vector<32xbf16>
        %bitcast3A_293 = vector.bitcast %get3A_285 : vector<16xi32> to vector<32xbf16>
        %bitcast3A_294 = vector.bitcast %get3A_279 : vector<16xi32> to vector<32xbf16>
        %sub3A_295 = arith.subf %bitcast3A_293, %bitcast3A_294 : vector<32xbf16>
        %mul3A_296 = arith.mulf %bitcast3A_292, %sub3A_295 : vector<32xbf16>
        %bitcast3A_297 = vector.bitcast %mul3A_296 : vector<32xbf16> to vector<16xi32>
        %shift_left3A_298 = arith.constant 16 : i32
        %shift_left3A_299 = vector.broadcast %shift_left3A_298 : i32 to vector<16xi32>
        %shift_left3A_300 = arith.shli %bitcast3A_291, %shift_left3A_299 : vector<16xi32>
        %bitcast3A_301 = vector.bitcast %shift_left3A_300 : vector<16xi32> to vector<16xf32>
        %and3A_302 = arith.andi %bitcast3A_291, %broadcast_in_dim3A_108 : vector<16xi32>
        %bitcast3A_303 = vector.bitcast %and3A_302 : vector<16xi32> to vector<16xf32>
        %shift_left3A_304 = arith.constant 16 : i32
        %shift_left3A_305 = vector.broadcast %shift_left3A_304 : i32 to vector<16xi32>
        %shift_left3A_306 = arith.shli %bitcast3A_297, %shift_left3A_305 : vector<16xi32>
        %bitcast3A_307 = vector.bitcast %shift_left3A_306 : vector<16xi32> to vector<16xf32>
        %and3A_308 = arith.andi %bitcast3A_297, %broadcast_in_dim3A_108 : vector<16xi32>
        %bitcast3A_309 = vector.bitcast %and3A_308 : vector<16xi32> to vector<16xf32>
        %add3A_310 = arith.addf %bitcast3A_301, %bitcast3A_303 : vector<16xf32>
        %add3A_311 = arith.addf %bitcast3A_307, %bitcast3A_309 : vector<16xf32>
        %add3A_312 = arith.addf %add3A_310, %add3A_311 : vector<16xf32>
        %swap3A_313 = arith.constant 3 : i32
        %swap3A_314 = arith.index_cast %swap3A_313 : i32 to index
        %swap3A_315 = arith.constant 0 : index
        %swap3A_316 = tpu.vector_load %arg19[%swap3A_314, %swap3A_315] {strides = array<i32>} : memref<16x16xf32, #tpu.memory_space<vmem>>, vector<16xf32>,
        tpu.vector_store %arg19[%swap3A_314, %swap3A_315], %add3A_312 {strides = array<i32>} : memref<16x16xf32, #tpu.memory_space<vmem>>, vector<16xf32>,
        %mul3A_317 = arith.constant 16 : i32
        %mul3A_318 = arith.muli %scan3A_98, %mul3A_317 : i32
        %add3A_319 = arith.constant 4 : i32
        %add3A_320 = arith.addi %mul3A_318, %add3A_319 : i32
        %get3A_321 = arith.index_cast %add3A_320 : i32 to index
        %get3A_322 = arith.constant 0 : index
        %get3A_323 = tpu.vector_load %arg13[%get3A_321, %get3A_322] {strides = array<i32>} : memref<128x32xi32, #tpu.memory_space<vmem>>, vector<16xi32>,
        %get3A_324 = arith.index_cast %add3A_320 : i32 to index
        %get3A_325 = arith.constant 16 : index
        %get3A_326 = tpu.vector_load %arg13[%get3A_324, %get3A_325] {strides = array<i32>} : memref<128x32xi32, #tpu.memory_space<vmem>>, vector<16xi32>,
        %get3A_327 = arith.index_cast %add3A_320 : i32 to index
        %get3A_328 = arith.constant 0 : index
        %get3A_329 = tpu.vector_load %arg14[%get3A_327, %get3A_328] {strides = array<i32>} : memref<128x32xi32, #tpu.memory_space<vmem>>, vector<16xi32>,
        %get3A_330 = arith.index_cast %add3A_320 : i32 to index
        %get3A_331 = arith.constant 16 : index
        %get3A_332 = tpu.vector_load %arg14[%get3A_330, %get3A_331] {strides = array<i32>} : memref<128x32xi32, #tpu.memory_space<vmem>>, vector<16xi32>,
        %get3A_333 = arith.index_cast %add3A_320 : i32 to index
        %get3A_334 = arith.constant 0 : index
        %get3A_335 = tpu.vector_load %arg15[%get3A_333, %get3A_334] {strides = array<i32>} : memref<128x32xi32, #tpu.memory_space<vmem>>, vector<16xi32>,
        %get3A_336 = arith.index_cast %add3A_320 : i32 to index
        %get3A_337 = arith.constant 16 : index
        %get3A_338 = tpu.vector_load %arg15[%get3A_336, %get3A_337] {strides = array<i32>} : memref<128x32xi32, #tpu.memory_space<vmem>>, vector<16xi32>,
        %bitcast3A_339 = vector.bitcast %get3A_323 : vector<16xi32> to vector<32xbf16>
        %bitcast3A_340 = vector.bitcast %get3A_335 : vector<16xi32> to vector<32xbf16>
        %bitcast3A_341 = vector.bitcast %get3A_329 : vector<16xi32> to vector<32xbf16>
        %sub3A_342 = arith.subf %bitcast3A_340, %bitcast3A_341 : vector<32xbf16>
        %mul3A_343 = arith.mulf %bitcast3A_339, %sub3A_342 : vector<32xbf16>
        %bitcast3A_344 = vector.bitcast %mul3A_343 : vector<32xbf16> to vector<16xi32>
        %bitcast3A_345 = vector.bitcast %get3A_326 : vector<16xi32> to vector<32xbf16>
        %bitcast3A_346 = vector.bitcast %get3A_338 : vector<16xi32> to vector<32xbf16>
        %bitcast3A_347 = vector.bitcast %get3A_332 : vector<16xi32> to vector<32xbf16>
        %sub3A_348 = arith.subf %bitcast3A_346, %bitcast3A_347 : vector<32xbf16>
        %mul3A_349 = arith.mulf %bitcast3A_345, %sub3A_348 : vector<32xbf16>
        %bitcast3A_350 = vector.bitcast %mul3A_349 : vector<32xbf16> to vector<16xi32>
        %shift_left3A_351 = arith.constant 16 : i32
        %shift_left3A_352 = vector.broadcast %shift_left3A_351 : i32 to vector<16xi32>
        %shift_left3A_353 = arith.shli %bitcast3A_344, %shift_left3A_352 : vector<16xi32>
        %bitcast3A_354 = vector.bitcast %shift_left3A_353 : vector<16xi32> to vector<16xf32>
        %and3A_355 = arith.andi %bitcast3A_344, %broadcast_in_dim3A_108 : vector<16xi32>
        %bitcast3A_356 = vector.bitcast %and3A_355 : vector<16xi32> to vector<16xf32>
        %shift_left3A_357 = arith.constant 16 : i32
        %shift_left3A_358 = vector.broadcast %shift_left3A_357 : i32 to vector<16xi32>
        %shift_left3A_359 = arith.shli %bitcast3A_350, %shift_left3A_358 : vector<16xi32>
        %bitcast3A_360 = vector.bitcast %shift_left3A_359 : vector<16xi32> to vector<16xf32>
        %and3A_361 = arith.andi %bitcast3A_350, %broadcast_in_dim3A_108 : vector<16xi32>
        %bitcast3A_362 = vector.bitcast %and3A_361 : vector<16xi32> to vector<16xf32>
        %add3A_363 = arith.addf %bitcast3A_354, %bitcast3A_356 : vector<16xf32>
        %add3A_364 = arith.addf %bitcast3A_360, %bitcast3A_362 : vector<16xf32>
        %add3A_365 = arith.addf %add3A_363, %add3A_364 : vector<16xf32>
        %swap3A_366 = arith.constant 4 : i32
        %swap3A_367 = arith.index_cast %swap3A_366 : i32 to index
        %swap3A_368 = arith.constant 0 : index
        %swap3A_369 = tpu.vector_load %arg19[%swap3A_367, %swap3A_368] {strides = array<i32>} : memref<16x16xf32, #tpu.memory_space<vmem>>, vector<16xf32>,
        tpu.vector_store %arg19[%swap3A_367, %swap3A_368], %add3A_365 {strides = array<i32>} : memref<16x16xf32, #tpu.memory_space<vmem>>, vector<16xf32>,
        %mul3A_370 = arith.constant 16 : i32
        %mul3A_371 = arith.muli %scan3A_98, %mul3A_370 : i32
        %add3A_372 = arith.constant 5 : i32
        %add3A_373 = arith.addi %mul3A_371, %add3A_372 : i32
        %get3A_374 = arith.index_cast %add3A_373 : i32 to index
        %get3A_375 = arith.constant 0 : index
        %get3A_376 = tpu.vector_load %arg13[%get3A_374, %get3A_375] {strides = array<i32>} : memref<128x32xi32, #tpu.memory_space<vmem>>, vector<16xi32>,
        %get3A_377 = arith.index_cast %add3A_373 : i32 to index
        %get3A_378 = arith.constant 16 : index
        %get3A_379 = tpu.vector_load %arg13[%get3A_377, %get3A_378] {strides = array<i32>} : memref<128x32xi32, #tpu.memory_space<vmem>>, vector<16xi32>,
        %get3A_380 = arith.index_cast %add3A_373 : i32 to index
        %get3A_381 = arith.constant 0 : index
        %get3A_382 = tpu.vector_load %arg14[%get3A_380, %get3A_381] {strides = array<i32>} : memref<128x32xi32, #tpu.memory_space<vmem>>, vector<16xi32>,
        %get3A_383 = arith.index_cast %add3A_373 : i32 to index
        %get3A_384 = arith.constant 16 : index
        %get3A_385 = tpu.vector_load %arg14[%get3A_383, %get3A_384] {strides = array<i32>} : memref<128x32xi32, #tpu.memory_space<vmem>>, vector<16xi32>,
        %get3A_386 = arith.index_cast %add3A_373 : i32 to index
        %get3A_387 = arith.constant 0 : index
        %get3A_388 = tpu.vector_load %arg15[%get3A_386, %get3A_387] {strides = array<i32>} : memref<128x32xi32, #tpu.memory_space<vmem>>, vector<16xi32>,
        %get3A_389 = arith.index_cast %add3A_373 : i32 to index
        %get3A_390 = arith.constant 16 : index
        %get3A_391 = tpu.vector_load %arg15[%get3A_389, %get3A_390] {strides = array<i32>} : memref<128x32xi32, #tpu.memory_space<vmem>>, vector<16xi32>,
        %bitcast3A_392 = vector.bitcast %get3A_376 : vector<16xi32> to vector<32xbf16>
        %bitcast3A_393 = vector.bitcast %get3A_388 : vector<16xi32> to vector<32xbf16>
        %bitcast3A_394 = vector.bitcast %get3A_382 : vector<16xi32> to vector<32xbf16>
        %sub3A_395 = arith.subf %bitcast3A_393, %bitcast3A_394 : vector<32xbf16>
        %mul3A_396 = arith.mulf %bitcast3A_392, %sub3A_395 : vector<32xbf16>
        %bitcast3A_397 = vector.bitcast %mul3A_396 : vector<32xbf16> to vector<16xi32>
        %bitcast3A_398 = vector.bitcast %get3A_379 : vector<16xi32> to vector<32xbf16>
        %bitcast3A_399 = vector.bitcast %get3A_391 : vector<16xi32> to vector<32xbf16>
        %bitcast3A_400 = vector.bitcast %get3A_385 : vector<16xi32> to vector<32xbf16>
        %sub3A_401 = arith.subf %bitcast3A_399, %bitcast3A_400 : vector<32xbf16>
        %mul3A_402 = arith.mulf %bitcast3A_398, %sub3A_401 : vector<32xbf16>
        %bitcast3A_403 = vector.bitcast %mul3A_402 : vector<32xbf16> to vector<16xi32>
        %shift_left3A_404 = arith.constant 16 : i32
        %shift_left3A_405 = vector.broadcast %shift_left3A_404 : i32 to vector<16xi32>
        %shift_left3A_406 = arith.shli %bitcast3A_397, %shift_left3A_405 : vector<16xi32>
        %bitcast3A_407 = vector.bitcast %shift_left3A_406 : vector<16xi32> to vector<16xf32>
        %and3A_408 = arith.andi %bitcast3A_397, %broadcast_in_dim3A_108 : vector<16xi32>
        %bitcast3A_409 = vector.bitcast %and3A_408 : vector<16xi32> to vector<16xf32>
        %shift_left3A_410 = arith.constant 16 : i32
        %shift_left3A_411 = vector.broadcast %shift_left3A_410 : i32 to vector<16xi32>
        %shift_left3A_412 = arith.shli %bitcast3A_403, %shift_left3A_411 : vector<16xi32>
        %bitcast3A_413 = vector.bitcast %shift_left3A_412 : vector<16xi32> to vector<16xf32>
        %and3A_414 = arith.andi %bitcast3A_403, %broadcast_in_dim3A_108 : vector<16xi32>
        %bitcast3A_415 = vector.bitcast %and3A_414 : vector<16xi32> to vector<16xf32>
        %add3A_416 = arith.addf %bitcast3A_407, %bitcast3A_409 : vector<16xf32>
        %add3A_417 = arith.addf %bitcast3A_413, %bitcast3A_415 : vector<16xf32>
        %add3A_418 = arith.addf %add3A_416, %add3A_417 : vector<16xf32>
        %swap3A_419 = arith.constant 5 : i32
        %swap3A_420 = arith.index_cast %swap3A_419 : i32 to index
        %swap3A_421 = arith.constant 0 : index
        %swap3A_422 = tpu.vector_load %arg19[%swap3A_420, %swap3A_421] {strides = array<i32>} : memref<16x16xf32, #tpu.memory_space<vmem>>, vector<16xf32>,
        tpu.vector_store %arg19[%swap3A_420, %swap3A_421], %add3A_418 {strides = array<i32>} : memref<16x16xf32, #tpu.memory_space<vmem>>, vector<16xf32>,
        %mul3A_423 = arith.constant 16 : i32
        %mul3A_424 = arith.muli %scan3A_98, %mul3A_423 : i32
        %add3A_425 = arith.constant 6 : i32
        %add3A_426 = arith.addi %mul3A_424, %add3A_425 : i32
        %get3A_427 = arith.index_cast %add3A_426 : i32 to index
        %get3A_428 = arith.constant 0 : index
        %get3A_429 = tpu.vector_load %arg13[%get3A_427, %get3A_428] {strides = array<i32>} : memref<128x32xi32, #tpu.memory_space<vmem>>, vector<16xi32>,
        %get3A_430 = arith.index_cast %add3A_426 : i32 to index
        %get3A_431 = arith.constant 16 : index
        %get3A_432 = tpu.vector_load %arg13[%get3A_430, %get3A_431] {strides = array<i32>} : memref<128x32xi32, #tpu.memory_space<vmem>>, vector<16xi32>,
        %get3A_433 = arith.index_cast %add3A_426 : i32 to index
        %get3A_434 = arith.constant 0 : index
        %get3A_435 = tpu.vector_load %arg14[%get3A_433, %get3A_434] {strides = array<i32>} : memref<128x32xi32, #tpu.memory_space<vmem>>, vector<16xi32>,
        %get3A_436 = arith.index_cast %add3A_426 : i32 to index
        %get3A_437 = arith.constant 16 : index
        %get3A_438 = tpu.vector_load %arg14[%get3A_436, %get3A_437] {strides = array<i32>} : memref<128x32xi32, #tpu.memory_space<vmem>>, vector<16xi32>,
        %get3A_439 = arith.index_cast %add3A_426 : i32 to index
        %get3A_440 = arith.constant 0 : index
        %get3A_441 = tpu.vector_load %arg15[%get3A_439, %get3A_440] {strides = array<i32>} : memref<128x32xi32, #tpu.memory_space<vmem>>, vector<16xi32>,
        %get3A_442 = arith.index_cast %add3A_426 : i32 to index
        %get3A_443 = arith.constant 16 : index
        %get3A_444 = tpu.vector_load %arg15[%get3A_442, %get3A_443] {strides = array<i32>} : memref<128x32xi32, #tpu.memory_space<vmem>>, vector<16xi32>,
        %bitcast3A_445 = vector.bitcast %get3A_429 : vector<16xi32> to vector<32xbf16>
        %bitcast3A_446 = vector.bitcast %get3A_441 : vector<16xi32> to vector<32xbf16>
        %bitcast3A_447 = vector.bitcast %get3A_435 : vector<16xi32> to vector<32xbf16>
        %sub3A_448 = arith.subf %bitcast3A_446, %bitcast3A_447 : vector<32xbf16>
        %mul3A_449 = arith.mulf %bitcast3A_445, %sub3A_448 : vector<32xbf16>
        %bitcast3A_450 = vector.bitcast %mul3A_449 : vector<32xbf16> to vector<16xi32>
        %bitcast3A_451 = vector.bitcast %get3A_432 : vector<16xi32> to vector<32xbf16>
        %bitcast3A_452 = vector.bitcast %get3A_444 : vector<16xi32> to vector<32xbf16>
        %bitcast3A_453 = vector.bitcast %get3A_438 : vector<16xi32> to vector<32xbf16>
        %sub3A_454 = arith.subf %bitcast3A_452, %bitcast3A_453 : vector<32xbf16>
        %mul3A_455 = arith.mulf %bitcast3A_451, %sub3A_454 : vector<32xbf16>
        %bitcast3A_456 = vector.bitcast %mul3A_455 : vector<32xbf16> to vector<16xi32>
        %shift_left3A_457 = arith.constant 16 : i32
        %shift_left3A_458 = vector.broadcast %shift_left3A_457 : i32 to vector<16xi32>
        %shift_left3A_459 = arith.shli %bitcast3A_450, %shift_left3A_458 : vector<16xi32>
        %bitcast3A_460 = vector.bitcast %shift_left3A_459 : vector<16xi32> to vector<16xf32>
        %and3A_461 = arith.andi %bitcast3A_450, %broadcast_in_dim3A_108 : vector<16xi32>
        %bitcast3A_462 = vector.bitcast %and3A_461 : vector<16xi32> to vector<16xf32>
        %shift_left3A_463 = arith.constant 16 : i32
        %shift_left3A_464 = vector.broadcast %shift_left3A_463 : i32 to vector<16xi32>
        %shift_left3A_465 = arith.shli %bitcast3A_456, %shift_left3A_464 : vector<16xi32>
        %bitcast3A_466 = vector.bitcast %shift_left3A_465 : vector<16xi32> to vector<16xf32>
        %and3A_467 = arith.andi %bitcast3A_456, %broadcast_in_dim3A_108 : vector<16xi32>
        %bitcast3A_468 = vector.bitcast %and3A_467 : vector<16xi32> to vector<16xf32>
        %add3A_469 = arith.addf %bitcast3A_460, %bitcast3A_462 : vector<16xf32>
        %add3A_470 = arith.addf %bitcast3A_466, %bitcast3A_468 : vector<16xf32>
        %add3A_471 = arith.addf %add3A_469, %add3A_470 : vector<16xf32>
        %swap3A_472 = arith.constant 6 : i32
        %swap3A_473 = arith.index_cast %swap3A_472 : i32 to index
        %swap3A_474 = arith.constant 0 : index
        %swap3A_475 = tpu.vector_load %arg19[%swap3A_473, %swap3A_474] {strides = array<i32>} : memref<16x16xf32, #tpu.memory_space<vmem>>, vector<16xf32>,
        tpu.vector_store %arg19[%swap3A_473, %swap3A_474], %add3A_471 {strides = array<i32>} : memref<16x16xf32, #tpu.memory_space<vmem>>, vector<16xf32>,
        %mul3A_476 = arith.constant 16 : i32
        %mul3A_477 = arith.muli %scan3A_98, %mul3A_476 : i32
        %add3A_478 = arith.constant 7 : i32
        %add3A_479 = arith.addi %mul3A_477, %add3A_478 : i32
        %get3A_480 = arith.index_cast %add3A_479 : i32 to index
        %get3A_481 = arith.constant 0 : index
        %get3A_482 = tpu.vector_load %arg13[%get3A_480, %get3A_481] {strides = array<i32>} : memref<128x32xi32, #tpu.memory_space<vmem>>, vector<16xi32>,
        %get3A_483 = arith.index_cast %add3A_479 : i32 to index
        %get3A_484 = arith.constant 16 : index
        %get3A_485 = tpu.vector_load %arg13[%get3A_483, %get3A_484] {strides = array<i32>} : memref<128x32xi32, #tpu.memory_space<vmem>>, vector<16xi32>,
        %get3A_486 = arith.index_cast %add3A_479 : i32 to index
        %get3A_487 = arith.constant 0 : index
        %get3A_488 = tpu.vector_load %arg14[%get3A_486, %get3A_487] {strides = array<i32>} : memref<128x32xi32, #tpu.memory_space<vmem>>, vector<16xi32>,
        %get3A_489 = arith.index_cast %add3A_479 : i32 to index
        %get3A_490 = arith.constant 16 : index
        %get3A_491 = tpu.vector_load %arg14[%get3A_489, %get3A_490] {strides = array<i32>} : memref<128x32xi32, #tpu.memory_space<vmem>>, vector<16xi32>,
        %get3A_492 = arith.index_cast %add3A_479 : i32 to index
        %get3A_493 = arith.constant 0 : index
        %get3A_494 = tpu.vector_load %arg15[%get3A_492, %get3A_493] {strides = array<i32>} : memref<128x32xi32, #tpu.memory_space<vmem>>, vector<16xi32>,
        %get3A_495 = arith.index_cast %add3A_479 : i32 to index
        %get3A_496 = arith.constant 16 : index
        %get3A_497 = tpu.vector_load %arg15[%get3A_495, %get3A_496] {strides = array<i32>} : memref<128x32xi32, #tpu.memory_space<vmem>>, vector<16xi32>,
        %bitcast3A_498 = vector.bitcast %get3A_482 : vector<16xi32> to vector<32xbf16>
        %bitcast3A_499 = vector.bitcast %get3A_494 : vector<16xi32> to vector<32xbf16>
        %bitcast3A_500 = vector.bitcast %get3A_488 : vector<16xi32> to vector<32xbf16>
        %sub3A_501 = arith.subf %bitcast3A_499, %bitcast3A_500 : vector<32xbf16>
        %mul3A_502 = arith.mulf %bitcast3A_498, %sub3A_501 : vector<32xbf16>
        %bitcast3A_503 = vector.bitcast %mul3A_502 : vector<32xbf16> to vector<16xi32>
        %bitcast3A_504 = vector.bitcast %get3A_485 : vector<16xi32> to vector<32xbf16>
        %bitcast3A_505 = vector.bitcast %get3A_497 : vector<16xi32> to vector<32xbf16>
        %bitcast3A_506 = vector.bitcast %get3A_491 : vector<16xi32> to vector<32xbf16>
        %sub3A_507 = arith.subf %bitcast3A_505, %bitcast3A_506 : vector<32xbf16>
        %mul3A_508 = arith.mulf %bitcast3A_504, %sub3A_507 : vector<32xbf16>
        %bitcast3A_509 = vector.bitcast %mul3A_508 : vector<32xbf16> to vector<16xi32>
        %shift_left3A_510 = arith.constant 16 : i32
        %shift_left3A_511 = vector.broadcast %shift_left3A_510 : i32 to vector<16xi32>
        %shift_left3A_512 = arith.shli %bitcast3A_503, %shift_left3A_511 : vector<16xi32>
        %bitcast3A_513 = vector.bitcast %shift_left3A_512 : vector<16xi32> to vector<16xf32>
        %and3A_514 = arith.andi %bitcast3A_503, %broadcast_in_dim3A_108 : vector<16xi32>
        %bitcast3A_515 = vector.bitcast %and3A_514 : vector<16xi32> to vector<16xf32>
        %shift_left3A_516 = arith.constant 16 : i32
        %shift_left3A_517 = vector.broadcast %shift_left3A_516 : i32 to vector<16xi32>
        %shift_left3A_518 = arith.shli %bitcast3A_509, %shift_left3A_517 : vector<16xi32>
        %bitcast3A_519 = vector.bitcast %shift_left3A_518 : vector<16xi32> to vector<16xf32>
        %and3A_520 = arith.andi %bitcast3A_509, %broadcast_in_dim3A_108 : vector<16xi32>
        %bitcast3A_521 = vector.bitcast %and3A_520 : vector<16xi32> to vector<16xf32>
        %add3A_522 = arith.addf %bitcast3A_513, %bitcast3A_515 : vector<16xf32>
        %add3A_523 = arith.addf %bitcast3A_519, %bitcast3A_521 : vector<16xf32>
        %add3A_524 = arith.addf %add3A_522, %add3A_523 : vector<16xf32>
        %swap3A_525 = arith.constant 7 : i32
        %swap3A_526 = arith.index_cast %swap3A_525 : i32 to index
        %swap3A_527 = arith.constant 0 : index
        %swap3A_528 = tpu.vector_load %arg19[%swap3A_526, %swap3A_527] {strides = array<i32>} : memref<16x16xf32, #tpu.memory_space<vmem>>, vector<16xf32>,
        tpu.vector_store %arg19[%swap3A_526, %swap3A_527], %add3A_524 {strides = array<i32>} : memref<16x16xf32, #tpu.memory_space<vmem>>, vector<16xf32>,
        %mul3A_529 = arith.constant 16 : i32
        %mul3A_530 = arith.muli %scan3A_98, %mul3A_529 : i32
        %add3A_531 = arith.constant 8 : i32
        %add3A_532 = arith.addi %mul3A_530, %add3A_531 : i32
        %get3A_533 = arith.index_cast %add3A_532 : i32 to index
        %get3A_534 = arith.constant 0 : index
        %get3A_535 = tpu.vector_load %arg13[%get3A_533, %get3A_534] {strides = array<i32>} : memref<128x32xi32, #tpu.memory_space<vmem>>, vector<16xi32>,
        %get3A_536 = arith.index_cast %add3A_532 : i32 to index
        %get3A_537 = arith.constant 16 : index
        %get3A_538 = tpu.vector_load %arg13[%get3A_536, %get3A_537] {strides = array<i32>} : memref<128x32xi32, #tpu.memory_space<vmem>>, vector<16xi32>,
        %get3A_539 = arith.index_cast %add3A_532 : i32 to index
        %get3A_540 = arith.constant 0 : index
        %get3A_541 = tpu.vector_load %arg14[%get3A_539, %get3A_540] {strides = array<i32>} : memref<128x32xi32, #tpu.memory_space<vmem>>, vector<16xi32>,
        %get3A_542 = arith.index_cast %add3A_532 : i32 to index
        %get3A_543 = arith.constant 16 : index
        %get3A_544 = tpu.vector_load %arg14[%get3A_542, %get3A_543] {strides = array<i32>} : memref<128x32xi32, #tpu.memory_space<vmem>>, vector<16xi32>,
        %get3A_545 = arith.index_cast %add3A_532 : i32 to index
        %get3A_546 = arith.constant 0 : index
        %get3A_547 = tpu.vector_load %arg15[%get3A_545, %get3A_546] {strides = array<i32>} : memref<128x32xi32, #tpu.memory_space<vmem>>, vector<16xi32>,
        %get3A_548 = arith.index_cast %add3A_532 : i32 to index
        %get3A_549 = arith.constant 16 : index
        %get3A_550 = tpu.vector_load %arg15[%get3A_548, %get3A_549] {strides = array<i32>} : memref<128x32xi32, #tpu.memory_space<vmem>>, vector<16xi32>,
        %bitcast3A_551 = vector.bitcast %get3A_535 : vector<16xi32> to vector<32xbf16>
        %bitcast3A_552 = vector.bitcast %get3A_547 : vector<16xi32> to vector<32xbf16>
        %bitcast3A_553 = vector.bitcast %get3A_541 : vector<16xi32> to vector<32xbf16>
        %sub3A_554 = arith.subf %bitcast3A_552, %bitcast3A_553 : vector<32xbf16>
        %mul3A_555 = arith.mulf %bitcast3A_551, %sub3A_554 : vector<32xbf16>
        %bitcast3A_556 = vector.bitcast %mul3A_555 : vector<32xbf16> to vector<16xi32>
        %bitcast3A_557 = vector.bitcast %get3A_538 : vector<16xi32> to vector<32xbf16>
        %bitcast3A_558 = vector.bitcast %get3A_550 : vector<16xi32> to vector<32xbf16>
        %bitcast3A_559 = vector.bitcast %get3A_544 : vector<16xi32> to vector<32xbf16>
        %sub3A_560 = arith.subf %bitcast3A_558, %bitcast3A_559 : vector<32xbf16>
        %mul3A_561 = arith.mulf %bitcast3A_557, %sub3A_560 : vector<32xbf16>
        %bitcast3A_562 = vector.bitcast %mul3A_561 : vector<32xbf16> to vector<16xi32>
        %shift_left3A_563 = arith.constant 16 : i32
        %shift_left3A_564 = vector.broadcast %shift_left3A_563 : i32 to vector<16xi32>
        %shift_left3A_565 = arith.shli %bitcast3A_556, %shift_left3A_564 : vector<16xi32>
        %bitcast3A_566 = vector.bitcast %shift_left3A_565 : vector<16xi32> to vector<16xf32>
        %and3A_567 = arith.andi %bitcast3A_556, %broadcast_in_dim3A_108 : vector<16xi32>
        %bitcast3A_568 = vector.bitcast %and3A_567 : vector<16xi32> to vector<16xf32>
        %shift_left3A_569 = arith.constant 16 : i32
        %shift_left3A_570 = vector.broadcast %shift_left3A_569 : i32 to vector<16xi32>
        %shift_left3A_571 = arith.shli %bitcast3A_562, %shift_left3A_570 : vector<16xi32>
        %bitcast3A_572 = vector.bitcast %shift_left3A_571 : vector<16xi32> to vector<16xf32>
        %and3A_573 = arith.andi %bitcast3A_562, %broadcast_in_dim3A_108 : vector<16xi32>
        %bitcast3A_574 = vector.bitcast %and3A_573 : vector<16xi32> to vector<16xf32>
        %add3A_575 = arith.addf %bitcast3A_566, %bitcast3A_568 : vector<16xf32>
        %add3A_576 = arith.addf %bitcast3A_572, %bitcast3A_574 : vector<16xf32>
        %add3A_577 = arith.addf %add3A_575, %add3A_576 : vector<16xf32>
        %swap3A_578 = arith.constant 8 : i32
        %swap3A_579 = arith.index_cast %swap3A_578 : i32 to index
        %swap3A_580 = arith.constant 0 : index
        %swap3A_581 = tpu.vector_load %arg19[%swap3A_579, %swap3A_580] {strides = array<i32>} : memref<16x16xf32, #tpu.memory_space<vmem>>, vector<16xf32>,
        tpu.vector_store %arg19[%swap3A_579, %swap3A_580], %add3A_577 {strides = array<i32>} : memref<16x16xf32, #tpu.memory_space<vmem>>, vector<16xf32>,
        %mul3A_582 = arith.constant 16 : i32
        %mul3A_583 = arith.muli %scan3A_98, %mul3A_582 : i32
        %add3A_584 = arith.constant 9 : i32
        %add3A_585 = arith.addi %mul3A_583, %add3A_584 : i32
        %get3A_586 = arith.index_cast %add3A_585 : i32 to index
        %get3A_587 = arith.constant 0 : index
        %get3A_588 = tpu.vector_load %arg13[%get3A_586, %get3A_587] {strides = array<i32>} : memref<128x32xi32, #tpu.memory_space<vmem>>, vector<16xi32>,
        %get3A_589 = arith.index_cast %add3A_585 : i32 to index
        %get3A_590 = arith.constant 16 : index
        %get3A_591 = tpu.vector_load %arg13[%get3A_589, %get3A_590] {strides = array<i32>} : memref<128x32xi32, #tpu.memory_space<vmem>>, vector<16xi32>,
        %get3A_592 = arith.index_cast %add3A_585 : i32 to index
        %get3A_593 = arith.constant 0 : index
        %get3A_594 = tpu.vector_load %arg14[%get3A_592, %get3A_593] {strides = array<i32>} : memref<128x32xi32, #tpu.memory_space<vmem>>, vector<16xi32>,
        %get3A_595 = arith.index_cast %add3A_585 : i32 to index
        %get3A_596 = arith.constant 16 : index
        %get3A_597 = tpu.vector_load %arg14[%get3A_595, %get3A_596] {strides = array<i32>} : memref<128x32xi32, #tpu.memory_space<vmem>>, vector<16xi32>,
        %get3A_598 = arith.index_cast %add3A_585 : i32 to index
        %get3A_599 = arith.constant 0 : index
        %get3A_600 = tpu.vector_load %arg15[%get3A_598, %get3A_599] {strides = array<i32>} : memref<128x32xi32, #tpu.memory_space<vmem>>, vector<16xi32>,
        %get3A_601 = arith.index_cast %add3A_585 : i32 to index
        %get3A_602 = arith.constant 16 : index
        %get3A_603 = tpu.vector_load %arg15[%get3A_601, %get3A_602] {strides = array<i32>} : memref<128x32xi32, #tpu.memory_space<vmem>>, vector<16xi32>,
        %bitcast3A_604 = vector.bitcast %get3A_588 : vector<16xi32> to vector<32xbf16>
        %bitcast3A_605 = vector.bitcast %get3A_600 : vector<16xi32> to vector<32xbf16>
        %bitcast3A_606 = vector.bitcast %get3A_594 : vector<16xi32> to vector<32xbf16>
        %sub3A_607 = arith.subf %bitcast3A_605, %bitcast3A_606 : vector<32xbf16>
        %mul3A_608 = arith.mulf %bitcast3A_604, %sub3A_607 : vector<32xbf16>
        %bitcast3A_609 = vector.bitcast %mul3A_608 : vector<32xbf16> to vector<16xi32>
        %bitcast3A_610 = vector.bitcast %get3A_591 : vector<16xi32> to vector<32xbf16>
        %bitcast3A_611 = vector.bitcast %get3A_603 : vector<16xi32> to vector<32xbf16>
        %bitcast3A_612 = vector.bitcast %get3A_597 : vector<16xi32> to vector<32xbf16>
        %sub3A_613 = arith.subf %bitcast3A_611, %bitcast3A_612 : vector<32xbf16>
        %mul3A_614 = arith.mulf %bitcast3A_610, %sub3A_613 : vector<32xbf16>
        %bitcast3A_615 = vector.bitcast %mul3A_614 : vector<32xbf16> to vector<16xi32>
        %shift_left3A_616 = arith.constant 16 : i32
        %shift_left3A_617 = vector.broadcast %shift_left3A_616 : i32 to vector<16xi32>
        %shift_left3A_618 = arith.shli %bitcast3A_609, %shift_left3A_617 : vector<16xi32>
        %bitcast3A_619 = vector.bitcast %shift_left3A_618 : vector<16xi32> to vector<16xf32>
        %and3A_620 = arith.andi %bitcast3A_609, %broadcast_in_dim3A_108 : vector<16xi32>
        %bitcast3A_621 = vector.bitcast %and3A_620 : vector<16xi32> to vector<16xf32>
        %shift_left3A_622 = arith.constant 16 : i32
        %shift_left3A_623 = vector.broadcast %shift_left3A_622 : i32 to vector<16xi32>
        %shift_left3A_624 = arith.shli %bitcast3A_615, %shift_left3A_623 : vector<16xi32>
        %bitcast3A_625 = vector.bitcast %shift_left3A_624 : vector<16xi32> to vector<16xf32>
        %and3A_626 = arith.andi %bitcast3A_615, %broadcast_in_dim3A_108 : vector<16xi32>
        %bitcast3A_627 = vector.bitcast %and3A_626 : vector<16xi32> to vector<16xf32>
        %add3A_628 = arith.addf %bitcast3A_619, %bitcast3A_621 : vector<16xf32>
        %add3A_629 = arith.addf %bitcast3A_625, %bitcast3A_627 : vector<16xf32>
        %add3A_630 = arith.addf %add3A_628, %add3A_629 : vector<16xf32>
        %swap3A_631 = arith.constant 9 : i32
        %swap3A_632 = arith.index_cast %swap3A_631 : i32 to index
        %swap3A_633 = arith.constant 0 : index
        %swap3A_634 = tpu.vector_load %arg19[%swap3A_632, %swap3A_633] {strides = array<i32>} : memref<16x16xf32, #tpu.memory_space<vmem>>, vector<16xf32>,
        tpu.vector_store %arg19[%swap3A_632, %swap3A_633], %add3A_630 {strides = array<i32>} : memref<16x16xf32, #tpu.memory_space<vmem>>, vector<16xf32>,
        %mul3A_635 = arith.constant 16 : i32
        %mul3A_636 = arith.muli %scan3A_98, %mul3A_635 : i32
        %add3A_637 = arith.constant 10 : i32
        %add3A_638 = arith.addi %mul3A_636, %add3A_637 : i32
        %get3A_639 = arith.index_cast %add3A_638 : i32 to index
        %get3A_640 = arith.constant 0 : index
        %get3A_641 = tpu.vector_load %arg13[%get3A_639, %get3A_640] {strides = array<i32>} : memref<128x32xi32, #tpu.memory_space<vmem>>, vector<16xi32>,
        %get3A_642 = arith.index_cast %add3A_638 : i32 to index
        %get3A_643 = arith.constant 16 : index
        %get3A_644 = tpu.vector_load %arg13[%get3A_642, %get3A_643] {strides = array<i32>} : memref<128x32xi32, #tpu.memory_space<vmem>>, vector<16xi32>,
        %get3A_645 = arith.index_cast %add3A_638 : i32 to index
        %get3A_646 = arith.constant 0 : index
        %get3A_647 = tpu.vector_load %arg14[%get3A_645, %get3A_646] {strides = array<i32>} : memref<128x32xi32, #tpu.memory_space<vmem>>, vector<16xi32>,
        %get3A_648 = arith.index_cast %add3A_638 : i32 to index
        %get3A_649 = arith.constant 16 : index
        %get3A_650 = tpu.vector_load %arg14[%get3A_648, %get3A_649] {strides = array<i32>} : memref<128x32xi32, #tpu.memory_space<vmem>>, vector<16xi32>,
        %get3A_651 = arith.index_cast %add3A_638 : i32 to index
        %get3A_652 = arith.constant 0 : index
        %get3A_653 = tpu.vector_load %arg15[%get3A_651, %get3A_652] {strides = array<i32>} : memref<128x32xi32, #tpu.memory_space<vmem>>, vector<16xi32>,
        %get3A_654 = arith.index_cast %add3A_638 : i32 to index
        %get3A_655 = arith.constant 16 : index
        %get3A_656 = tpu.vector_load %arg15[%get3A_654, %get3A_655] {strides = array<i32>} : memref<128x32xi32, #tpu.memory_space<vmem>>, vector<16xi32>,
        %bitcast3A_657 = vector.bitcast %get3A_641 : vector<16xi32> to vector<32xbf16>
        %bitcast3A_658 = vector.bitcast %get3A_653 : vector<16xi32> to vector<32xbf16>
        %bitcast3A_659 = vector.bitcast %get3A_647 : vector<16xi32> to vector<32xbf16>
        %sub3A_660 = arith.subf %bitcast3A_658, %bitcast3A_659 : vector<32xbf16>
        %mul3A_661 = arith.mulf %bitcast3A_657, %sub3A_660 : vector<32xbf16>
        %bitcast3A_662 = vector.bitcast %mul3A_661 : vector<32xbf16> to vector<16xi32>
        %bitcast3A_663 = vector.bitcast %get3A_644 : vector<16xi32> to vector<32xbf16>
        %bitcast3A_664 = vector.bitcast %get3A_656 : vector<16xi32> to vector<32xbf16>
        %bitcast3A_665 = vector.bitcast %get3A_650 : vector<16xi32> to vector<32xbf16>
        %sub3A_666 = arith.subf %bitcast3A_664, %bitcast3A_665 : vector<32xbf16>
        %mul3A_667 = arith.mulf %bitcast3A_663, %sub3A_666 : vector<32xbf16>
        %bitcast3A_668 = vector.bitcast %mul3A_667 : vector<32xbf16> to vector<16xi32>
        %shift_left3A_669 = arith.constant 16 : i32
        %shift_left3A_670 = vector.broadcast %shift_left3A_669 : i32 to vector<16xi32>
        %shift_left3A_671 = arith.shli %bitcast3A_662, %shift_left3A_670 : vector<16xi32>
        %bitcast3A_672 = vector.bitcast %shift_left3A_671 : vector<16xi32> to vector<16xf32>
        %and3A_673 = arith.andi %bitcast3A_662, %broadcast_in_dim3A_108 : vector<16xi32>
        %bitcast3A_674 = vector.bitcast %and3A_673 : vector<16xi32> to vector<16xf32>
        %shift_left3A_675 = arith.constant 16 : i32
        %shift_left3A_676 = vector.broadcast %shift_left3A_675 : i32 to vector<16xi32>
        %shift_left3A_677 = arith.shli %bitcast3A_668, %shift_left3A_676 : vector<16xi32>
        %bitcast3A_678 = vector.bitcast %shift_left3A_677 : vector<16xi32> to vector<16xf32>
        %and3A_679 = arith.andi %bitcast3A_668, %broadcast_in_dim3A_108 : vector<16xi32>
        %bitcast3A_680 = vector.bitcast %and3A_679 : vector<16xi32> to vector<16xf32>
        %add3A_681 = arith.addf %bitcast3A_672, %bitcast3A_674 : vector<16xf32>
        %add3A_682 = arith.addf %bitcast3A_678, %bitcast3A_680 : vector<16xf32>
        %add3A_683 = arith.addf %add3A_681, %add3A_682 : vector<16xf32>
        %swap3A_684 = arith.constant 10 : i32
        %swap3A_685 = arith.index_cast %swap3A_684 : i32 to index
        %swap3A_686 = arith.constant 0 : index
        %swap3A_687 = tpu.vector_load %arg19[%swap3A_685, %swap3A_686] {strides = array<i32>} : memref<16x16xf32, #tpu.memory_space<vmem>>, vector<16xf32>,
        tpu.vector_store %arg19[%swap3A_685, %swap3A_686], %add3A_683 {strides = array<i32>} : memref<16x16xf32, #tpu.memory_space<vmem>>, vector<16xf32>,
        %mul3A_688 = arith.constant 16 : i32
        %mul3A_689 = arith.muli %scan3A_98, %mul3A_688 : i32
        %add3A_690 = arith.constant 11 : i32
        %add3A_691 = arith.addi %mul3A_689, %add3A_690 : i32
        %get3A_692 = arith.index_cast %add3A_691 : i32 to index
        %get3A_693 = arith.constant 0 : index
        %get3A_694 = tpu.vector_load %arg13[%get3A_692, %get3A_693] {strides = array<i32>} : memref<128x32xi32, #tpu.memory_space<vmem>>, vector<16xi32>,
        %get3A_695 = arith.index_cast %add3A_691 : i32 to index
        %get3A_696 = arith.constant 16 : index
        %get3A_697 = tpu.vector_load %arg13[%get3A_695, %get3A_696] {strides = array<i32>} : memref<128x32xi32, #tpu.memory_space<vmem>>, vector<16xi32>,
        %get3A_698 = arith.index_cast %add3A_691 : i32 to index
        %get3A_699 = arith.constant 0 : index
        %get3A_700 = tpu.vector_load %arg14[%get3A_698, %get3A_699] {strides = array<i32>} : memref<128x32xi32, #tpu.memory_space<vmem>>, vector<16xi32>,
        %get3A_701 = arith.index_cast %add3A_691 : i32 to index
        %get3A_702 = arith.constant 16 : index
        %get3A_703 = tpu.vector_load %arg14[%get3A_701, %get3A_702] {strides = array<i32>} : memref<128x32xi32, #tpu.memory_space<vmem>>, vector<16xi32>,
        %get3A_704 = arith.index_cast %add3A_691 : i32 to index
        %get3A_705 = arith.constant 0 : index
        %get3A_706 = tpu.vector_load %arg15[%get3A_704, %get3A_705] {strides = array<i32>} : memref<128x32xi32, #tpu.memory_space<vmem>>, vector<16xi32>,
        %get3A_707 = arith.index_cast %add3A_691 : i32 to index
        %get3A_708 = arith.constant 16 : index
        %get3A_709 = tpu.vector_load %arg15[%get3A_707, %get3A_708] {strides = array<i32>} : memref<128x32xi32, #tpu.memory_space<vmem>>, vector<16xi32>,
        %bitcast3A_710 = vector.bitcast %get3A_694 : vector<16xi32> to vector<32xbf16>
        %bitcast3A_711 = vector.bitcast %get3A_706 : vector<16xi32> to vector<32xbf16>
        %bitcast3A_712 = vector.bitcast %get3A_700 : vector<16xi32> to vector<32xbf16>
        %sub3A_713 = arith.subf %bitcast3A_711, %bitcast3A_712 : vector<32xbf16>
        %mul3A_714 = arith.mulf %bitcast3A_710, %sub3A_713 : vector<32xbf16>
        %bitcast3A_715 = vector.bitcast %mul3A_714 : vector<32xbf16> to vector<16xi32>
        %bitcast3A_716 = vector.bitcast %get3A_697 : vector<16xi32> to vector<32xbf16>
        %bitcast3A_717 = vector.bitcast %get3A_709 : vector<16xi32> to vector<32xbf16>
        %bitcast3A_718 = vector.bitcast %get3A_703 : vector<16xi32> to vector<32xbf16>
        %sub3A_719 = arith.subf %bitcast3A_717, %bitcast3A_718 : vector<32xbf16>
        %mul3A_720 = arith.mulf %bitcast3A_716, %sub3A_719 : vector<32xbf16>
        %bitcast3A_721 = vector.bitcast %mul3A_720 : vector<32xbf16> to vector<16xi32>
        %shift_left3A_722 = arith.constant 16 : i32
        %shift_left3A_723 = vector.broadcast %shift_left3A_722 : i32 to vector<16xi32>
        %shift_left3A_724 = arith.shli %bitcast3A_715, %shift_left3A_723 : vector<16xi32>
        %bitcast3A_725 = vector.bitcast %shift_left3A_724 : vector<16xi32> to vector<16xf32>
        %and3A_726 = arith.andi %bitcast3A_715, %broadcast_in_dim3A_108 : vector<16xi32>
        %bitcast3A_727 = vector.bitcast %and3A_726 : vector<16xi32> to vector<16xf32>
        %shift_left3A_728 = arith.constant 16 : i32
        %shift_left3A_729 = vector.broadcast %shift_left3A_728 : i32 to vector<16xi32>
        %shift_left3A_730 = arith.shli %bitcast3A_721, %shift_left3A_729 : vector<16xi32>
        %bitcast3A_731 = vector.bitcast %shift_left3A_730 : vector<16xi32> to vector<16xf32>
        %and3A_732 = arith.andi %bitcast3A_721, %broadcast_in_dim3A_108 : vector<16xi32>
        %bitcast3A_733 = vector.bitcast %and3A_732 : vector<16xi32> to vector<16xf32>
        %add3A_734 = arith.addf %bitcast3A_725, %bitcast3A_727 : vector<16xf32>
        %add3A_735 = arith.addf %bitcast3A_731, %bitcast3A_733 : vector<16xf32>
        %add3A_736 = arith.addf %add3A_734, %add3A_735 : vector<16xf32>
        %swap3A_737 = arith.constant 11 : i32
        %swap3A_738 = arith.index_cast %swap3A_737 : i32 to index
        %swap3A_739 = arith.constant 0 : index
        %swap3A_740 = tpu.vector_load %arg19[%swap3A_738, %swap3A_739] {strides = array<i32>} : memref<16x16xf32, #tpu.memory_space<vmem>>, vector<16xf32>,
        tpu.vector_store %arg19[%swap3A_738, %swap3A_739], %add3A_736 {strides = array<i32>} : memref<16x16xf32, #tpu.memory_space<vmem>>, vector<16xf32>,
        %mul3A_741 = arith.constant 16 : i32
        %mul3A_742 = arith.muli %scan3A_98, %mul3A_741 : i32
        %add3A_743 = arith.constant 12 : i32
        %add3A_744 = arith.addi %mul3A_742, %add3A_743 : i32
        %get3A_745 = arith.index_cast %add3A_744 : i32 to index
        %get3A_746 = arith.constant 0 : index
        %get3A_747 = tpu.vector_load %arg13[%get3A_745, %get3A_746] {strides = array<i32>} : memref<128x32xi32, #tpu.memory_space<vmem>>, vector<16xi32>,
        %get3A_748 = arith.index_cast %add3A_744 : i32 to index
        %get3A_749 = arith.constant 16 : index
        %get3A_750 = tpu.vector_load %arg13[%get3A_748, %get3A_749] {strides = array<i32>} : memref<128x32xi32, #tpu.memory_space<vmem>>, vector<16xi32>,
        %get3A_751 = arith.index_cast %add3A_744 : i32 to index
        %get3A_752 = arith.constant 0 : index
        %get3A_753 = tpu.vector_load %arg14[%get3A_751, %get3A_752] {strides = array<i32>} : memref<128x32xi32, #tpu.memory_space<vmem>>, vector<16xi32>,
        %get3A_754 = arith.index_cast %add3A_744 : i32 to index
        %get3A_755 = arith.constant 16 : index
        %get3A_756 = tpu.vector_load %arg14[%get3A_754, %get3A_755] {strides = array<i32>} : memref<128x32xi32, #tpu.memory_space<vmem>>, vector<16xi32>,
        %get3A_757 = arith.index_cast %add3A_744 : i32 to index
        %get3A_758 = arith.constant 0 : index
        %get3A_759 = tpu.vector_load %arg15[%get3A_757, %get3A_758] {strides = array<i32>} : memref<128x32xi32, #tpu.memory_space<vmem>>, vector<16xi32>,
        %get3A_760 = arith.index_cast %add3A_744 : i32 to index
        %get3A_761 = arith.constant 16 : index
        %get3A_762 = tpu.vector_load %arg15[%get3A_760, %get3A_761] {strides = array<i32>} : memref<128x32xi32, #tpu.memory_space<vmem>>, vector<16xi32>,
        %bitcast3A_763 = vector.bitcast %get3A_747 : vector<16xi32> to vector<32xbf16>
        %bitcast3A_764 = vector.bitcast %get3A_759 : vector<16xi32> to vector<32xbf16>
        %bitcast3A_765 = vector.bitcast %get3A_753 : vector<16xi32> to vector<32xbf16>
        %sub3A_766 = arith.subf %bitcast3A_764, %bitcast3A_765 : vector<32xbf16>
        %mul3A_767 = arith.mulf %bitcast3A_763, %sub3A_766 : vector<32xbf16>
        %bitcast3A_768 = vector.bitcast %mul3A_767 : vector<32xbf16> to vector<16xi32>
        %bitcast3A_769 = vector.bitcast %get3A_750 : vector<16xi32> to vector<32xbf16>
        %bitcast3A_770 = vector.bitcast %get3A_762 : vector<16xi32> to vector<32xbf16>
        %bitcast3A_771 = vector.bitcast %get3A_756 : vector<16xi32> to vector<32xbf16>
        %sub3A_772 = arith.subf %bitcast3A_770, %bitcast3A_771 : vector<32xbf16>
        %mul3A_773 = arith.mulf %bitcast3A_769, %sub3A_772 : vector<32xbf16>
        %bitcast3A_774 = vector.bitcast %mul3A_773 : vector<32xbf16> to vector<16xi32>
        %shift_left3A_775 = arith.constant 16 : i32
        %shift_left3A_776 = vector.broadcast %shift_left3A_775 : i32 to vector<16xi32>
        %shift_left3A_777 = arith.shli %bitcast3A_768, %shift_left3A_776 : vector<16xi32>
        %bitcast3A_778 = vector.bitcast %shift_left3A_777 : vector<16xi32> to vector<16xf32>
        %and3A_779 = arith.andi %bitcast3A_768, %broadcast_in_dim3A_108 : vector<16xi32>
        %bitcast3A_780 = vector.bitcast %and3A_779 : vector<16xi32> to vector<16xf32>
        %shift_left3A_781 = arith.constant 16 : i32
        %shift_left3A_782 = vector.broadcast %shift_left3A_781 : i32 to vector<16xi32>
        %shift_left3A_783 = arith.shli %bitcast3A_774, %shift_left3A_782 : vector<16xi32>
        %bitcast3A_784 = vector.bitcast %shift_left3A_783 : vector<16xi32> to vector<16xf32>
        %and3A_785 = arith.andi %bitcast3A_774, %broadcast_in_dim3A_108 : vector<16xi32>
        %bitcast3A_786 = vector.bitcast %and3A_785 : vector<16xi32> to vector<16xf32>
        %add3A_787 = arith.addf %bitcast3A_778, %bitcast3A_780 : vector<16xf32>
        %add3A_788 = arith.addf %bitcast3A_784, %bitcast3A_786 : vector<16xf32>
        %add3A_789 = arith.addf %add3A_787, %add3A_788 : vector<16xf32>
        %swap3A_790 = arith.constant 12 : i32
        %swap3A_791 = arith.index_cast %swap3A_790 : i32 to index
        %swap3A_792 = arith.constant 0 : index
        %swap3A_793 = tpu.vector_load %arg19[%swap3A_791, %swap3A_792] {strides = array<i32>} : memref<16x16xf32, #tpu.memory_space<vmem>>, vector<16xf32>,
        tpu.vector_store %arg19[%swap3A_791, %swap3A_792], %add3A_789 {strides = array<i32>} : memref<16x16xf32, #tpu.memory_space<vmem>>, vector<16xf32>,
        %mul3A_794 = arith.constant 16 : i32
        %mul3A_795 = arith.muli %scan3A_98, %mul3A_794 : i32
        %add3A_796 = arith.constant 13 : i32
        %add3A_797 = arith.addi %mul3A_795, %add3A_796 : i32
        %get3A_798 = arith.index_cast %add3A_797 : i32 to index
        %get3A_799 = arith.constant 0 : index
        %get3A_800 = tpu.vector_load %arg13[%get3A_798, %get3A_799] {strides = array<i32>} : memref<128x32xi32, #tpu.memory_space<vmem>>, vector<16xi32>,
        %get3A_801 = arith.index_cast %add3A_797 : i32 to index
        %get3A_802 = arith.constant 16 : index
        %get3A_803 = tpu.vector_load %arg13[%get3A_801, %get3A_802] {strides = array<i32>} : memref<128x32xi32, #tpu.memory_space<vmem>>, vector<16xi32>,
        %get3A_804 = arith.index_cast %add3A_797 : i32 to index
        %get3A_805 = arith.constant 0 : index
        %get3A_806 = tpu.vector_load %arg14[%get3A_804, %get3A_805] {strides = array<i32>} : memref<128x32xi32, #tpu.memory_space<vmem>>, vector<16xi32>,
        %get3A_807 = arith.index_cast %add3A_797 : i32 to index
        %get3A_808 = arith.constant 16 : index
        %get3A_809 = tpu.vector_load %arg14[%get3A_807, %get3A_808] {strides = array<i32>} : memref<128x32xi32, #tpu.memory_space<vmem>>, vector<16xi32>,
        %get3A_810 = arith.index_cast %add3A_797 : i32 to index
        %get3A_811 = arith.constant 0 : index
        %get3A_812 = tpu.vector_load %arg15[%get3A_810, %get3A_811] {strides = array<i32>} : memref<128x32xi32, #tpu.memory_space<vmem>>, vector<16xi32>,
        %get3A_813 = arith.index_cast %add3A_797 : i32 to index
        %get3A_814 = arith.constant 16 : index
        %get3A_815 = tpu.vector_load %arg15[%get3A_813, %get3A_814] {strides = array<i32>} : memref<128x32xi32, #tpu.memory_space<vmem>>, vector<16xi32>,
        %bitcast3A_816 = vector.bitcast %get3A_800 : vector<16xi32> to vector<32xbf16>
        %bitcast3A_817 = vector.bitcast %get3A_812 : vector<16xi32> to vector<32xbf16>
        %bitcast3A_818 = vector.bitcast %get3A_806 : vector<16xi32> to vector<32xbf16>
        %sub3A_819 = arith.subf %bitcast3A_817, %bitcast3A_818 : vector<32xbf16>
        %mul3A_820 = arith.mulf %bitcast3A_816, %sub3A_819 : vector<32xbf16>
        %bitcast3A_821 = vector.bitcast %mul3A_820 : vector<32xbf16> to vector<16xi32>
        %bitcast3A_822 = vector.bitcast %get3A_803 : vector<16xi32> to vector<32xbf16>
        %bitcast3A_823 = vector.bitcast %get3A_815 : vector<16xi32> to vector<32xbf16>
        %bitcast3A_824 = vector.bitcast %get3A_809 : vector<16xi32> to vector<32xbf16>
        %sub3A_825 = arith.subf %bitcast3A_823, %bitcast3A_824 : vector<32xbf16>
        %mul3A_826 = arith.mulf %bitcast3A_822, %sub3A_825 : vector<32xbf16>
        %bitcast3A_827 = vector.bitcast %mul3A_826 : vector<32xbf16> to vector<16xi32>
        %shift_left3A_828 = arith.constant 16 : i32
        %shift_left3A_829 = vector.broadcast %shift_left3A_828 : i32 to vector<16xi32>
        %shift_left3A_830 = arith.shli %bitcast3A_821, %shift_left3A_829 : vector<16xi32>
        %bitcast3A_831 = vector.bitcast %shift_left3A_830 : vector<16xi32> to vector<16xf32>
        %and3A_832 = arith.andi %bitcast3A_821, %broadcast_in_dim3A_108 : vector<16xi32>
        %bitcast3A_833 = vector.bitcast %and3A_832 : vector<16xi32> to vector<16xf32>
        %shift_left3A_834 = arith.constant 16 : i32
        %shift_left3A_835 = vector.broadcast %shift_left3A_834 : i32 to vector<16xi32>
        %shift_left3A_836 = arith.shli %bitcast3A_827, %shift_left3A_835 : vector<16xi32>
        %bitcast3A_837 = vector.bitcast %shift_left3A_836 : vector<16xi32> to vector<16xf32>
        %and3A_838 = arith.andi %bitcast3A_827, %broadcast_in_dim3A_108 : vector<16xi32>
        %bitcast3A_839 = vector.bitcast %and3A_838 : vector<16xi32> to vector<16xf32>
        %add3A_840 = arith.addf %bitcast3A_831, %bitcast3A_833 : vector<16xf32>
        %add3A_841 = arith.addf %bitcast3A_837, %bitcast3A_839 : vector<16xf32>
        %add3A_842 = arith.addf %add3A_840, %add3A_841 : vector<16xf32>
        %swap3A_843 = arith.constant 13 : i32
        %swap3A_844 = arith.index_cast %swap3A_843 : i32 to index
        %swap3A_845 = arith.constant 0 : index
        %swap3A_846 = tpu.vector_load %arg19[%swap3A_844, %swap3A_845] {strides = array<i32>} : memref<16x16xf32, #tpu.memory_space<vmem>>, vector<16xf32>,
        tpu.vector_store %arg19[%swap3A_844, %swap3A_845], %add3A_842 {strides = array<i32>} : memref<16x16xf32, #tpu.memory_space<vmem>>, vector<16xf32>,
        %mul3A_847 = arith.constant 16 : i32
        %mul3A_848 = arith.muli %scan3A_98, %mul3A_847 : i32
        %add3A_849 = arith.constant 14 : i32
        %add3A_850 = arith.addi %mul3A_848, %add3A_849 : i32
        %get3A_851 = arith.index_cast %add3A_850 : i32 to index
        %get3A_852 = arith.constant 0 : index
        %get3A_853 = tpu.vector_load %arg13[%get3A_851, %get3A_852] {strides = array<i32>} : memref<128x32xi32, #tpu.memory_space<vmem>>, vector<16xi32>,
        %get3A_854 = arith.index_cast %add3A_850 : i32 to index
        %get3A_855 = arith.constant 16 : index
        %get3A_856 = tpu.vector_load %arg13[%get3A_854, %get3A_855] {strides = array<i32>} : memref<128x32xi32, #tpu.memory_space<vmem>>, vector<16xi32>,
        %get3A_857 = arith.index_cast %add3A_850 : i32 to index
        %get3A_858 = arith.constant 0 : index
        %get3A_859 = tpu.vector_load %arg14[%get3A_857, %get3A_858] {strides = array<i32>} : memref<128x32xi32, #tpu.memory_space<vmem>>, vector<16xi32>,
        %get3A_860 = arith.index_cast %add3A_850 : i32 to index
        %get3A_861 = arith.constant 16 : index
        %get3A_862 = tpu.vector_load %arg14[%get3A_860, %get3A_861] {strides = array<i32>} : memref<128x32xi32, #tpu.memory_space<vmem>>, vector<16xi32>,
        %get3A_863 = arith.index_cast %add3A_850 : i32 to index
        %get3A_864 = arith.constant 0 : index
        %get3A_865 = tpu.vector_load %arg15[%get3A_863, %get3A_864] {strides = array<i32>} : memref<128x32xi32, #tpu.memory_space<vmem>>, vector<16xi32>,
        %get3A_866 = arith.index_cast %add3A_850 : i32 to index
        %get3A_867 = arith.constant 16 : index
        %get3A_868 = tpu.vector_load %arg15[%get3A_866, %get3A_867] {strides = array<i32>} : memref<128x32xi32, #tpu.memory_space<vmem>>, vector<16xi32>,
        %bitcast3A_869 = vector.bitcast %get3A_853 : vector<16xi32> to vector<32xbf16>
        %bitcast3A_870 = vector.bitcast %get3A_865 : vector<16xi32> to vector<32xbf16>
        %bitcast3A_871 = vector.bitcast %get3A_859 : vector<16xi32> to vector<32xbf16>
        %sub3A_872 = arith.subf %bitcast3A_870, %bitcast3A_871 : vector<32xbf16>
        %mul3A_873 = arith.mulf %bitcast3A_869, %sub3A_872 : vector<32xbf16>
        %bitcast3A_874 = vector.bitcast %mul3A_873 : vector<32xbf16> to vector<16xi32>
        %bitcast3A_875 = vector.bitcast %get3A_856 : vector<16xi32> to vector<32xbf16>
        %bitcast3A_876 = vector.bitcast %get3A_868 : vector<16xi32> to vector<32xbf16>
        %bitcast3A_877 = vector.bitcast %get3A_862 : vector<16xi32> to vector<32xbf16>
        %sub3A_878 = arith.subf %bitcast3A_876, %bitcast3A_877 : vector<32xbf16>
        %mul3A_879 = arith.mulf %bitcast3A_875, %sub3A_878 : vector<32xbf16>
        %bitcast3A_880 = vector.bitcast %mul3A_879 : vector<32xbf16> to vector<16xi32>
        %shift_left3A_881 = arith.constant 16 : i32
        %shift_left3A_882 = vector.broadcast %shift_left3A_881 : i32 to vector<16xi32>
        %shift_left3A_883 = arith.shli %bitcast3A_874, %shift_left3A_882 : vector<16xi32>
        %bitcast3A_884 = vector.bitcast %shift_left3A_883 : vector<16xi32> to vector<16xf32>
        %and3A_885 = arith.andi %bitcast3A_874, %broadcast_in_dim3A_108 : vector<16xi32>
        %bitcast3A_886 = vector.bitcast %and3A_885 : vector<16xi32> to vector<16xf32>
        %shift_left3A_887 = arith.constant 16 : i32
        %shift_left3A_888 = vector.broadcast %shift_left3A_887 : i32 to vector<16xi32>
        %shift_left3A_889 = arith.shli %bitcast3A_880, %shift_left3A_888 : vector<16xi32>
        %bitcast3A_890 = vector.bitcast %shift_left3A_889 : vector<16xi32> to vector<16xf32>
        %and3A_891 = arith.andi %bitcast3A_880, %broadcast_in_dim3A_108 : vector<16xi32>
        %bitcast3A_892 = vector.bitcast %and3A_891 : vector<16xi32> to vector<16xf32>
        %add3A_893 = arith.addf %bitcast3A_884, %bitcast3A_886 : vector<16xf32>
        %add3A_894 = arith.addf %bitcast3A_890, %bitcast3A_892 : vector<16xf32>
        %add3A_895 = arith.addf %add3A_893, %add3A_894 : vector<16xf32>
        %swap3A_896 = arith.constant 14 : i32
        %swap3A_897 = arith.index_cast %swap3A_896 : i32 to index
        %swap3A_898 = arith.constant 0 : index
        %swap3A_899 = tpu.vector_load %arg19[%swap3A_897, %swap3A_898] {strides = array<i32>} : memref<16x16xf32, #tpu.memory_space<vmem>>, vector<16xf32>,
        tpu.vector_store %arg19[%swap3A_897, %swap3A_898], %add3A_895 {strides = array<i32>} : memref<16x16xf32, #tpu.memory_space<vmem>>, vector<16xf32>,
        %mul3A_900 = arith.constant 16 : i32
        %mul3A_901 = arith.muli %scan3A_98, %mul3A_900 : i32
        %add3A_902 = arith.constant 15 : i32
        %add3A_903 = arith.addi %mul3A_901, %add3A_902 : i32
        %get3A_904 = arith.index_cast %add3A_903 : i32 to index
        %get3A_905 = arith.constant 0 : index
        %get3A_906 = tpu.vector_load %arg13[%get3A_904, %get3A_905] {strides = array<i32>} : memref<128x32xi32, #tpu.memory_space<vmem>>, vector<16xi32>,
        %get3A_907 = arith.index_cast %add3A_903 : i32 to index
        %get3A_908 = arith.constant 16 : index
        %get3A_909 = tpu.vector_load %arg13[%get3A_907, %get3A_908] {strides = array<i32>} : memref<128x32xi32, #tpu.memory_space<vmem>>, vector<16xi32>,
        %get3A_910 = arith.index_cast %add3A_903 : i32 to index
        %get3A_911 = arith.constant 0 : index
        %get3A_912 = tpu.vector_load %arg14[%get3A_910, %get3A_911] {strides = array<i32>} : memref<128x32xi32, #tpu.memory_space<vmem>>, vector<16xi32>,
        %get3A_913 = arith.index_cast %add3A_903 : i32 to index
        %get3A_914 = arith.constant 16 : index
        %get3A_915 = tpu.vector_load %arg14[%get3A_913, %get3A_914] {strides = array<i32>} : memref<128x32xi32, #tpu.memory_space<vmem>>, vector<16xi32>,
        %get3A_916 = arith.index_cast %add3A_903 : i32 to index
        %get3A_917 = arith.constant 0 : index
        %get3A_918 = tpu.vector_load %arg15[%get3A_916, %get3A_917] {strides = array<i32>} : memref<128x32xi32, #tpu.memory_space<vmem>>, vector<16xi32>,
        %get3A_919 = arith.index_cast %add3A_903 : i32 to index
        %get3A_920 = arith.constant 16 : index
        %get3A_921 = tpu.vector_load %arg15[%get3A_919, %get3A_920] {strides = array<i32>} : memref<128x32xi32, #tpu.memory_space<vmem>>, vector<16xi32>,
        %bitcast3A_922 = vector.bitcast %get3A_906 : vector<16xi32> to vector<32xbf16>
        %bitcast3A_923 = vector.bitcast %get3A_918 : vector<16xi32> to vector<32xbf16>
        %bitcast3A_924 = vector.bitcast %get3A_912 : vector<16xi32> to vector<32xbf16>
        %sub3A_925 = arith.subf %bitcast3A_923, %bitcast3A_924 : vector<32xbf16>
        %mul3A_926 = arith.mulf %bitcast3A_922, %sub3A_925 : vector<32xbf16>
        %bitcast3A_927 = vector.bitcast %mul3A_926 : vector<32xbf16> to vector<16xi32>
        %bitcast3A_928 = vector.bitcast %get3A_909 : vector<16xi32> to vector<32xbf16>
        %bitcast3A_929 = vector.bitcast %get3A_921 : vector<16xi32> to vector<32xbf16>
        %bitcast3A_930 = vector.bitcast %get3A_915 : vector<16xi32> to vector<32xbf16>
        %sub3A_931 = arith.subf %bitcast3A_929, %bitcast3A_930 : vector<32xbf16>
        %mul3A_932 = arith.mulf %bitcast3A_928, %sub3A_931 : vector<32xbf16>
        %bitcast3A_933 = vector.bitcast %mul3A_932 : vector<32xbf16> to vector<16xi32>
        %shift_left3A_934 = arith.constant 16 : i32
        %shift_left3A_935 = vector.broadcast %shift_left3A_934 : i32 to vector<16xi32>
        %shift_left3A_936 = arith.shli %bitcast3A_927, %shift_left3A_935 : vector<16xi32>
        %bitcast3A_937 = vector.bitcast %shift_left3A_936 : vector<16xi32> to vector<16xf32>
        %and3A_938 = arith.andi %bitcast3A_927, %broadcast_in_dim3A_108 : vector<16xi32>
        %bitcast3A_939 = vector.bitcast %and3A_938 : vector<16xi32> to vector<16xf32>
        %shift_left3A_940 = arith.constant 16 : i32
        %shift_left3A_941 = vector.broadcast %shift_left3A_940 : i32 to vector<16xi32>
        %shift_left3A_942 = arith.shli %bitcast3A_933, %shift_left3A_941 : vector<16xi32>
        %bitcast3A_943 = vector.bitcast %shift_left3A_942 : vector<16xi32> to vector<16xf32>
        %and3A_944 = arith.andi %bitcast3A_933, %broadcast_in_dim3A_108 : vector<16xi32>
        %bitcast3A_945 = vector.bitcast %and3A_944 : vector<16xi32> to vector<16xf32>
        %add3A_946 = arith.addf %bitcast3A_937, %bitcast3A_939 : vector<16xf32>
        %add3A_947 = arith.addf %bitcast3A_943, %bitcast3A_945 : vector<16xf32>
        %add3A_948 = arith.addf %add3A_946, %add3A_947 : vector<16xf32>
        %swap3A_949 = arith.constant 15 : i32
        %swap3A_950 = arith.index_cast %swap3A_949 : i32 to index
        %swap3A_951 = arith.constant 0 : index
        %swap3A_952 = tpu.vector_load %arg19[%swap3A_950, %swap3A_951] {strides = array<i32>} : memref<16x16xf32, #tpu.memory_space<vmem>>, vector<16xf32>,
        tpu.vector_store %arg19[%swap3A_950, %swap3A_951], %add3A_948 {strides = array<i32>} : memref<16x16xf32, #tpu.memory_space<vmem>>, vector<16xf32>,
        %xor3A = arith.constant 0 : i32
        %xor3A_953 = vector.broadcast %xor3A : i32 to vector<16xi32>
        %xor3A_954 = arith.xori %iota3A, %xor3A_953 : vector<16xi32>
        %gather3A = tpu.vector_load_idx %arg19[%iota3A, %xor3A_954] : memref<16x16xf32, #tpu.memory_space<vmem>>[vector<16xi32>, vector<16xi32>], vector<16xf32>,
        %add3A_955 = arith.addf %broadcast_in_dim3A_106, %gather3A : vector<16xf32>
        %xor3A_956 = arith.constant 1 : i32
        %xor3A_957 = vector.broadcast %xor3A_956 : i32 to vector<16xi32>
        %xor3A_958 = arith.xori %iota3A, %xor3A_957 : vector<16xi32>
        %gather3A_959 = tpu.vector_load_idx %arg19[%iota3A, %xor3A_958] : memref<16x16xf32, #tpu.memory_space<vmem>>[vector<16xi32>, vector<16xi32>], vector<16xf32>,
        %add3A_960 = arith.addf %broadcast_in_dim3A_106, %gather3A_959 : vector<16xf32>
        %xor3A_961 = arith.constant 2 : i32
        %xor3A_962 = vector.broadcast %xor3A_961 : i32 to vector<16xi32>
        %xor3A_963 = arith.xori %iota3A, %xor3A_962 : vector<16xi32>
        %gather3A_964 = tpu.vector_load_idx %arg19[%iota3A, %xor3A_963] : memref<16x16xf32, #tpu.memory_space<vmem>>[vector<16xi32>, vector<16xi32>], vector<16xf32>,
        %add3A_965 = arith.addf %broadcast_in_dim3A_106, %gather3A_964 : vector<16xf32>
        %xor3A_966 = arith.constant 3 : i32
        %xor3A_967 = vector.broadcast %xor3A_966 : i32 to vector<16xi32>
        %xor3A_968 = arith.xori %iota3A, %xor3A_967 : vector<16xi32>
        %gather3A_969 = tpu.vector_load_idx %arg19[%iota3A, %xor3A_968] : memref<16x16xf32, #tpu.memory_space<vmem>>[vector<16xi32>, vector<16xi32>], vector<16xf32>,
        %add3A_970 = arith.addf %broadcast_in_dim3A_106, %gather3A_969 : vector<16xf32>
        %xor3A_971 = arith.constant 4 : i32
        %xor3A_972 = vector.broadcast %xor3A_971 : i32 to vector<16xi32>
        %xor3A_973 = arith.xori %iota3A, %xor3A_972 : vector<16xi32>
        %gather3A_974 = tpu.vector_load_idx %arg19[%iota3A, %xor3A_973] : memref<16x16xf32, #tpu.memory_space<vmem>>[vector<16xi32>, vector<16xi32>], vector<16xf32>,
        %add3A_975 = arith.addf %add3A_955, %gather3A_974 : vector<16xf32>
        %xor3A_976 = arith.constant 5 : i32
        %xor3A_977 = vector.broadcast %xor3A_976 : i32 to vector<16xi32>
        %xor3A_978 = arith.xori %iota3A, %xor3A_977 : vector<16xi32>
        %gather3A_979 = tpu.vector_load_idx %arg19[%iota3A, %xor3A_978] : memref<16x16xf32, #tpu.memory_space<vmem>>[vector<16xi32>, vector<16xi32>], vector<16xf32>,
        %add3A_980 = arith.addf %add3A_960, %gather3A_979 : vector<16xf32>
        %xor3A_981 = arith.constant 6 : i32
        %xor3A_982 = vector.broadcast %xor3A_981 : i32 to vector<16xi32>
        %xor3A_983 = arith.xori %iota3A, %xor3A_982 : vector<16xi32>
        %gather3A_984 = tpu.vector_load_idx %arg19[%iota3A, %xor3A_983] : memref<16x16xf32, #tpu.memory_space<vmem>>[vector<16xi32>, vector<16xi32>], vector<16xf32>,
        %add3A_985 = arith.addf %add3A_965, %gather3A_984 : vector<16xf32>
        %xor3A_986 = arith.constant 7 : i32
        %xor3A_987 = vector.broadcast %xor3A_986 : i32 to vector<16xi32>
        %xor3A_988 = arith.xori %iota3A, %xor3A_987 : vector<16xi32>
        %gather3A_989 = tpu.vector_load_idx %arg19[%iota3A, %xor3A_988] : memref<16x16xf32, #tpu.memory_space<vmem>>[vector<16xi32>, vector<16xi32>], vector<16xf32>,
        %add3A_990 = arith.addf %add3A_970, %gather3A_989 : vector<16xf32>
        %xor3A_991 = arith.constant 8 : i32
        %xor3A_992 = vector.broadcast %xor3A_991 : i32 to vector<16xi32>
        %xor3A_993 = arith.xori %iota3A, %xor3A_992 : vector<16xi32>
        %gather3A_994 = tpu.vector_load_idx %arg19[%iota3A, %xor3A_993] : memref<16x16xf32, #tpu.memory_space<vmem>>[vector<16xi32>, vector<16xi32>], vector<16xf32>,
        %add3A_995 = arith.addf %add3A_975, %gather3A_994 : vector<16xf32>
        %xor3A_996 = arith.constant 9 : i32
        %xor3A_997 = vector.broadcast %xor3A_996 : i32 to vector<16xi32>
        %xor3A_998 = arith.xori %iota3A, %xor3A_997 : vector<16xi32>
        %gather3A_999 = tpu.vector_load_idx %arg19[%iota3A, %xor3A_998] : memref<16x16xf32, #tpu.memory_space<vmem>>[vector<16xi32>, vector<16xi32>], vector<16xf32>,
        %add3A_1000 = arith.addf %add3A_980, %gather3A_999 : vector<16xf32>
        %xor3A_1001 = arith.constant 10 : i32
        %xor3A_1002 = vector.broadcast %xor3A_1001 : i32 to vector<16xi32>
        %xor3A_1003 = arith.xori %iota3A, %xor3A_1002 : vector<16xi32>
        %gather3A_1004 = tpu.vector_load_idx %arg19[%iota3A, %xor3A_1003] : memref<16x16xf32, #tpu.memory_space<vmem>>[vector<16xi32>, vector<16xi32>], vector<16xf32>,
        %add3A_1005 = arith.addf %add3A_985, %gather3A_1004 : vector<16xf32>
        %xor3A_1006 = arith.constant 11 : i32
        %xor3A_1007 = vector.broadcast %xor3A_1006 : i32 to vector<16xi32>
        %xor3A_1008 = arith.xori %iota3A, %xor3A_1007 : vector<16xi32>
        %gather3A_1009 = tpu.vector_load_idx %arg19[%iota3A, %xor3A_1008] : memref<16x16xf32, #tpu.memory_space<vmem>>[vector<16xi32>, vector<16xi32>], vector<16xf32>,
        %add3A_1010 = arith.addf %add3A_990, %gather3A_1009 : vector<16xf32>
        %xor3A_1011 = arith.constant 12 : i32
        %xor3A_1012 = vector.broadcast %xor3A_1011 : i32 to vector<16xi32>
        %xor3A_1013 = arith.xori %iota3A, %xor3A_1012 : vector<16xi32>
        %gather3A_1014 = tpu.vector_load_idx %arg19[%iota3A, %xor3A_1013] : memref<16x16xf32, #tpu.memory_space<vmem>>[vector<16xi32>, vector<16xi32>], vector<16xf32>,
        %add3A_1015 = arith.addf %add3A_995, %gather3A_1014 : vector<16xf32>
        %xor3A_1016 = arith.constant 13 : i32
        %xor3A_1017 = vector.broadcast %xor3A_1016 : i32 to vector<16xi32>
        %xor3A_1018 = arith.xori %iota3A, %xor3A_1017 : vector<16xi32>
        %gather3A_1019 = tpu.vector_load_idx %arg19[%iota3A, %xor3A_1018] : memref<16x16xf32, #tpu.memory_space<vmem>>[vector<16xi32>, vector<16xi32>], vector<16xf32>,
        %add3A_1020 = arith.addf %add3A_1000, %gather3A_1019 : vector<16xf32>
        %xor3A_1021 = arith.constant 14 : i32
        %xor3A_1022 = vector.broadcast %xor3A_1021 : i32 to vector<16xi32>
        %xor3A_1023 = arith.xori %iota3A, %xor3A_1022 : vector<16xi32>
        %gather3A_1024 = tpu.vector_load_idx %arg19[%iota3A, %xor3A_1023] : memref<16x16xf32, #tpu.memory_space<vmem>>[vector<16xi32>, vector<16xi32>], vector<16xf32>,
        %add3A_1025 = arith.addf %add3A_1005, %gather3A_1024 : vector<16xf32>
        %xor3A_1026 = arith.constant 15 : i32
        %xor3A_1027 = vector.broadcast %xor3A_1026 : i32 to vector<16xi32>
        %xor3A_1028 = arith.xori %iota3A, %xor3A_1027 : vector<16xi32>
        %gather3A_1029 = tpu.vector_load_idx %arg19[%iota3A, %xor3A_1028] : memref<16x16xf32, #tpu.memory_space<vmem>>[vector<16xi32>, vector<16xi32>], vector<16xf32>,
        %add3A_1030 = arith.addf %add3A_1010, %gather3A_1029 : vector<16xf32>
        %add3A_1031 = arith.addf %add3A_1015, %add3A_1020 : vector<16xf32>
        %add3A_1032 = arith.addf %add3A_1025, %add3A_1030 : vector<16xf32>
        %add3A_1033 = arith.addf %add3A_1031, %add3A_1032 : vector<16xf32>
        %add3A_1034 = arith.addf %add3A_1033, %get3A_104 : vector<16xf32>
        %max3A = arith.constant 0.000000e+00 : f32
        %max3A_1035 = vector.broadcast %max3A : f32 to vector<16xf32>
        %max3A_1036 = arith.maximumf %add3A_1034, %max3A_1035 : vector<16xf32>
        %add3A_1037 = arith.addf %scan3A_99, %max3A_1036 : vector<16xf32>
        %gt3A = arith.constant 0.000000e+00 : f32
        %gt3A_1038 = vector.broadcast %gt3A : f32 to vector<16xf32>
        %gt3A_1039 = arith.cmpf ogt, %add3A_1034, %gt3A_1038 : vector<16xf32>
        %jit3A = arith.constant 1 : i32
        %jit3A_1040 = arith.constant 0 : i32
        %broadcast_in_dim3A_1041 = vector.broadcast %jit3A : i32 to vector<16xi32>
        %broadcast_in_dim3A_1042 = vector.broadcast %jit3A_1040 : i32 to vector<16xi32>
        %select_n3A = arith.select %gt3A_1039, %broadcast_in_dim3A_1041, %broadcast_in_dim3A_1042 : vector<16xi1>, vector<16xi32>
        %add3A_1043 = arith.addi %scan3A_100, %select_n3A : vector<16xi32>
        scf.yield %add3A_1037, %add3A_1043 : vector<16xf32>, vector<16xi32>
      }
      %scan3A_69 = arith.constant 8 : i32
      %lt3A = arith.constant 31 : i32
      %lt3A_70 = arith.cmpi slt, %scan3A_28, %lt3A : i32
      %convert_element_type3A = arith.extui %lt3A_70 : i1 to i32
      %cond3A = arith.constant 0 : i32
      %cond3A_71 = arith.cmpi ne, %convert_element_type3A, %cond3A : i32
      scf.if %cond3A_71 {
        %add3A_98 = arith.constant 2 : i32
        %add3A_99 = arith.addi %mul3A_32, %add3A_98 : i32
        %mul3A_100 = arith.constant 128 : i32
        %mul3A_101 = arith.muli %add3A_99, %mul3A_100 : i32
        %dma_start3A_102 = tpu.memref_slice %arg9[%mul3A_101] : memref<8192xi32, #tpu.memory_space<vmem>> -> memref<128xi32, #tpu.memory_space<vmem>>
        %dma_start3A_103 = arith.constant 0 : i32
        %dma_start3A_104 = arith.constant 0 : i32
        %dma_start3A_105 = tpu.memref_slice %arg2[%dma_start3A_103, %dma_start3A_104] : memref<16384x32xi32, #tpu.memory_space<hbm>> -> memref<16384x32xi32, #tpu.memory_space<hbm>>
        tpu.enqueue_indirect_dma source(%dma_start3A_105 : memref<16384x32xi32, #tpu.memory_space<hbm>>) target(%arg13 : memref<128x32xi32, #tpu.memory_space<vmem>>) offsets(%dma_start3A_102 : memref<128xi32, #tpu.memory_space<vmem>>) semaphore(%arg22 : memref<!tpu.dma_semaphore, #tpu.memory_space<semaphore_mem>>)
        %dma_start3A_106 = tpu.memref_slice %arg10[%mul3A_101] : memref<8192xi32, #tpu.memory_space<vmem>> -> memref<128xi32, #tpu.memory_space<vmem>>
        %dma_start3A_107 = arith.constant 0 : i32
        %dma_start3A_108 = arith.constant 0 : i32
        %dma_start3A_109 = tpu.memref_slice %arg2[%dma_start3A_107, %dma_start3A_108] : memref<16384x32xi32, #tpu.memory_space<hbm>> -> memref<16384x32xi32, #tpu.memory_space<hbm>>
        tpu.enqueue_indirect_dma source(%dma_start3A_109 : memref<16384x32xi32, #tpu.memory_space<hbm>>) target(%arg14 : memref<128x32xi32, #tpu.memory_space<vmem>>) offsets(%dma_start3A_106 : memref<128xi32, #tpu.memory_space<vmem>>) semaphore(%arg22 : memref<!tpu.dma_semaphore, #tpu.memory_space<semaphore_mem>>)
        %dma_start3A_110 = tpu.memref_slice %arg11[%mul3A_101] : memref<8192xi32, #tpu.memory_space<vmem>> -> memref<128xi32, #tpu.memory_space<vmem>>
        %dma_start3A_111 = arith.constant 0 : i32
        %dma_start3A_112 = arith.constant 0 : i32
        %dma_start3A_113 = tpu.memref_slice %arg2[%dma_start3A_111, %dma_start3A_112] : memref<16384x32xi32, #tpu.memory_space<hbm>> -> memref<16384x32xi32, #tpu.memory_space<hbm>>
        tpu.enqueue_indirect_dma source(%dma_start3A_113 : memref<16384x32xi32, #tpu.memory_space<hbm>>) target(%arg15 : memref<128x32xi32, #tpu.memory_space<vmem>>) offsets(%dma_start3A_110 : memref<128xi32, #tpu.memory_space<vmem>>) semaphore(%arg22 : memref<!tpu.dma_semaphore, #tpu.memory_space<semaphore_mem>>)
      } else {
      }
      %add3A_72 = arith.constant 1 : i32
      %add3A_73 = arith.addi %mul3A_32, %add3A_72 : i32
      %mul3A_74 = arith.constant 128 : i32
      %mul3A_75 = arith.muli %add3A_73, %mul3A_74 : i32
      %dma_wait3A_76 = tpu.memref_slice %arg9[%mul3A_75] : memref<8192xi32, #tpu.memory_space<vmem>> -> memref<128xi32, #tpu.memory_space<vmem>>
      %dma_wait3A_77 = arith.constant 0 : i32
      %dma_wait3A_78 = arith.constant 0 : i32
      %dma_wait3A_79 = tpu.memref_slice %arg2[%dma_wait3A_77, %dma_wait3A_78] : memref<16384x32xi32, #tpu.memory_space<hbm>> -> memref<16384x32xi32, #tpu.memory_space<hbm>>
      tpu.wait_indirect_dma semaphore(%arg23 : memref<!tpu.dma_semaphore, #tpu.memory_space<semaphore_mem>>) src(%dma_wait3A_79 : memref<16384x32xi32, #tpu.memory_space<hbm>>) dst(%arg16 : memref<128x32xi32, #tpu.memory_space<vmem>>)
      %dma_wait3A_80 = tpu.memref_slice %arg10[%mul3A_75] : memref<8192xi32, #tpu.memory_space<vmem>> -> memref<128xi32, #tpu.memory_space<vmem>>
      %dma_wait3A_81 = arith.constant 0 : i32
      %dma_wait3A_82 = arith.constant 0 : i32
      %dma_wait3A_83 = tpu.memref_slice %arg2[%dma_wait3A_81, %dma_wait3A_82] : memref<16384x32xi32, #tpu.memory_space<hbm>> -> memref<16384x32xi32, #tpu.memory_space<hbm>>
      tpu.wait_indirect_dma semaphore(%arg23 : memref<!tpu.dma_semaphore, #tpu.memory_space<semaphore_mem>>) src(%dma_wait3A_83 : memref<16384x32xi32, #tpu.memory_space<hbm>>) dst(%arg17 : memref<128x32xi32, #tpu.memory_space<vmem>>)
      %dma_wait3A_84 = tpu.memref_slice %arg11[%mul3A_75] : memref<8192xi32, #tpu.memory_space<vmem>> -> memref<128xi32, #tpu.memory_space<vmem>>
      %dma_wait3A_85 = arith.constant 0 : i32
      %dma_wait3A_86 = arith.constant 0 : i32
      %dma_wait3A_87 = tpu.memref_slice %arg2[%dma_wait3A_85, %dma_wait3A_86] : memref<16384x32xi32, #tpu.memory_space<hbm>> -> memref<16384x32xi32, #tpu.memory_space<hbm>>
      tpu.wait_indirect_dma semaphore(%arg23 : memref<!tpu.dma_semaphore, #tpu.memory_space<semaphore_mem>>) src(%dma_wait3A_87 : memref<16384x32xi32, #tpu.memory_space<hbm>>) dst(%arg18 : memref<128x32xi32, #tpu.memory_space<vmem>>)
      %add3A_88 = arith.constant 1 : i32
      %add3A_89 = arith.addi %mul3A_32, %add3A_88 : i32
      %mul3A_90 = arith.constant 128 : i32
      %mul3A_91 = arith.muli %add3A_89, %mul3A_90 : i32
      %scan3A_92 = arith.constant 0 : i32
      %scan3A_93 = arith.constant 8 : i32
      %scan3A_94 = arith.addi %scan3A_92, %scan3A_93 : i32
      %scan3A_95 = arith.constant 1 : i32
      %scan3A_96:2 = scf.for %scan3A_98 = %scan3A_92 to %scan3A_94 step %scan3A_95 iter_args(%scan3A_99 = %scan3A_68#0, %scan3A_100 = %scan3A_68#1) -> (vector<16xf32>, vector<16xi32>)  : i32 {
        %mul3A_101 = arith.constant 16 : i32
        %mul3A_102 = arith.muli %scan3A_98, %mul3A_101 : i32
        %add3A_103 = arith.addi %mul3A_91, %mul3A_102 : i32
        %get3A = arith.index_cast %add3A_103 : i32 to index
        %get3A_104 = tpu.vector_load %arg12[%get3A] {strides = array<i32>} : memref<8192xf32, #tpu.memory_space<vmem>>, vector<16xf32>,
        %iota3A = tpu.iota {dimensions = array<i32: 0>} : vector<16xi32>
        %broadcast_in_dim3A_105 = arith.constant 0.000000e+00 : f32
        %broadcast_in_dim3A_106 = vector.broadcast %broadcast_in_dim3A_105 : f32 to vector<16xf32>
        %broadcast_in_dim3A_107 = arith.constant -65536 : i32
        %broadcast_in_dim3A_108 = vector.broadcast %broadcast_in_dim3A_107 : i32 to vector<16xi32>
        %mul3A_109 = arith.constant 16 : i32
        %mul3A_110 = arith.muli %scan3A_98, %mul3A_109 : i32
        %add3A_111 = arith.constant 0 : i32
        %add3A_112 = arith.addi %mul3A_110, %add3A_111 : i32
        %get3A_113 = arith.index_cast %add3A_112 : i32 to index
        %get3A_114 = arith.constant 0 : index
        %get3A_115 = tpu.vector_load %arg16[%get3A_113, %get3A_114] {strides = array<i32>} : memref<128x32xi32, #tpu.memory_space<vmem>>, vector<16xi32>,
        %get3A_116 = arith.index_cast %add3A_112 : i32 to index
        %get3A_117 = arith.constant 16 : index
        %get3A_118 = tpu.vector_load %arg16[%get3A_116, %get3A_117] {strides = array<i32>} : memref<128x32xi32, #tpu.memory_space<vmem>>, vector<16xi32>,
        %get3A_119 = arith.index_cast %add3A_112 : i32 to index
        %get3A_120 = arith.constant 0 : index
        %get3A_121 = tpu.vector_load %arg17[%get3A_119, %get3A_120] {strides = array<i32>} : memref<128x32xi32, #tpu.memory_space<vmem>>, vector<16xi32>,
        %get3A_122 = arith.index_cast %add3A_112 : i32 to index
        %get3A_123 = arith.constant 16 : index
        %get3A_124 = tpu.vector_load %arg17[%get3A_122, %get3A_123] {strides = array<i32>} : memref<128x32xi32, #tpu.memory_space<vmem>>, vector<16xi32>,
        %get3A_125 = arith.index_cast %add3A_112 : i32 to index
        %get3A_126 = arith.constant 0 : index
        %get3A_127 = tpu.vector_load %arg18[%get3A_125, %get3A_126] {strides = array<i32>} : memref<128x32xi32, #tpu.memory_space<vmem>>, vector<16xi32>,
        %get3A_128 = arith.index_cast %add3A_112 : i32 to index
        %get3A_129 = arith.constant 16 : index
        %get3A_130 = tpu.vector_load %arg18[%get3A_128, %get3A_129] {strides = array<i32>} : memref<128x32xi32, #tpu.memory_space<vmem>>, vector<16xi32>,
        %bitcast3A = vector.bitcast %get3A_115 : vector<16xi32> to vector<32xbf16>
        %bitcast3A_131 = vector.bitcast %get3A_127 : vector<16xi32> to vector<32xbf16>
        %bitcast3A_132 = vector.bitcast %get3A_121 : vector<16xi32> to vector<32xbf16>
        %sub3A = arith.subf %bitcast3A_131, %bitcast3A_132 : vector<32xbf16>
        %mul3A_133 = arith.mulf %bitcast3A, %sub3A : vector<32xbf16>
        %bitcast3A_134 = vector.bitcast %mul3A_133 : vector<32xbf16> to vector<16xi32>
        %bitcast3A_135 = vector.bitcast %get3A_118 : vector<16xi32> to vector<32xbf16>
        %bitcast3A_136 = vector.bitcast %get3A_130 : vector<16xi32> to vector<32xbf16>
        %bitcast3A_137 = vector.bitcast %get3A_124 : vector<16xi32> to vector<32xbf16>
        %sub3A_138 = arith.subf %bitcast3A_136, %bitcast3A_137 : vector<32xbf16>
        %mul3A_139 = arith.mulf %bitcast3A_135, %sub3A_138 : vector<32xbf16>
        %bitcast3A_140 = vector.bitcast %mul3A_139 : vector<32xbf16> to vector<16xi32>
        %shift_left3A = arith.constant 16 : i32
        %shift_left3A_141 = vector.broadcast %shift_left3A : i32 to vector<16xi32>
        %shift_left3A_142 = arith.shli %bitcast3A_134, %shift_left3A_141 : vector<16xi32>
        %bitcast3A_143 = vector.bitcast %shift_left3A_142 : vector<16xi32> to vector<16xf32>
        %and3A = arith.andi %bitcast3A_134, %broadcast_in_dim3A_108 : vector<16xi32>
        %bitcast3A_144 = vector.bitcast %and3A : vector<16xi32> to vector<16xf32>
        %shift_left3A_145 = arith.constant 16 : i32
        %shift_left3A_146 = vector.broadcast %shift_left3A_145 : i32 to vector<16xi32>
        %shift_left3A_147 = arith.shli %bitcast3A_140, %shift_left3A_146 : vector<16xi32>
        %bitcast3A_148 = vector.bitcast %shift_left3A_147 : vector<16xi32> to vector<16xf32>
        %and3A_149 = arith.andi %bitcast3A_140, %broadcast_in_dim3A_108 : vector<16xi32>
        %bitcast3A_150 = vector.bitcast %and3A_149 : vector<16xi32> to vector<16xf32>
        %add3A_151 = arith.addf %bitcast3A_143, %bitcast3A_144 : vector<16xf32>
        %add3A_152 = arith.addf %bitcast3A_148, %bitcast3A_150 : vector<16xf32>
        %add3A_153 = arith.addf %add3A_151, %add3A_152 : vector<16xf32>
        %swap3A_154 = arith.constant 0 : i32
        %swap3A_155 = arith.index_cast %swap3A_154 : i32 to index
        %swap3A_156 = arith.constant 0 : index
        %swap3A_157 = tpu.vector_load %arg19[%swap3A_155, %swap3A_156] {strides = array<i32>} : memref<16x16xf32, #tpu.memory_space<vmem>>, vector<16xf32>,
        tpu.vector_store %arg19[%swap3A_155, %swap3A_156], %add3A_153 {strides = array<i32>} : memref<16x16xf32, #tpu.memory_space<vmem>>, vector<16xf32>,
        %mul3A_158 = arith.constant 16 : i32
        %mul3A_159 = arith.muli %scan3A_98, %mul3A_158 : i32
        %add3A_160 = arith.constant 1 : i32
        %add3A_161 = arith.addi %mul3A_159, %add3A_160 : i32
        %get3A_162 = arith.index_cast %add3A_161 : i32 to index
        %get3A_163 = arith.constant 0 : index
        %get3A_164 = tpu.vector_load %arg16[%get3A_162, %get3A_163] {strides = array<i32>} : memref<128x32xi32, #tpu.memory_space<vmem>>, vector<16xi32>,
        %get3A_165 = arith.index_cast %add3A_161 : i32 to index
        %get3A_166 = arith.constant 16 : index
        %get3A_167 = tpu.vector_load %arg16[%get3A_165, %get3A_166] {strides = array<i32>} : memref<128x32xi32, #tpu.memory_space<vmem>>, vector<16xi32>,
        %get3A_168 = arith.index_cast %add3A_161 : i32 to index
        %get3A_169 = arith.constant 0 : index
        %get3A_170 = tpu.vector_load %arg17[%get3A_168, %get3A_169] {strides = array<i32>} : memref<128x32xi32, #tpu.memory_space<vmem>>, vector<16xi32>,
        %get3A_171 = arith.index_cast %add3A_161 : i32 to index
        %get3A_172 = arith.constant 16 : index
        %get3A_173 = tpu.vector_load %arg17[%get3A_171, %get3A_172] {strides = array<i32>} : memref<128x32xi32, #tpu.memory_space<vmem>>, vector<16xi32>,
        %get3A_174 = arith.index_cast %add3A_161 : i32 to index
        %get3A_175 = arith.constant 0 : index
        %get3A_176 = tpu.vector_load %arg18[%get3A_174, %get3A_175] {strides = array<i32>} : memref<128x32xi32, #tpu.memory_space<vmem>>, vector<16xi32>,
        %get3A_177 = arith.index_cast %add3A_161 : i32 to index
        %get3A_178 = arith.constant 16 : index
        %get3A_179 = tpu.vector_load %arg18[%get3A_177, %get3A_178] {strides = array<i32>} : memref<128x32xi32, #tpu.memory_space<vmem>>, vector<16xi32>,
        %bitcast3A_180 = vector.bitcast %get3A_164 : vector<16xi32> to vector<32xbf16>
        %bitcast3A_181 = vector.bitcast %get3A_176 : vector<16xi32> to vector<32xbf16>
        %bitcast3A_182 = vector.bitcast %get3A_170 : vector<16xi32> to vector<32xbf16>
        %sub3A_183 = arith.subf %bitcast3A_181, %bitcast3A_182 : vector<32xbf16>
        %mul3A_184 = arith.mulf %bitcast3A_180, %sub3A_183 : vector<32xbf16>
        %bitcast3A_185 = vector.bitcast %mul3A_184 : vector<32xbf16> to vector<16xi32>
        %bitcast3A_186 = vector.bitcast %get3A_167 : vector<16xi32> to vector<32xbf16>
        %bitcast3A_187 = vector.bitcast %get3A_179 : vector<16xi32> to vector<32xbf16>
        %bitcast3A_188 = vector.bitcast %get3A_173 : vector<16xi32> to vector<32xbf16>
        %sub3A_189 = arith.subf %bitcast3A_187, %bitcast3A_188 : vector<32xbf16>
        %mul3A_190 = arith.mulf %bitcast3A_186, %sub3A_189 : vector<32xbf16>
        %bitcast3A_191 = vector.bitcast %mul3A_190 : vector<32xbf16> to vector<16xi32>
        %shift_left3A_192 = arith.constant 16 : i32
        %shift_left3A_193 = vector.broadcast %shift_left3A_192 : i32 to vector<16xi32>
        %shift_left3A_194 = arith.shli %bitcast3A_185, %shift_left3A_193 : vector<16xi32>
        %bitcast3A_195 = vector.bitcast %shift_left3A_194 : vector<16xi32> to vector<16xf32>
        %and3A_196 = arith.andi %bitcast3A_185, %broadcast_in_dim3A_108 : vector<16xi32>
        %bitcast3A_197 = vector.bitcast %and3A_196 : vector<16xi32> to vector<16xf32>
        %shift_left3A_198 = arith.constant 16 : i32
        %shift_left3A_199 = vector.broadcast %shift_left3A_198 : i32 to vector<16xi32>
        %shift_left3A_200 = arith.shli %bitcast3A_191, %shift_left3A_199 : vector<16xi32>
        %bitcast3A_201 = vector.bitcast %shift_left3A_200 : vector<16xi32> to vector<16xf32>
        %and3A_202 = arith.andi %bitcast3A_191, %broadcast_in_dim3A_108 : vector<16xi32>
        %bitcast3A_203 = vector.bitcast %and3A_202 : vector<16xi32> to vector<16xf32>
        %add3A_204 = arith.addf %bitcast3A_195, %bitcast3A_197 : vector<16xf32>
        %add3A_205 = arith.addf %bitcast3A_201, %bitcast3A_203 : vector<16xf32>
        %add3A_206 = arith.addf %add3A_204, %add3A_205 : vector<16xf32>
        %swap3A_207 = arith.constant 1 : i32
        %swap3A_208 = arith.index_cast %swap3A_207 : i32 to index
        %swap3A_209 = arith.constant 0 : index
        %swap3A_210 = tpu.vector_load %arg19[%swap3A_208, %swap3A_209] {strides = array<i32>} : memref<16x16xf32, #tpu.memory_space<vmem>>, vector<16xf32>,
        tpu.vector_store %arg19[%swap3A_208, %swap3A_209], %add3A_206 {strides = array<i32>} : memref<16x16xf32, #tpu.memory_space<vmem>>, vector<16xf32>,
        %mul3A_211 = arith.constant 16 : i32
        %mul3A_212 = arith.muli %scan3A_98, %mul3A_211 : i32
        %add3A_213 = arith.constant 2 : i32
        %add3A_214 = arith.addi %mul3A_212, %add3A_213 : i32
        %get3A_215 = arith.index_cast %add3A_214 : i32 to index
        %get3A_216 = arith.constant 0 : index
        %get3A_217 = tpu.vector_load %arg16[%get3A_215, %get3A_216] {strides = array<i32>} : memref<128x32xi32, #tpu.memory_space<vmem>>, vector<16xi32>,
        %get3A_218 = arith.index_cast %add3A_214 : i32 to index
        %get3A_219 = arith.constant 16 : index
        %get3A_220 = tpu.vector_load %arg16[%get3A_218, %get3A_219] {strides = array<i32>} : memref<128x32xi32, #tpu.memory_space<vmem>>, vector<16xi32>,
        %get3A_221 = arith.index_cast %add3A_214 : i32 to index
        %get3A_222 = arith.constant 0 : index
        %get3A_223 = tpu.vector_load %arg17[%get3A_221, %get3A_222] {strides = array<i32>} : memref<128x32xi32, #tpu.memory_space<vmem>>, vector<16xi32>,
        %get3A_224 = arith.index_cast %add3A_214 : i32 to index
        %get3A_225 = arith.constant 16 : index
        %get3A_226 = tpu.vector_load %arg17[%get3A_224, %get3A_225] {strides = array<i32>} : memref<128x32xi32, #tpu.memory_space<vmem>>, vector<16xi32>,
        %get3A_227 = arith.index_cast %add3A_214 : i32 to index
        %get3A_228 = arith.constant 0 : index
        %get3A_229 = tpu.vector_load %arg18[%get3A_227, %get3A_228] {strides = array<i32>} : memref<128x32xi32, #tpu.memory_space<vmem>>, vector<16xi32>,
        %get3A_230 = arith.index_cast %add3A_214 : i32 to index
        %get3A_231 = arith.constant 16 : index
        %get3A_232 = tpu.vector_load %arg18[%get3A_230, %get3A_231] {strides = array<i32>} : memref<128x32xi32, #tpu.memory_space<vmem>>, vector<16xi32>,
        %bitcast3A_233 = vector.bitcast %get3A_217 : vector<16xi32> to vector<32xbf16>
        %bitcast3A_234 = vector.bitcast %get3A_229 : vector<16xi32> to vector<32xbf16>
        %bitcast3A_235 = vector.bitcast %get3A_223 : vector<16xi32> to vector<32xbf16>
        %sub3A_236 = arith.subf %bitcast3A_234, %bitcast3A_235 : vector<32xbf16>
        %mul3A_237 = arith.mulf %bitcast3A_233, %sub3A_236 : vector<32xbf16>
        %bitcast3A_238 = vector.bitcast %mul3A_237 : vector<32xbf16> to vector<16xi32>
        %bitcast3A_239 = vector.bitcast %get3A_220 : vector<16xi32> to vector<32xbf16>
        %bitcast3A_240 = vector.bitcast %get3A_232 : vector<16xi32> to vector<32xbf16>
        %bitcast3A_241 = vector.bitcast %get3A_226 : vector<16xi32> to vector<32xbf16>
        %sub3A_242 = arith.subf %bitcast3A_240, %bitcast3A_241 : vector<32xbf16>
        %mul3A_243 = arith.mulf %bitcast3A_239, %sub3A_242 : vector<32xbf16>
        %bitcast3A_244 = vector.bitcast %mul3A_243 : vector<32xbf16> to vector<16xi32>
        %shift_left3A_245 = arith.constant 16 : i32
        %shift_left3A_246 = vector.broadcast %shift_left3A_245 : i32 to vector<16xi32>
        %shift_left3A_247 = arith.shli %bitcast3A_238, %shift_left3A_246 : vector<16xi32>
        %bitcast3A_248 = vector.bitcast %shift_left3A_247 : vector<16xi32> to vector<16xf32>
        %and3A_249 = arith.andi %bitcast3A_238, %broadcast_in_dim3A_108 : vector<16xi32>
        %bitcast3A_250 = vector.bitcast %and3A_249 : vector<16xi32> to vector<16xf32>
        %shift_left3A_251 = arith.constant 16 : i32
        %shift_left3A_252 = vector.broadcast %shift_left3A_251 : i32 to vector<16xi32>
        %shift_left3A_253 = arith.shli %bitcast3A_244, %shift_left3A_252 : vector<16xi32>
        %bitcast3A_254 = vector.bitcast %shift_left3A_253 : vector<16xi32> to vector<16xf32>
        %and3A_255 = arith.andi %bitcast3A_244, %broadcast_in_dim3A_108 : vector<16xi32>
        %bitcast3A_256 = vector.bitcast %and3A_255 : vector<16xi32> to vector<16xf32>
        %add3A_257 = arith.addf %bitcast3A_248, %bitcast3A_250 : vector<16xf32>
        %add3A_258 = arith.addf %bitcast3A_254, %bitcast3A_256 : vector<16xf32>
        %add3A_259 = arith.addf %add3A_257, %add3A_258 : vector<16xf32>
        %swap3A_260 = arith.constant 2 : i32
        %swap3A_261 = arith.index_cast %swap3A_260 : i32 to index
        %swap3A_262 = arith.constant 0 : index
        %swap3A_263 = tpu.vector_load %arg19[%swap3A_261, %swap3A_262] {strides = array<i32>} : memref<16x16xf32, #tpu.memory_space<vmem>>, vector<16xf32>,
        tpu.vector_store %arg19[%swap3A_261, %swap3A_262], %add3A_259 {strides = array<i32>} : memref<16x16xf32, #tpu.memory_space<vmem>>, vector<16xf32>,
        %mul3A_264 = arith.constant 16 : i32
        %mul3A_265 = arith.muli %scan3A_98, %mul3A_264 : i32
        %add3A_266 = arith.constant 3 : i32
        %add3A_267 = arith.addi %mul3A_265, %add3A_266 : i32
        %get3A_268 = arith.index_cast %add3A_267 : i32 to index
        %get3A_269 = arith.constant 0 : index
        %get3A_270 = tpu.vector_load %arg16[%get3A_268, %get3A_269] {strides = array<i32>} : memref<128x32xi32, #tpu.memory_space<vmem>>, vector<16xi32>,
        %get3A_271 = arith.index_cast %add3A_267 : i32 to index
        %get3A_272 = arith.constant 16 : index
        %get3A_273 = tpu.vector_load %arg16[%get3A_271, %get3A_272] {strides = array<i32>} : memref<128x32xi32, #tpu.memory_space<vmem>>, vector<16xi32>,
        %get3A_274 = arith.index_cast %add3A_267 : i32 to index
        %get3A_275 = arith.constant 0 : index
        %get3A_276 = tpu.vector_load %arg17[%get3A_274, %get3A_275] {strides = array<i32>} : memref<128x32xi32, #tpu.memory_space<vmem>>, vector<16xi32>,
        %get3A_277 = arith.index_cast %add3A_267 : i32 to index
        %get3A_278 = arith.constant 16 : index
        %get3A_279 = tpu.vector_load %arg17[%get3A_277, %get3A_278] {strides = array<i32>} : memref<128x32xi32, #tpu.memory_space<vmem>>, vector<16xi32>,
        %get3A_280 = arith.index_cast %add3A_267 : i32 to index
        %get3A_281 = arith.constant 0 : index
        %get3A_282 = tpu.vector_load %arg18[%get3A_280, %get3A_281] {strides = array<i32>} : memref<128x32xi32, #tpu.memory_space<vmem>>, vector<16xi32>,
        %get3A_283 = arith.index_cast %add3A_267 : i32 to index
        %get3A_284 = arith.constant 16 : index
        %get3A_285 = tpu.vector_load %arg18[%get3A_283, %get3A_284] {strides = array<i32>} : memref<128x32xi32, #tpu.memory_space<vmem>>, vector<16xi32>,
        %bitcast3A_286 = vector.bitcast %get3A_270 : vector<16xi32> to vector<32xbf16>
        %bitcast3A_287 = vector.bitcast %get3A_282 : vector<16xi32> to vector<32xbf16>
        %bitcast3A_288 = vector.bitcast %get3A_276 : vector<16xi32> to vector<32xbf16>
        %sub3A_289 = arith.subf %bitcast3A_287, %bitcast3A_288 : vector<32xbf16>
        %mul3A_290 = arith.mulf %bitcast3A_286, %sub3A_289 : vector<32xbf16>
        %bitcast3A_291 = vector.bitcast %mul3A_290 : vector<32xbf16> to vector<16xi32>
        %bitcast3A_292 = vector.bitcast %get3A_273 : vector<16xi32> to vector<32xbf16>
        %bitcast3A_293 = vector.bitcast %get3A_285 : vector<16xi32> to vector<32xbf16>
        %bitcast3A_294 = vector.bitcast %get3A_279 : vector<16xi32> to vector<32xbf16>
        %sub3A_295 = arith.subf %bitcast3A_293, %bitcast3A_294 : vector<32xbf16>
        %mul3A_296 = arith.mulf %bitcast3A_292, %sub3A_295 : vector<32xbf16>
        %bitcast3A_297 = vector.bitcast %mul3A_296 : vector<32xbf16> to vector<16xi32>
        %shift_left3A_298 = arith.constant 16 : i32
        %shift_left3A_299 = vector.broadcast %shift_left3A_298 : i32 to vector<16xi32>
        %shift_left3A_300 = arith.shli %bitcast3A_291, %shift_left3A_299 : vector<16xi32>
        %bitcast3A_301 = vector.bitcast %shift_left3A_300 : vector<16xi32> to vector<16xf32>
        %and3A_302 = arith.andi %bitcast3A_291, %broadcast_in_dim3A_108 : vector<16xi32>
        %bitcast3A_303 = vector.bitcast %and3A_302 : vector<16xi32> to vector<16xf32>
        %shift_left3A_304 = arith.constant 16 : i32
        %shift_left3A_305 = vector.broadcast %shift_left3A_304 : i32 to vector<16xi32>
        %shift_left3A_306 = arith.shli %bitcast3A_297, %shift_left3A_305 : vector<16xi32>
        %bitcast3A_307 = vector.bitcast %shift_left3A_306 : vector<16xi32> to vector<16xf32>
        %and3A_308 = arith.andi %bitcast3A_297, %broadcast_in_dim3A_108 : vector<16xi32>
        %bitcast3A_309 = vector.bitcast %and3A_308 : vector<16xi32> to vector<16xf32>
        %add3A_310 = arith.addf %bitcast3A_301, %bitcast3A_303 : vector<16xf32>
        %add3A_311 = arith.addf %bitcast3A_307, %bitcast3A_309 : vector<16xf32>
        %add3A_312 = arith.addf %add3A_310, %add3A_311 : vector<16xf32>
        %swap3A_313 = arith.constant 3 : i32
        %swap3A_314 = arith.index_cast %swap3A_313 : i32 to index
        %swap3A_315 = arith.constant 0 : index
        %swap3A_316 = tpu.vector_load %arg19[%swap3A_314, %swap3A_315] {strides = array<i32>} : memref<16x16xf32, #tpu.memory_space<vmem>>, vector<16xf32>,
        tpu.vector_store %arg19[%swap3A_314, %swap3A_315], %add3A_312 {strides = array<i32>} : memref<16x16xf32, #tpu.memory_space<vmem>>, vector<16xf32>,
        %mul3A_317 = arith.constant 16 : i32
        %mul3A_318 = arith.muli %scan3A_98, %mul3A_317 : i32
        %add3A_319 = arith.constant 4 : i32
        %add3A_320 = arith.addi %mul3A_318, %add3A_319 : i32
        %get3A_321 = arith.index_cast %add3A_320 : i32 to index
        %get3A_322 = arith.constant 0 : index
        %get3A_323 = tpu.vector_load %arg16[%get3A_321, %get3A_322] {strides = array<i32>} : memref<128x32xi32, #tpu.memory_space<vmem>>, vector<16xi32>,
        %get3A_324 = arith.index_cast %add3A_320 : i32 to index
        %get3A_325 = arith.constant 16 : index
        %get3A_326 = tpu.vector_load %arg16[%get3A_324, %get3A_325] {strides = array<i32>} : memref<128x32xi32, #tpu.memory_space<vmem>>, vector<16xi32>,
        %get3A_327 = arith.index_cast %add3A_320 : i32 to index
        %get3A_328 = arith.constant 0 : index
        %get3A_329 = tpu.vector_load %arg17[%get3A_327, %get3A_328] {strides = array<i32>} : memref<128x32xi32, #tpu.memory_space<vmem>>, vector<16xi32>,
        %get3A_330 = arith.index_cast %add3A_320 : i32 to index
        %get3A_331 = arith.constant 16 : index
        %get3A_332 = tpu.vector_load %arg17[%get3A_330, %get3A_331] {strides = array<i32>} : memref<128x32xi32, #tpu.memory_space<vmem>>, vector<16xi32>,
        %get3A_333 = arith.index_cast %add3A_320 : i32 to index
        %get3A_334 = arith.constant 0 : index
        %get3A_335 = tpu.vector_load %arg18[%get3A_333, %get3A_334] {strides = array<i32>} : memref<128x32xi32, #tpu.memory_space<vmem>>, vector<16xi32>,
        %get3A_336 = arith.index_cast %add3A_320 : i32 to index
        %get3A_337 = arith.constant 16 : index
        %get3A_338 = tpu.vector_load %arg18[%get3A_336, %get3A_337] {strides = array<i32>} : memref<128x32xi32, #tpu.memory_space<vmem>>, vector<16xi32>,
        %bitcast3A_339 = vector.bitcast %get3A_323 : vector<16xi32> to vector<32xbf16>
        %bitcast3A_340 = vector.bitcast %get3A_335 : vector<16xi32> to vector<32xbf16>
        %bitcast3A_341 = vector.bitcast %get3A_329 : vector<16xi32> to vector<32xbf16>
        %sub3A_342 = arith.subf %bitcast3A_340, %bitcast3A_341 : vector<32xbf16>
        %mul3A_343 = arith.mulf %bitcast3A_339, %sub3A_342 : vector<32xbf16>
        %bitcast3A_344 = vector.bitcast %mul3A_343 : vector<32xbf16> to vector<16xi32>
        %bitcast3A_345 = vector.bitcast %get3A_326 : vector<16xi32> to vector<32xbf16>
        %bitcast3A_346 = vector.bitcast %get3A_338 : vector<16xi32> to vector<32xbf16>
        %bitcast3A_347 = vector.bitcast %get3A_332 : vector<16xi32> to vector<32xbf16>
        %sub3A_348 = arith.subf %bitcast3A_346, %bitcast3A_347 : vector<32xbf16>
        %mul3A_349 = arith.mulf %bitcast3A_345, %sub3A_348 : vector<32xbf16>
        %bitcast3A_350 = vector.bitcast %mul3A_349 : vector<32xbf16> to vector<16xi32>
        %shift_left3A_351 = arith.constant 16 : i32
        %shift_left3A_352 = vector.broadcast %shift_left3A_351 : i32 to vector<16xi32>
        %shift_left3A_353 = arith.shli %bitcast3A_344, %shift_left3A_352 : vector<16xi32>
        %bitcast3A_354 = vector.bitcast %shift_left3A_353 : vector<16xi32> to vector<16xf32>
        %and3A_355 = arith.andi %bitcast3A_344, %broadcast_in_dim3A_108 : vector<16xi32>
        %bitcast3A_356 = vector.bitcast %and3A_355 : vector<16xi32> to vector<16xf32>
        %shift_left3A_357 = arith.constant 16 : i32
        %shift_left3A_358 = vector.broadcast %shift_left3A_357 : i32 to vector<16xi32>
        %shift_left3A_359 = arith.shli %bitcast3A_350, %shift_left3A_358 : vector<16xi32>
        %bitcast3A_360 = vector.bitcast %shift_left3A_359 : vector<16xi32> to vector<16xf32>
        %and3A_361 = arith.andi %bitcast3A_350, %broadcast_in_dim3A_108 : vector<16xi32>
        %bitcast3A_362 = vector.bitcast %and3A_361 : vector<16xi32> to vector<16xf32>
        %add3A_363 = arith.addf %bitcast3A_354, %bitcast3A_356 : vector<16xf32>
        %add3A_364 = arith.addf %bitcast3A_360, %bitcast3A_362 : vector<16xf32>
        %add3A_365 = arith.addf %add3A_363, %add3A_364 : vector<16xf32>
        %swap3A_366 = arith.constant 4 : i32
        %swap3A_367 = arith.index_cast %swap3A_366 : i32 to index
        %swap3A_368 = arith.constant 0 : index
        %swap3A_369 = tpu.vector_load %arg19[%swap3A_367, %swap3A_368] {strides = array<i32>} : memref<16x16xf32, #tpu.memory_space<vmem>>, vector<16xf32>,
        tpu.vector_store %arg19[%swap3A_367, %swap3A_368], %add3A_365 {strides = array<i32>} : memref<16x16xf32, #tpu.memory_space<vmem>>, vector<16xf32>,
        %mul3A_370 = arith.constant 16 : i32
        %mul3A_371 = arith.muli %scan3A_98, %mul3A_370 : i32
        %add3A_372 = arith.constant 5 : i32
        %add3A_373 = arith.addi %mul3A_371, %add3A_372 : i32
        %get3A_374 = arith.index_cast %add3A_373 : i32 to index
        %get3A_375 = arith.constant 0 : index
        %get3A_376 = tpu.vector_load %arg16[%get3A_374, %get3A_375] {strides = array<i32>} : memref<128x32xi32, #tpu.memory_space<vmem>>, vector<16xi32>,
        %get3A_377 = arith.index_cast %add3A_373 : i32 to index
        %get3A_378 = arith.constant 16 : index
        %get3A_379 = tpu.vector_load %arg16[%get3A_377, %get3A_378] {strides = array<i32>} : memref<128x32xi32, #tpu.memory_space<vmem>>, vector<16xi32>,
        %get3A_380 = arith.index_cast %add3A_373 : i32 to index
        %get3A_381 = arith.constant 0 : index
        %get3A_382 = tpu.vector_load %arg17[%get3A_380, %get3A_381] {strides = array<i32>} : memref<128x32xi32, #tpu.memory_space<vmem>>, vector<16xi32>,
        %get3A_383 = arith.index_cast %add3A_373 : i32 to index
        %get3A_384 = arith.constant 16 : index
        %get3A_385 = tpu.vector_load %arg17[%get3A_383, %get3A_384] {strides = array<i32>} : memref<128x32xi32, #tpu.memory_space<vmem>>, vector<16xi32>,
        %get3A_386 = arith.index_cast %add3A_373 : i32 to index
        %get3A_387 = arith.constant 0 : index
        %get3A_388 = tpu.vector_load %arg18[%get3A_386, %get3A_387] {strides = array<i32>} : memref<128x32xi32, #tpu.memory_space<vmem>>, vector<16xi32>,
        %get3A_389 = arith.index_cast %add3A_373 : i32 to index
        %get3A_390 = arith.constant 16 : index
        %get3A_391 = tpu.vector_load %arg18[%get3A_389, %get3A_390] {strides = array<i32>} : memref<128x32xi32, #tpu.memory_space<vmem>>, vector<16xi32>,
        %bitcast3A_392 = vector.bitcast %get3A_376 : vector<16xi32> to vector<32xbf16>
        %bitcast3A_393 = vector.bitcast %get3A_388 : vector<16xi32> to vector<32xbf16>
        %bitcast3A_394 = vector.bitcast %get3A_382 : vector<16xi32> to vector<32xbf16>
        %sub3A_395 = arith.subf %bitcast3A_393, %bitcast3A_394 : vector<32xbf16>
        %mul3A_396 = arith.mulf %bitcast3A_392, %sub3A_395 : vector<32xbf16>
        %bitcast3A_397 = vector.bitcast %mul3A_396 : vector<32xbf16> to vector<16xi32>
        %bitcast3A_398 = vector.bitcast %get3A_379 : vector<16xi32> to vector<32xbf16>
        %bitcast3A_399 = vector.bitcast %get3A_391 : vector<16xi32> to vector<32xbf16>
        %bitcast3A_400 = vector.bitcast %get3A_385 : vector<16xi32> to vector<32xbf16>
        %sub3A_401 = arith.subf %bitcast3A_399, %bitcast3A_400 : vector<32xbf16>
        %mul3A_402 = arith.mulf %bitcast3A_398, %sub3A_401 : vector<32xbf16>
        %bitcast3A_403 = vector.bitcast %mul3A_402 : vector<32xbf16> to vector<16xi32>
        %shift_left3A_404 = arith.constant 16 : i32
        %shift_left3A_405 = vector.broadcast %shift_left3A_404 : i32 to vector<16xi32>
        %shift_left3A_406 = arith.shli %bitcast3A_397, %shift_left3A_405 : vector<16xi32>
        %bitcast3A_407 = vector.bitcast %shift_left3A_406 : vector<16xi32> to vector<16xf32>
        %and3A_408 = arith.andi %bitcast3A_397, %broadcast_in_dim3A_108 : vector<16xi32>
        %bitcast3A_409 = vector.bitcast %and3A_408 : vector<16xi32> to vector<16xf32>
        %shift_left3A_410 = arith.constant 16 : i32
        %shift_left3A_411 = vector.broadcast %shift_left3A_410 : i32 to vector<16xi32>
        %shift_left3A_412 = arith.shli %bitcast3A_403, %shift_left3A_411 : vector<16xi32>
        %bitcast3A_413 = vector.bitcast %shift_left3A_412 : vector<16xi32> to vector<16xf32>
        %and3A_414 = arith.andi %bitcast3A_403, %broadcast_in_dim3A_108 : vector<16xi32>
        %bitcast3A_415 = vector.bitcast %and3A_414 : vector<16xi32> to vector<16xf32>
        %add3A_416 = arith.addf %bitcast3A_407, %bitcast3A_409 : vector<16xf32>
        %add3A_417 = arith.addf %bitcast3A_413, %bitcast3A_415 : vector<16xf32>
        %add3A_418 = arith.addf %add3A_416, %add3A_417 : vector<16xf32>
        %swap3A_419 = arith.constant 5 : i32
        %swap3A_420 = arith.index_cast %swap3A_419 : i32 to index
        %swap3A_421 = arith.constant 0 : index
        %swap3A_422 = tpu.vector_load %arg19[%swap3A_420, %swap3A_421] {strides = array<i32>} : memref<16x16xf32, #tpu.memory_space<vmem>>, vector<16xf32>,
        tpu.vector_store %arg19[%swap3A_420, %swap3A_421], %add3A_418 {strides = array<i32>} : memref<16x16xf32, #tpu.memory_space<vmem>>, vector<16xf32>,
        %mul3A_423 = arith.constant 16 : i32
        %mul3A_424 = arith.muli %scan3A_98, %mul3A_423 : i32
        %add3A_425 = arith.constant 6 : i32
        %add3A_426 = arith.addi %mul3A_424, %add3A_425 : i32
        %get3A_427 = arith.index_cast %add3A_426 : i32 to index
        %get3A_428 = arith.constant 0 : index
        %get3A_429 = tpu.vector_load %arg16[%get3A_427, %get3A_428] {strides = array<i32>} : memref<128x32xi32, #tpu.memory_space<vmem>>, vector<16xi32>,
        %get3A_430 = arith.index_cast %add3A_426 : i32 to index
        %get3A_431 = arith.constant 16 : index
        %get3A_432 = tpu.vector_load %arg16[%get3A_430, %get3A_431] {strides = array<i32>} : memref<128x32xi32, #tpu.memory_space<vmem>>, vector<16xi32>,
        %get3A_433 = arith.index_cast %add3A_426 : i32 to index
        %get3A_434 = arith.constant 0 : index
        %get3A_435 = tpu.vector_load %arg17[%get3A_433, %get3A_434] {strides = array<i32>} : memref<128x32xi32, #tpu.memory_space<vmem>>, vector<16xi32>,
        %get3A_436 = arith.index_cast %add3A_426 : i32 to index
        %get3A_437 = arith.constant 16 : index
        %get3A_438 = tpu.vector_load %arg17[%get3A_436, %get3A_437] {strides = array<i32>} : memref<128x32xi32, #tpu.memory_space<vmem>>, vector<16xi32>,
        %get3A_439 = arith.index_cast %add3A_426 : i32 to index
        %get3A_440 = arith.constant 0 : index
        %get3A_441 = tpu.vector_load %arg18[%get3A_439, %get3A_440] {strides = array<i32>} : memref<128x32xi32, #tpu.memory_space<vmem>>, vector<16xi32>,
        %get3A_442 = arith.index_cast %add3A_426 : i32 to index
        %get3A_443 = arith.constant 16 : index
        %get3A_444 = tpu.vector_load %arg18[%get3A_442, %get3A_443] {strides = array<i32>} : memref<128x32xi32, #tpu.memory_space<vmem>>, vector<16xi32>,
        %bitcast3A_445 = vector.bitcast %get3A_429 : vector<16xi32> to vector<32xbf16>
        %bitcast3A_446 = vector.bitcast %get3A_441 : vector<16xi32> to vector<32xbf16>
        %bitcast3A_447 = vector.bitcast %get3A_435 : vector<16xi32> to vector<32xbf16>
        %sub3A_448 = arith.subf %bitcast3A_446, %bitcast3A_447 : vector<32xbf16>
        %mul3A_449 = arith.mulf %bitcast3A_445, %sub3A_448 : vector<32xbf16>
        %bitcast3A_450 = vector.bitcast %mul3A_449 : vector<32xbf16> to vector<16xi32>
        %bitcast3A_451 = vector.bitcast %get3A_432 : vector<16xi32> to vector<32xbf16>
        %bitcast3A_452 = vector.bitcast %get3A_444 : vector<16xi32> to vector<32xbf16>
        %bitcast3A_453 = vector.bitcast %get3A_438 : vector<16xi32> to vector<32xbf16>
        %sub3A_454 = arith.subf %bitcast3A_452, %bitcast3A_453 : vector<32xbf16>
        %mul3A_455 = arith.mulf %bitcast3A_451, %sub3A_454 : vector<32xbf16>
        %bitcast3A_456 = vector.bitcast %mul3A_455 : vector<32xbf16> to vector<16xi32>
        %shift_left3A_457 = arith.constant 16 : i32
        %shift_left3A_458 = vector.broadcast %shift_left3A_457 : i32 to vector<16xi32>
        %shift_left3A_459 = arith.shli %bitcast3A_450, %shift_left3A_458 : vector<16xi32>
        %bitcast3A_460 = vector.bitcast %shift_left3A_459 : vector<16xi32> to vector<16xf32>
        %and3A_461 = arith.andi %bitcast3A_450, %broadcast_in_dim3A_108 : vector<16xi32>
        %bitcast3A_462 = vector.bitcast %and3A_461 : vector<16xi32> to vector<16xf32>
        %shift_left3A_463 = arith.constant 16 : i32
        %shift_left3A_464 = vector.broadcast %shift_left3A_463 : i32 to vector<16xi32>
        %shift_left3A_465 = arith.shli %bitcast3A_456, %shift_left3A_464 : vector<16xi32>
        %bitcast3A_466 = vector.bitcast %shift_left3A_465 : vector<16xi32> to vector<16xf32>
        %and3A_467 = arith.andi %bitcast3A_456, %broadcast_in_dim3A_108 : vector<16xi32>
        %bitcast3A_468 = vector.bitcast %and3A_467 : vector<16xi32> to vector<16xf32>
        %add3A_469 = arith.addf %bitcast3A_460, %bitcast3A_462 : vector<16xf32>
        %add3A_470 = arith.addf %bitcast3A_466, %bitcast3A_468 : vector<16xf32>
        %add3A_471 = arith.addf %add3A_469, %add3A_470 : vector<16xf32>
        %swap3A_472 = arith.constant 6 : i32
        %swap3A_473 = arith.index_cast %swap3A_472 : i32 to index
        %swap3A_474 = arith.constant 0 : index
        %swap3A_475 = tpu.vector_load %arg19[%swap3A_473, %swap3A_474] {strides = array<i32>} : memref<16x16xf32, #tpu.memory_space<vmem>>, vector<16xf32>,
        tpu.vector_store %arg19[%swap3A_473, %swap3A_474], %add3A_471 {strides = array<i32>} : memref<16x16xf32, #tpu.memory_space<vmem>>, vector<16xf32>,
        %mul3A_476 = arith.constant 16 : i32
        %mul3A_477 = arith.muli %scan3A_98, %mul3A_476 : i32
        %add3A_478 = arith.constant 7 : i32
        %add3A_479 = arith.addi %mul3A_477, %add3A_478 : i32
        %get3A_480 = arith.index_cast %add3A_479 : i32 to index
        %get3A_481 = arith.constant 0 : index
        %get3A_482 = tpu.vector_load %arg16[%get3A_480, %get3A_481] {strides = array<i32>} : memref<128x32xi32, #tpu.memory_space<vmem>>, vector<16xi32>,
        %get3A_483 = arith.index_cast %add3A_479 : i32 to index
        %get3A_484 = arith.constant 16 : index
        %get3A_485 = tpu.vector_load %arg16[%get3A_483, %get3A_484] {strides = array<i32>} : memref<128x32xi32, #tpu.memory_space<vmem>>, vector<16xi32>,
        %get3A_486 = arith.index_cast %add3A_479 : i32 to index
        %get3A_487 = arith.constant 0 : index
        %get3A_488 = tpu.vector_load %arg17[%get3A_486, %get3A_487] {strides = array<i32>} : memref<128x32xi32, #tpu.memory_space<vmem>>, vector<16xi32>,
        %get3A_489 = arith.index_cast %add3A_479 : i32 to index
        %get3A_490 = arith.constant 16 : index
        %get3A_491 = tpu.vector_load %arg17[%get3A_489, %get3A_490] {strides = array<i32>} : memref<128x32xi32, #tpu.memory_space<vmem>>, vector<16xi32>,
        %get3A_492 = arith.index_cast %add3A_479 : i32 to index
        %get3A_493 = arith.constant 0 : index
        %get3A_494 = tpu.vector_load %arg18[%get3A_492, %get3A_493] {strides = array<i32>} : memref<128x32xi32, #tpu.memory_space<vmem>>, vector<16xi32>,
        %get3A_495 = arith.index_cast %add3A_479 : i32 to index
        %get3A_496 = arith.constant 16 : index
        %get3A_497 = tpu.vector_load %arg18[%get3A_495, %get3A_496] {strides = array<i32>} : memref<128x32xi32, #tpu.memory_space<vmem>>, vector<16xi32>,
        %bitcast3A_498 = vector.bitcast %get3A_482 : vector<16xi32> to vector<32xbf16>
        %bitcast3A_499 = vector.bitcast %get3A_494 : vector<16xi32> to vector<32xbf16>
        %bitcast3A_500 = vector.bitcast %get3A_488 : vector<16xi32> to vector<32xbf16>
        %sub3A_501 = arith.subf %bitcast3A_499, %bitcast3A_500 : vector<32xbf16>
        %mul3A_502 = arith.mulf %bitcast3A_498, %sub3A_501 : vector<32xbf16>
        %bitcast3A_503 = vector.bitcast %mul3A_502 : vector<32xbf16> to vector<16xi32>
        %bitcast3A_504 = vector.bitcast %get3A_485 : vector<16xi32> to vector<32xbf16>
        %bitcast3A_505 = vector.bitcast %get3A_497 : vector<16xi32> to vector<32xbf16>
        %bitcast3A_506 = vector.bitcast %get3A_491 : vector<16xi32> to vector<32xbf16>
        %sub3A_507 = arith.subf %bitcast3A_505, %bitcast3A_506 : vector<32xbf16>
        %mul3A_508 = arith.mulf %bitcast3A_504, %sub3A_507 : vector<32xbf16>
        %bitcast3A_509 = vector.bitcast %mul3A_508 : vector<32xbf16> to vector<16xi32>
        %shift_left3A_510 = arith.constant 16 : i32
        %shift_left3A_511 = vector.broadcast %shift_left3A_510 : i32 to vector<16xi32>
        %shift_left3A_512 = arith.shli %bitcast3A_503, %shift_left3A_511 : vector<16xi32>
        %bitcast3A_513 = vector.bitcast %shift_left3A_512 : vector<16xi32> to vector<16xf32>
        %and3A_514 = arith.andi %bitcast3A_503, %broadcast_in_dim3A_108 : vector<16xi32>
        %bitcast3A_515 = vector.bitcast %and3A_514 : vector<16xi32> to vector<16xf32>
        %shift_left3A_516 = arith.constant 16 : i32
        %shift_left3A_517 = vector.broadcast %shift_left3A_516 : i32 to vector<16xi32>
        %shift_left3A_518 = arith.shli %bitcast3A_509, %shift_left3A_517 : vector<16xi32>
        %bitcast3A_519 = vector.bitcast %shift_left3A_518 : vector<16xi32> to vector<16xf32>
        %and3A_520 = arith.andi %bitcast3A_509, %broadcast_in_dim3A_108 : vector<16xi32>
        %bitcast3A_521 = vector.bitcast %and3A_520 : vector<16xi32> to vector<16xf32>
        %add3A_522 = arith.addf %bitcast3A_513, %bitcast3A_515 : vector<16xf32>
        %add3A_523 = arith.addf %bitcast3A_519, %bitcast3A_521 : vector<16xf32>
        %add3A_524 = arith.addf %add3A_522, %add3A_523 : vector<16xf32>
        %swap3A_525 = arith.constant 7 : i32
        %swap3A_526 = arith.index_cast %swap3A_525 : i32 to index
        %swap3A_527 = arith.constant 0 : index
        %swap3A_528 = tpu.vector_load %arg19[%swap3A_526, %swap3A_527] {strides = array<i32>} : memref<16x16xf32, #tpu.memory_space<vmem>>, vector<16xf32>,
        tpu.vector_store %arg19[%swap3A_526, %swap3A_527], %add3A_524 {strides = array<i32>} : memref<16x16xf32, #tpu.memory_space<vmem>>, vector<16xf32>,
        %mul3A_529 = arith.constant 16 : i32
        %mul3A_530 = arith.muli %scan3A_98, %mul3A_529 : i32
        %add3A_531 = arith.constant 8 : i32
        %add3A_532 = arith.addi %mul3A_530, %add3A_531 : i32
        %get3A_533 = arith.index_cast %add3A_532 : i32 to index
        %get3A_534 = arith.constant 0 : index
        %get3A_535 = tpu.vector_load %arg16[%get3A_533, %get3A_534] {strides = array<i32>} : memref<128x32xi32, #tpu.memory_space<vmem>>, vector<16xi32>,
        %get3A_536 = arith.index_cast %add3A_532 : i32 to index
        %get3A_537 = arith.constant 16 : index
        %get3A_538 = tpu.vector_load %arg16[%get3A_536, %get3A_537] {strides = array<i32>} : memref<128x32xi32, #tpu.memory_space<vmem>>, vector<16xi32>,
        %get3A_539 = arith.index_cast %add3A_532 : i32 to index
        %get3A_540 = arith.constant 0 : index
        %get3A_541 = tpu.vector_load %arg17[%get3A_539, %get3A_540] {strides = array<i32>} : memref<128x32xi32, #tpu.memory_space<vmem>>, vector<16xi32>,
        %get3A_542 = arith.index_cast %add3A_532 : i32 to index
        %get3A_543 = arith.constant 16 : index
        %get3A_544 = tpu.vector_load %arg17[%get3A_542, %get3A_543] {strides = array<i32>} : memref<128x32xi32, #tpu.memory_space<vmem>>, vector<16xi32>,
        %get3A_545 = arith.index_cast %add3A_532 : i32 to index
        %get3A_546 = arith.constant 0 : index
        %get3A_547 = tpu.vector_load %arg18[%get3A_545, %get3A_546] {strides = array<i32>} : memref<128x32xi32, #tpu.memory_space<vmem>>, vector<16xi32>,
        %get3A_548 = arith.index_cast %add3A_532 : i32 to index
        %get3A_549 = arith.constant 16 : index
        %get3A_550 = tpu.vector_load %arg18[%get3A_548, %get3A_549] {strides = array<i32>} : memref<128x32xi32, #tpu.memory_space<vmem>>, vector<16xi32>,
        %bitcast3A_551 = vector.bitcast %get3A_535 : vector<16xi32> to vector<32xbf16>
        %bitcast3A_552 = vector.bitcast %get3A_547 : vector<16xi32> to vector<32xbf16>
        %bitcast3A_553 = vector.bitcast %get3A_541 : vector<16xi32> to vector<32xbf16>
        %sub3A_554 = arith.subf %bitcast3A_552, %bitcast3A_553 : vector<32xbf16>
        %mul3A_555 = arith.mulf %bitcast3A_551, %sub3A_554 : vector<32xbf16>
        %bitcast3A_556 = vector.bitcast %mul3A_555 : vector<32xbf16> to vector<16xi32>
        %bitcast3A_557 = vector.bitcast %get3A_538 : vector<16xi32> to vector<32xbf16>
        %bitcast3A_558 = vector.bitcast %get3A_550 : vector<16xi32> to vector<32xbf16>
        %bitcast3A_559 = vector.bitcast %get3A_544 : vector<16xi32> to vector<32xbf16>
        %sub3A_560 = arith.subf %bitcast3A_558, %bitcast3A_559 : vector<32xbf16>
        %mul3A_561 = arith.mulf %bitcast3A_557, %sub3A_560 : vector<32xbf16>
        %bitcast3A_562 = vector.bitcast %mul3A_561 : vector<32xbf16> to vector<16xi32>
        %shift_left3A_563 = arith.constant 16 : i32
        %shift_left3A_564 = vector.broadcast %shift_left3A_563 : i32 to vector<16xi32>
        %shift_left3A_565 = arith.shli %bitcast3A_556, %shift_left3A_564 : vector<16xi32>
        %bitcast3A_566 = vector.bitcast %shift_left3A_565 : vector<16xi32> to vector<16xf32>
        %and3A_567 = arith.andi %bitcast3A_556, %broadcast_in_dim3A_108 : vector<16xi32>
        %bitcast3A_568 = vector.bitcast %and3A_567 : vector<16xi32> to vector<16xf32>
        %shift_left3A_569 = arith.constant 16 : i32
        %shift_left3A_570 = vector.broadcast %shift_left3A_569 : i32 to vector<16xi32>
        %shift_left3A_571 = arith.shli %bitcast3A_562, %shift_left3A_570 : vector<16xi32>
        %bitcast3A_572 = vector.bitcast %shift_left3A_571 : vector<16xi32> to vector<16xf32>
        %and3A_573 = arith.andi %bitcast3A_562, %broadcast_in_dim3A_108 : vector<16xi32>
        %bitcast3A_574 = vector.bitcast %and3A_573 : vector<16xi32> to vector<16xf32>
        %add3A_575 = arith.addf %bitcast3A_566, %bitcast3A_568 : vector<16xf32>
        %add3A_576 = arith.addf %bitcast3A_572, %bitcast3A_574 : vector<16xf32>
        %add3A_577 = arith.addf %add3A_575, %add3A_576 : vector<16xf32>
        %swap3A_578 = arith.constant 8 : i32
        %swap3A_579 = arith.index_cast %swap3A_578 : i32 to index
        %swap3A_580 = arith.constant 0 : index
        %swap3A_581 = tpu.vector_load %arg19[%swap3A_579, %swap3A_580] {strides = array<i32>} : memref<16x16xf32, #tpu.memory_space<vmem>>, vector<16xf32>,
        tpu.vector_store %arg19[%swap3A_579, %swap3A_580], %add3A_577 {strides = array<i32>} : memref<16x16xf32, #tpu.memory_space<vmem>>, vector<16xf32>,
        %mul3A_582 = arith.constant 16 : i32
        %mul3A_583 = arith.muli %scan3A_98, %mul3A_582 : i32
        %add3A_584 = arith.constant 9 : i32
        %add3A_585 = arith.addi %mul3A_583, %add3A_584 : i32
        %get3A_586 = arith.index_cast %add3A_585 : i32 to index
        %get3A_587 = arith.constant 0 : index
        %get3A_588 = tpu.vector_load %arg16[%get3A_586, %get3A_587] {strides = array<i32>} : memref<128x32xi32, #tpu.memory_space<vmem>>, vector<16xi32>,
        %get3A_589 = arith.index_cast %add3A_585 : i32 to index
        %get3A_590 = arith.constant 16 : index
        %get3A_591 = tpu.vector_load %arg16[%get3A_589, %get3A_590] {strides = array<i32>} : memref<128x32xi32, #tpu.memory_space<vmem>>, vector<16xi32>,
        %get3A_592 = arith.index_cast %add3A_585 : i32 to index
        %get3A_593 = arith.constant 0 : index
        %get3A_594 = tpu.vector_load %arg17[%get3A_592, %get3A_593] {strides = array<i32>} : memref<128x32xi32, #tpu.memory_space<vmem>>, vector<16xi32>,
        %get3A_595 = arith.index_cast %add3A_585 : i32 to index
        %get3A_596 = arith.constant 16 : index
        %get3A_597 = tpu.vector_load %arg17[%get3A_595, %get3A_596] {strides = array<i32>} : memref<128x32xi32, #tpu.memory_space<vmem>>, vector<16xi32>,
        %get3A_598 = arith.index_cast %add3A_585 : i32 to index
        %get3A_599 = arith.constant 0 : index
        %get3A_600 = tpu.vector_load %arg18[%get3A_598, %get3A_599] {strides = array<i32>} : memref<128x32xi32, #tpu.memory_space<vmem>>, vector<16xi32>,
        %get3A_601 = arith.index_cast %add3A_585 : i32 to index
        %get3A_602 = arith.constant 16 : index
        %get3A_603 = tpu.vector_load %arg18[%get3A_601, %get3A_602] {strides = array<i32>} : memref<128x32xi32, #tpu.memory_space<vmem>>, vector<16xi32>,
        %bitcast3A_604 = vector.bitcast %get3A_588 : vector<16xi32> to vector<32xbf16>
        %bitcast3A_605 = vector.bitcast %get3A_600 : vector<16xi32> to vector<32xbf16>
        %bitcast3A_606 = vector.bitcast %get3A_594 : vector<16xi32> to vector<32xbf16>
        %sub3A_607 = arith.subf %bitcast3A_605, %bitcast3A_606 : vector<32xbf16>
        %mul3A_608 = arith.mulf %bitcast3A_604, %sub3A_607 : vector<32xbf16>
        %bitcast3A_609 = vector.bitcast %mul3A_608 : vector<32xbf16> to vector<16xi32>
        %bitcast3A_610 = vector.bitcast %get3A_591 : vector<16xi32> to vector<32xbf16>
        %bitcast3A_611 = vector.bitcast %get3A_603 : vector<16xi32> to vector<32xbf16>
        %bitcast3A_612 = vector.bitcast %get3A_597 : vector<16xi32> to vector<32xbf16>
        %sub3A_613 = arith.subf %bitcast3A_611, %bitcast3A_612 : vector<32xbf16>
        %mul3A_614 = arith.mulf %bitcast3A_610, %sub3A_613 : vector<32xbf16>
        %bitcast3A_615 = vector.bitcast %mul3A_614 : vector<32xbf16> to vector<16xi32>
        %shift_left3A_616 = arith.constant 16 : i32
        %shift_left3A_617 = vector.broadcast %shift_left3A_616 : i32 to vector<16xi32>
        %shift_left3A_618 = arith.shli %bitcast3A_609, %shift_left3A_617 : vector<16xi32>
        %bitcast3A_619 = vector.bitcast %shift_left3A_618 : vector<16xi32> to vector<16xf32>
        %and3A_620 = arith.andi %bitcast3A_609, %broadcast_in_dim3A_108 : vector<16xi32>
        %bitcast3A_621 = vector.bitcast %and3A_620 : vector<16xi32> to vector<16xf32>
        %shift_left3A_622 = arith.constant 16 : i32
        %shift_left3A_623 = vector.broadcast %shift_left3A_622 : i32 to vector<16xi32>
        %shift_left3A_624 = arith.shli %bitcast3A_615, %shift_left3A_623 : vector<16xi32>
        %bitcast3A_625 = vector.bitcast %shift_left3A_624 : vector<16xi32> to vector<16xf32>
        %and3A_626 = arith.andi %bitcast3A_615, %broadcast_in_dim3A_108 : vector<16xi32>
        %bitcast3A_627 = vector.bitcast %and3A_626 : vector<16xi32> to vector<16xf32>
        %add3A_628 = arith.addf %bitcast3A_619, %bitcast3A_621 : vector<16xf32>
        %add3A_629 = arith.addf %bitcast3A_625, %bitcast3A_627 : vector<16xf32>
        %add3A_630 = arith.addf %add3A_628, %add3A_629 : vector<16xf32>
        %swap3A_631 = arith.constant 9 : i32
        %swap3A_632 = arith.index_cast %swap3A_631 : i32 to index
        %swap3A_633 = arith.constant 0 : index
        %swap3A_634 = tpu.vector_load %arg19[%swap3A_632, %swap3A_633] {strides = array<i32>} : memref<16x16xf32, #tpu.memory_space<vmem>>, vector<16xf32>,
        tpu.vector_store %arg19[%swap3A_632, %swap3A_633], %add3A_630 {strides = array<i32>} : memref<16x16xf32, #tpu.memory_space<vmem>>, vector<16xf32>,
        %mul3A_635 = arith.constant 16 : i32
        %mul3A_636 = arith.muli %scan3A_98, %mul3A_635 : i32
        %add3A_637 = arith.constant 10 : i32
        %add3A_638 = arith.addi %mul3A_636, %add3A_637 : i32
        %get3A_639 = arith.index_cast %add3A_638 : i32 to index
        %get3A_640 = arith.constant 0 : index
        %get3A_641 = tpu.vector_load %arg16[%get3A_639, %get3A_640] {strides = array<i32>} : memref<128x32xi32, #tpu.memory_space<vmem>>, vector<16xi32>,
        %get3A_642 = arith.index_cast %add3A_638 : i32 to index
        %get3A_643 = arith.constant 16 : index
        %get3A_644 = tpu.vector_load %arg16[%get3A_642, %get3A_643] {strides = array<i32>} : memref<128x32xi32, #tpu.memory_space<vmem>>, vector<16xi32>,
        %get3A_645 = arith.index_cast %add3A_638 : i32 to index
        %get3A_646 = arith.constant 0 : index
        %get3A_647 = tpu.vector_load %arg17[%get3A_645, %get3A_646] {strides = array<i32>} : memref<128x32xi32, #tpu.memory_space<vmem>>, vector<16xi32>,
        %get3A_648 = arith.index_cast %add3A_638 : i32 to index
        %get3A_649 = arith.constant 16 : index
        %get3A_650 = tpu.vector_load %arg17[%get3A_648, %get3A_649] {strides = array<i32>} : memref<128x32xi32, #tpu.memory_space<vmem>>, vector<16xi32>,
        %get3A_651 = arith.index_cast %add3A_638 : i32 to index
        %get3A_652 = arith.constant 0 : index
        %get3A_653 = tpu.vector_load %arg18[%get3A_651, %get3A_652] {strides = array<i32>} : memref<128x32xi32, #tpu.memory_space<vmem>>, vector<16xi32>,
        %get3A_654 = arith.index_cast %add3A_638 : i32 to index
        %get3A_655 = arith.constant 16 : index
        %get3A_656 = tpu.vector_load %arg18[%get3A_654, %get3A_655] {strides = array<i32>} : memref<128x32xi32, #tpu.memory_space<vmem>>, vector<16xi32>,
        %bitcast3A_657 = vector.bitcast %get3A_641 : vector<16xi32> to vector<32xbf16>
        %bitcast3A_658 = vector.bitcast %get3A_653 : vector<16xi32> to vector<32xbf16>
        %bitcast3A_659 = vector.bitcast %get3A_647 : vector<16xi32> to vector<32xbf16>
        %sub3A_660 = arith.subf %bitcast3A_658, %bitcast3A_659 : vector<32xbf16>
        %mul3A_661 = arith.mulf %bitcast3A_657, %sub3A_660 : vector<32xbf16>
        %bitcast3A_662 = vector.bitcast %mul3A_661 : vector<32xbf16> to vector<16xi32>
        %bitcast3A_663 = vector.bitcast %get3A_644 : vector<16xi32> to vector<32xbf16>
        %bitcast3A_664 = vector.bitcast %get3A_656 : vector<16xi32> to vector<32xbf16>
        %bitcast3A_665 = vector.bitcast %get3A_650 : vector<16xi32> to vector<32xbf16>
        %sub3A_666 = arith.subf %bitcast3A_664, %bitcast3A_665 : vector<32xbf16>
        %mul3A_667 = arith.mulf %bitcast3A_663, %sub3A_666 : vector<32xbf16>
        %bitcast3A_668 = vector.bitcast %mul3A_667 : vector<32xbf16> to vector<16xi32>
        %shift_left3A_669 = arith.constant 16 : i32
        %shift_left3A_670 = vector.broadcast %shift_left3A_669 : i32 to vector<16xi32>
        %shift_left3A_671 = arith.shli %bitcast3A_662, %shift_left3A_670 : vector<16xi32>
        %bitcast3A_672 = vector.bitcast %shift_left3A_671 : vector<16xi32> to vector<16xf32>
        %and3A_673 = arith.andi %bitcast3A_662, %broadcast_in_dim3A_108 : vector<16xi32>
        %bitcast3A_674 = vector.bitcast %and3A_673 : vector<16xi32> to vector<16xf32>
        %shift_left3A_675 = arith.constant 16 : i32
        %shift_left3A_676 = vector.broadcast %shift_left3A_675 : i32 to vector<16xi32>
        %shift_left3A_677 = arith.shli %bitcast3A_668, %shift_left3A_676 : vector<16xi32>
        %bitcast3A_678 = vector.bitcast %shift_left3A_677 : vector<16xi32> to vector<16xf32>
        %and3A_679 = arith.andi %bitcast3A_668, %broadcast_in_dim3A_108 : vector<16xi32>
        %bitcast3A_680 = vector.bitcast %and3A_679 : vector<16xi32> to vector<16xf32>
        %add3A_681 = arith.addf %bitcast3A_672, %bitcast3A_674 : vector<16xf32>
        %add3A_682 = arith.addf %bitcast3A_678, %bitcast3A_680 : vector<16xf32>
        %add3A_683 = arith.addf %add3A_681, %add3A_682 : vector<16xf32>
        %swap3A_684 = arith.constant 10 : i32
        %swap3A_685 = arith.index_cast %swap3A_684 : i32 to index
        %swap3A_686 = arith.constant 0 : index
        %swap3A_687 = tpu.vector_load %arg19[%swap3A_685, %swap3A_686] {strides = array<i32>} : memref<16x16xf32, #tpu.memory_space<vmem>>, vector<16xf32>,
        tpu.vector_store %arg19[%swap3A_685, %swap3A_686], %add3A_683 {strides = array<i32>} : memref<16x16xf32, #tpu.memory_space<vmem>>, vector<16xf32>,
        %mul3A_688 = arith.constant 16 : i32
        %mul3A_689 = arith.muli %scan3A_98, %mul3A_688 : i32
        %add3A_690 = arith.constant 11 : i32
        %add3A_691 = arith.addi %mul3A_689, %add3A_690 : i32
        %get3A_692 = arith.index_cast %add3A_691 : i32 to index
        %get3A_693 = arith.constant 0 : index
        %get3A_694 = tpu.vector_load %arg16[%get3A_692, %get3A_693] {strides = array<i32>} : memref<128x32xi32, #tpu.memory_space<vmem>>, vector<16xi32>,
        %get3A_695 = arith.index_cast %add3A_691 : i32 to index
        %get3A_696 = arith.constant 16 : index
        %get3A_697 = tpu.vector_load %arg16[%get3A_695, %get3A_696] {strides = array<i32>} : memref<128x32xi32, #tpu.memory_space<vmem>>, vector<16xi32>,
        %get3A_698 = arith.index_cast %add3A_691 : i32 to index
        %get3A_699 = arith.constant 0 : index
        %get3A_700 = tpu.vector_load %arg17[%get3A_698, %get3A_699] {strides = array<i32>} : memref<128x32xi32, #tpu.memory_space<vmem>>, vector<16xi32>,
        %get3A_701 = arith.index_cast %add3A_691 : i32 to index
        %get3A_702 = arith.constant 16 : index
        %get3A_703 = tpu.vector_load %arg17[%get3A_701, %get3A_702] {strides = array<i32>} : memref<128x32xi32, #tpu.memory_space<vmem>>, vector<16xi32>,
        %get3A_704 = arith.index_cast %add3A_691 : i32 to index
        %get3A_705 = arith.constant 0 : index
        %get3A_706 = tpu.vector_load %arg18[%get3A_704, %get3A_705] {strides = array<i32>} : memref<128x32xi32, #tpu.memory_space<vmem>>, vector<16xi32>,
        %get3A_707 = arith.index_cast %add3A_691 : i32 to index
        %get3A_708 = arith.constant 16 : index
        %get3A_709 = tpu.vector_load %arg18[%get3A_707, %get3A_708] {strides = array<i32>} : memref<128x32xi32, #tpu.memory_space<vmem>>, vector<16xi32>,
        %bitcast3A_710 = vector.bitcast %get3A_694 : vector<16xi32> to vector<32xbf16>
        %bitcast3A_711 = vector.bitcast %get3A_706 : vector<16xi32> to vector<32xbf16>
        %bitcast3A_712 = vector.bitcast %get3A_700 : vector<16xi32> to vector<32xbf16>
        %sub3A_713 = arith.subf %bitcast3A_711, %bitcast3A_712 : vector<32xbf16>
        %mul3A_714 = arith.mulf %bitcast3A_710, %sub3A_713 : vector<32xbf16>
        %bitcast3A_715 = vector.bitcast %mul3A_714 : vector<32xbf16> to vector<16xi32>
        %bitcast3A_716 = vector.bitcast %get3A_697 : vector<16xi32> to vector<32xbf16>
        %bitcast3A_717 = vector.bitcast %get3A_709 : vector<16xi32> to vector<32xbf16>
        %bitcast3A_718 = vector.bitcast %get3A_703 : vector<16xi32> to vector<32xbf16>
        %sub3A_719 = arith.subf %bitcast3A_717, %bitcast3A_718 : vector<32xbf16>
        %mul3A_720 = arith.mulf %bitcast3A_716, %sub3A_719 : vector<32xbf16>
        %bitcast3A_721 = vector.bitcast %mul3A_720 : vector<32xbf16> to vector<16xi32>
        %shift_left3A_722 = arith.constant 16 : i32
        %shift_left3A_723 = vector.broadcast %shift_left3A_722 : i32 to vector<16xi32>
        %shift_left3A_724 = arith.shli %bitcast3A_715, %shift_left3A_723 : vector<16xi32>
        %bitcast3A_725 = vector.bitcast %shift_left3A_724 : vector<16xi32> to vector<16xf32>
        %and3A_726 = arith.andi %bitcast3A_715, %broadcast_in_dim3A_108 : vector<16xi32>
        %bitcast3A_727 = vector.bitcast %and3A_726 : vector<16xi32> to vector<16xf32>
        %shift_left3A_728 = arith.constant 16 : i32
        %shift_left3A_729 = vector.broadcast %shift_left3A_728 : i32 to vector<16xi32>
        %shift_left3A_730 = arith.shli %bitcast3A_721, %shift_left3A_729 : vector<16xi32>
        %bitcast3A_731 = vector.bitcast %shift_left3A_730 : vector<16xi32> to vector<16xf32>
        %and3A_732 = arith.andi %bitcast3A_721, %broadcast_in_dim3A_108 : vector<16xi32>
        %bitcast3A_733 = vector.bitcast %and3A_732 : vector<16xi32> to vector<16xf32>
        %add3A_734 = arith.addf %bitcast3A_725, %bitcast3A_727 : vector<16xf32>
        %add3A_735 = arith.addf %bitcast3A_731, %bitcast3A_733 : vector<16xf32>
        %add3A_736 = arith.addf %add3A_734, %add3A_735 : vector<16xf32>
        %swap3A_737 = arith.constant 11 : i32
        %swap3A_738 = arith.index_cast %swap3A_737 : i32 to index
        %swap3A_739 = arith.constant 0 : index
        %swap3A_740 = tpu.vector_load %arg19[%swap3A_738, %swap3A_739] {strides = array<i32>} : memref<16x16xf32, #tpu.memory_space<vmem>>, vector<16xf32>,
        tpu.vector_store %arg19[%swap3A_738, %swap3A_739], %add3A_736 {strides = array<i32>} : memref<16x16xf32, #tpu.memory_space<vmem>>, vector<16xf32>,
        %mul3A_741 = arith.constant 16 : i32
        %mul3A_742 = arith.muli %scan3A_98, %mul3A_741 : i32
        %add3A_743 = arith.constant 12 : i32
        %add3A_744 = arith.addi %mul3A_742, %add3A_743 : i32
        %get3A_745 = arith.index_cast %add3A_744 : i32 to index
        %get3A_746 = arith.constant 0 : index
        %get3A_747 = tpu.vector_load %arg16[%get3A_745, %get3A_746] {strides = array<i32>} : memref<128x32xi32, #tpu.memory_space<vmem>>, vector<16xi32>,
        %get3A_748 = arith.index_cast %add3A_744 : i32 to index
        %get3A_749 = arith.constant 16 : index
        %get3A_750 = tpu.vector_load %arg16[%get3A_748, %get3A_749] {strides = array<i32>} : memref<128x32xi32, #tpu.memory_space<vmem>>, vector<16xi32>,
        %get3A_751 = arith.index_cast %add3A_744 : i32 to index
        %get3A_752 = arith.constant 0 : index
        %get3A_753 = tpu.vector_load %arg17[%get3A_751, %get3A_752] {strides = array<i32>} : memref<128x32xi32, #tpu.memory_space<vmem>>, vector<16xi32>,
        %get3A_754 = arith.index_cast %add3A_744 : i32 to index
        %get3A_755 = arith.constant 16 : index
        %get3A_756 = tpu.vector_load %arg17[%get3A_754, %get3A_755] {strides = array<i32>} : memref<128x32xi32, #tpu.memory_space<vmem>>, vector<16xi32>,
        %get3A_757 = arith.index_cast %add3A_744 : i32 to index
        %get3A_758 = arith.constant 0 : index
        %get3A_759 = tpu.vector_load %arg18[%get3A_757, %get3A_758] {strides = array<i32>} : memref<128x32xi32, #tpu.memory_space<vmem>>, vector<16xi32>,
        %get3A_760 = arith.index_cast %add3A_744 : i32 to index
        %get3A_761 = arith.constant 16 : index
        %get3A_762 = tpu.vector_load %arg18[%get3A_760, %get3A_761] {strides = array<i32>} : memref<128x32xi32, #tpu.memory_space<vmem>>, vector<16xi32>,
        %bitcast3A_763 = vector.bitcast %get3A_747 : vector<16xi32> to vector<32xbf16>
        %bitcast3A_764 = vector.bitcast %get3A_759 : vector<16xi32> to vector<32xbf16>
        %bitcast3A_765 = vector.bitcast %get3A_753 : vector<16xi32> to vector<32xbf16>
        %sub3A_766 = arith.subf %bitcast3A_764, %bitcast3A_765 : vector<32xbf16>
        %mul3A_767 = arith.mulf %bitcast3A_763, %sub3A_766 : vector<32xbf16>
        %bitcast3A_768 = vector.bitcast %mul3A_767 : vector<32xbf16> to vector<16xi32>
        %bitcast3A_769 = vector.bitcast %get3A_750 : vector<16xi32> to vector<32xbf16>
        %bitcast3A_770 = vector.bitcast %get3A_762 : vector<16xi32> to vector<32xbf16>
        %bitcast3A_771 = vector.bitcast %get3A_756 : vector<16xi32> to vector<32xbf16>
        %sub3A_772 = arith.subf %bitcast3A_770, %bitcast3A_771 : vector<32xbf16>
        %mul3A_773 = arith.mulf %bitcast3A_769, %sub3A_772 : vector<32xbf16>
        %bitcast3A_774 = vector.bitcast %mul3A_773 : vector<32xbf16> to vector<16xi32>
        %shift_left3A_775 = arith.constant 16 : i32
        %shift_left3A_776 = vector.broadcast %shift_left3A_775 : i32 to vector<16xi32>
        %shift_left3A_777 = arith.shli %bitcast3A_768, %shift_left3A_776 : vector<16xi32>
        %bitcast3A_778 = vector.bitcast %shift_left3A_777 : vector<16xi32> to vector<16xf32>
        %and3A_779 = arith.andi %bitcast3A_768, %broadcast_in_dim3A_108 : vector<16xi32>
        %bitcast3A_780 = vector.bitcast %and3A_779 : vector<16xi32> to vector<16xf32>
        %shift_left3A_781 = arith.constant 16 : i32
        %shift_left3A_782 = vector.broadcast %shift_left3A_781 : i32 to vector<16xi32>
        %shift_left3A_783 = arith.shli %bitcast3A_774, %shift_left3A_782 : vector<16xi32>
        %bitcast3A_784 = vector.bitcast %shift_left3A_783 : vector<16xi32> to vector<16xf32>
        %and3A_785 = arith.andi %bitcast3A_774, %broadcast_in_dim3A_108 : vector<16xi32>
        %bitcast3A_786 = vector.bitcast %and3A_785 : vector<16xi32> to vector<16xf32>
        %add3A_787 = arith.addf %bitcast3A_778, %bitcast3A_780 : vector<16xf32>
        %add3A_788 = arith.addf %bitcast3A_784, %bitcast3A_786 : vector<16xf32>
        %add3A_789 = arith.addf %add3A_787, %add3A_788 : vector<16xf32>
        %swap3A_790 = arith.constant 12 : i32
        %swap3A_791 = arith.index_cast %swap3A_790 : i32 to index
        %swap3A_792 = arith.constant 0 : index
        %swap3A_793 = tpu.vector_load %arg19[%swap3A_791, %swap3A_792] {strides = array<i32>} : memref<16x16xf32, #tpu.memory_space<vmem>>, vector<16xf32>,
        tpu.vector_store %arg19[%swap3A_791, %swap3A_792], %add3A_789 {strides = array<i32>} : memref<16x16xf32, #tpu.memory_space<vmem>>, vector<16xf32>,
        %mul3A_794 = arith.constant 16 : i32
        %mul3A_795 = arith.muli %scan3A_98, %mul3A_794 : i32
        %add3A_796 = arith.constant 13 : i32
        %add3A_797 = arith.addi %mul3A_795, %add3A_796 : i32
        %get3A_798 = arith.index_cast %add3A_797 : i32 to index
        %get3A_799 = arith.constant 0 : index
        %get3A_800 = tpu.vector_load %arg16[%get3A_798, %get3A_799] {strides = array<i32>} : memref<128x32xi32, #tpu.memory_space<vmem>>, vector<16xi32>,
        %get3A_801 = arith.index_cast %add3A_797 : i32 to index
        %get3A_802 = arith.constant 16 : index
        %get3A_803 = tpu.vector_load %arg16[%get3A_801, %get3A_802] {strides = array<i32>} : memref<128x32xi32, #tpu.memory_space<vmem>>, vector<16xi32>,
        %get3A_804 = arith.index_cast %add3A_797 : i32 to index
        %get3A_805 = arith.constant 0 : index
        %get3A_806 = tpu.vector_load %arg17[%get3A_804, %get3A_805] {strides = array<i32>} : memref<128x32xi32, #tpu.memory_space<vmem>>, vector<16xi32>,
        %get3A_807 = arith.index_cast %add3A_797 : i32 to index
        %get3A_808 = arith.constant 16 : index
        %get3A_809 = tpu.vector_load %arg17[%get3A_807, %get3A_808] {strides = array<i32>} : memref<128x32xi32, #tpu.memory_space<vmem>>, vector<16xi32>,
        %get3A_810 = arith.index_cast %add3A_797 : i32 to index
        %get3A_811 = arith.constant 0 : index
        %get3A_812 = tpu.vector_load %arg18[%get3A_810, %get3A_811] {strides = array<i32>} : memref<128x32xi32, #tpu.memory_space<vmem>>, vector<16xi32>,
        %get3A_813 = arith.index_cast %add3A_797 : i32 to index
        %get3A_814 = arith.constant 16 : index
        %get3A_815 = tpu.vector_load %arg18[%get3A_813, %get3A_814] {strides = array<i32>} : memref<128x32xi32, #tpu.memory_space<vmem>>, vector<16xi32>,
        %bitcast3A_816 = vector.bitcast %get3A_800 : vector<16xi32> to vector<32xbf16>
        %bitcast3A_817 = vector.bitcast %get3A_812 : vector<16xi32> to vector<32xbf16>
        %bitcast3A_818 = vector.bitcast %get3A_806 : vector<16xi32> to vector<32xbf16>
        %sub3A_819 = arith.subf %bitcast3A_817, %bitcast3A_818 : vector<32xbf16>
        %mul3A_820 = arith.mulf %bitcast3A_816, %sub3A_819 : vector<32xbf16>
        %bitcast3A_821 = vector.bitcast %mul3A_820 : vector<32xbf16> to vector<16xi32>
        %bitcast3A_822 = vector.bitcast %get3A_803 : vector<16xi32> to vector<32xbf16>
        %bitcast3A_823 = vector.bitcast %get3A_815 : vector<16xi32> to vector<32xbf16>
        %bitcast3A_824 = vector.bitcast %get3A_809 : vector<16xi32> to vector<32xbf16>
        %sub3A_825 = arith.subf %bitcast3A_823, %bitcast3A_824 : vector<32xbf16>
        %mul3A_826 = arith.mulf %bitcast3A_822, %sub3A_825 : vector<32xbf16>
        %bitcast3A_827 = vector.bitcast %mul3A_826 : vector<32xbf16> to vector<16xi32>
        %shift_left3A_828 = arith.constant 16 : i32
        %shift_left3A_829 = vector.broadcast %shift_left3A_828 : i32 to vector<16xi32>
        %shift_left3A_830 = arith.shli %bitcast3A_821, %shift_left3A_829 : vector<16xi32>
        %bitcast3A_831 = vector.bitcast %shift_left3A_830 : vector<16xi32> to vector<16xf32>
        %and3A_832 = arith.andi %bitcast3A_821, %broadcast_in_dim3A_108 : vector<16xi32>
        %bitcast3A_833 = vector.bitcast %and3A_832 : vector<16xi32> to vector<16xf32>
        %shift_left3A_834 = arith.constant 16 : i32
        %shift_left3A_835 = vector.broadcast %shift_left3A_834 : i32 to vector<16xi32>
        %shift_left3A_836 = arith.shli %bitcast3A_827, %shift_left3A_835 : vector<16xi32>
        %bitcast3A_837 = vector.bitcast %shift_left3A_836 : vector<16xi32> to vector<16xf32>
        %and3A_838 = arith.andi %bitcast3A_827, %broadcast_in_dim3A_108 : vector<16xi32>
        %bitcast3A_839 = vector.bitcast %and3A_838 : vector<16xi32> to vector<16xf32>
        %add3A_840 = arith.addf %bitcast3A_831, %bitcast3A_833 : vector<16xf32>
        %add3A_841 = arith.addf %bitcast3A_837, %bitcast3A_839 : vector<16xf32>
        %add3A_842 = arith.addf %add3A_840, %add3A_841 : vector<16xf32>
        %swap3A_843 = arith.constant 13 : i32
        %swap3A_844 = arith.index_cast %swap3A_843 : i32 to index
        %swap3A_845 = arith.constant 0 : index
        %swap3A_846 = tpu.vector_load %arg19[%swap3A_844, %swap3A_845] {strides = array<i32>} : memref<16x16xf32, #tpu.memory_space<vmem>>, vector<16xf32>,
        tpu.vector_store %arg19[%swap3A_844, %swap3A_845], %add3A_842 {strides = array<i32>} : memref<16x16xf32, #tpu.memory_space<vmem>>, vector<16xf32>,
        %mul3A_847 = arith.constant 16 : i32
        %mul3A_848 = arith.muli %scan3A_98, %mul3A_847 : i32
        %add3A_849 = arith.constant 14 : i32
        %add3A_850 = arith.addi %mul3A_848, %add3A_849 : i32
        %get3A_851 = arith.index_cast %add3A_850 : i32 to index
        %get3A_852 = arith.constant 0 : index
        %get3A_853 = tpu.vector_load %arg16[%get3A_851, %get3A_852] {strides = array<i32>} : memref<128x32xi32, #tpu.memory_space<vmem>>, vector<16xi32>,
        %get3A_854 = arith.index_cast %add3A_850 : i32 to index
        %get3A_855 = arith.constant 16 : index
        %get3A_856 = tpu.vector_load %arg16[%get3A_854, %get3A_855] {strides = array<i32>} : memref<128x32xi32, #tpu.memory_space<vmem>>, vector<16xi32>,
        %get3A_857 = arith.index_cast %add3A_850 : i32 to index
        %get3A_858 = arith.constant 0 : index
        %get3A_859 = tpu.vector_load %arg17[%get3A_857, %get3A_858] {strides = array<i32>} : memref<128x32xi32, #tpu.memory_space<vmem>>, vector<16xi32>,
        %get3A_860 = arith.index_cast %add3A_850 : i32 to index
        %get3A_861 = arith.constant 16 : index
        %get3A_862 = tpu.vector_load %arg17[%get3A_860, %get3A_861] {strides = array<i32>} : memref<128x32xi32, #tpu.memory_space<vmem>>, vector<16xi32>,
        %get3A_863 = arith.index_cast %add3A_850 : i32 to index
        %get3A_864 = arith.constant 0 : index
        %get3A_865 = tpu.vector_load %arg18[%get3A_863, %get3A_864] {strides = array<i32>} : memref<128x32xi32, #tpu.memory_space<vmem>>, vector<16xi32>,
        %get3A_866 = arith.index_cast %add3A_850 : i32 to index
        %get3A_867 = arith.constant 16 : index
        %get3A_868 = tpu.vector_load %arg18[%get3A_866, %get3A_867] {strides = array<i32>} : memref<128x32xi32, #tpu.memory_space<vmem>>, vector<16xi32>,
        %bitcast3A_869 = vector.bitcast %get3A_853 : vector<16xi32> to vector<32xbf16>
        %bitcast3A_870 = vector.bitcast %get3A_865 : vector<16xi32> to vector<32xbf16>
        %bitcast3A_871 = vector.bitcast %get3A_859 : vector<16xi32> to vector<32xbf16>
        %sub3A_872 = arith.subf %bitcast3A_870, %bitcast3A_871 : vector<32xbf16>
        %mul3A_873 = arith.mulf %bitcast3A_869, %sub3A_872 : vector<32xbf16>
        %bitcast3A_874 = vector.bitcast %mul3A_873 : vector<32xbf16> to vector<16xi32>
        %bitcast3A_875 = vector.bitcast %get3A_856 : vector<16xi32> to vector<32xbf16>
        %bitcast3A_876 = vector.bitcast %get3A_868 : vector<16xi32> to vector<32xbf16>
        %bitcast3A_877 = vector.bitcast %get3A_862 : vector<16xi32> to vector<32xbf16>
        %sub3A_878 = arith.subf %bitcast3A_876, %bitcast3A_877 : vector<32xbf16>
        %mul3A_879 = arith.mulf %bitcast3A_875, %sub3A_878 : vector<32xbf16>
        %bitcast3A_880 = vector.bitcast %mul3A_879 : vector<32xbf16> to vector<16xi32>
        %shift_left3A_881 = arith.constant 16 : i32
        %shift_left3A_882 = vector.broadcast %shift_left3A_881 : i32 to vector<16xi32>
        %shift_left3A_883 = arith.shli %bitcast3A_874, %shift_left3A_882 : vector<16xi32>
        %bitcast3A_884 = vector.bitcast %shift_left3A_883 : vector<16xi32> to vector<16xf32>
        %and3A_885 = arith.andi %bitcast3A_874, %broadcast_in_dim3A_108 : vector<16xi32>
        %bitcast3A_886 = vector.bitcast %and3A_885 : vector<16xi32> to vector<16xf32>
        %shift_left3A_887 = arith.constant 16 : i32
        %shift_left3A_888 = vector.broadcast %shift_left3A_887 : i32 to vector<16xi32>
        %shift_left3A_889 = arith.shli %bitcast3A_880, %shift_left3A_888 : vector<16xi32>
        %bitcast3A_890 = vector.bitcast %shift_left3A_889 : vector<16xi32> to vector<16xf32>
        %and3A_891 = arith.andi %bitcast3A_880, %broadcast_in_dim3A_108 : vector<16xi32>
        %bitcast3A_892 = vector.bitcast %and3A_891 : vector<16xi32> to vector<16xf32>
        %add3A_893 = arith.addf %bitcast3A_884, %bitcast3A_886 : vector<16xf32>
        %add3A_894 = arith.addf %bitcast3A_890, %bitcast3A_892 : vector<16xf32>
        %add3A_895 = arith.addf %add3A_893, %add3A_894 : vector<16xf32>
        %swap3A_896 = arith.constant 14 : i32
        %swap3A_897 = arith.index_cast %swap3A_896 : i32 to index
        %swap3A_898 = arith.constant 0 : index
        %swap3A_899 = tpu.vector_load %arg19[%swap3A_897, %swap3A_898] {strides = array<i32>} : memref<16x16xf32, #tpu.memory_space<vmem>>, vector<16xf32>,
        tpu.vector_store %arg19[%swap3A_897, %swap3A_898], %add3A_895 {strides = array<i32>} : memref<16x16xf32, #tpu.memory_space<vmem>>, vector<16xf32>,
        %mul3A_900 = arith.constant 16 : i32
        %mul3A_901 = arith.muli %scan3A_98, %mul3A_900 : i32
        %add3A_902 = arith.constant 15 : i32
        %add3A_903 = arith.addi %mul3A_901, %add3A_902 : i32
        %get3A_904 = arith.index_cast %add3A_903 : i32 to index
        %get3A_905 = arith.constant 0 : index
        %get3A_906 = tpu.vector_load %arg16[%get3A_904, %get3A_905] {strides = array<i32>} : memref<128x32xi32, #tpu.memory_space<vmem>>, vector<16xi32>,
        %get3A_907 = arith.index_cast %add3A_903 : i32 to index
        %get3A_908 = arith.constant 16 : index
        %get3A_909 = tpu.vector_load %arg16[%get3A_907, %get3A_908] {strides = array<i32>} : memref<128x32xi32, #tpu.memory_space<vmem>>, vector<16xi32>,
        %get3A_910 = arith.index_cast %add3A_903 : i32 to index
        %get3A_911 = arith.constant 0 : index
        %get3A_912 = tpu.vector_load %arg17[%get3A_910, %get3A_911] {strides = array<i32>} : memref<128x32xi32, #tpu.memory_space<vmem>>, vector<16xi32>,
        %get3A_913 = arith.index_cast %add3A_903 : i32 to index
        %get3A_914 = arith.constant 16 : index
        %get3A_915 = tpu.vector_load %arg17[%get3A_913, %get3A_914] {strides = array<i32>} : memref<128x32xi32, #tpu.memory_space<vmem>>, vector<16xi32>,
        %get3A_916 = arith.index_cast %add3A_903 : i32 to index
        %get3A_917 = arith.constant 0 : index
        %get3A_918 = tpu.vector_load %arg18[%get3A_916, %get3A_917] {strides = array<i32>} : memref<128x32xi32, #tpu.memory_space<vmem>>, vector<16xi32>,
        %get3A_919 = arith.index_cast %add3A_903 : i32 to index
        %get3A_920 = arith.constant 16 : index
        %get3A_921 = tpu.vector_load %arg18[%get3A_919, %get3A_920] {strides = array<i32>} : memref<128x32xi32, #tpu.memory_space<vmem>>, vector<16xi32>,
        %bitcast3A_922 = vector.bitcast %get3A_906 : vector<16xi32> to vector<32xbf16>
        %bitcast3A_923 = vector.bitcast %get3A_918 : vector<16xi32> to vector<32xbf16>
        %bitcast3A_924 = vector.bitcast %get3A_912 : vector<16xi32> to vector<32xbf16>
        %sub3A_925 = arith.subf %bitcast3A_923, %bitcast3A_924 : vector<32xbf16>
        %mul3A_926 = arith.mulf %bitcast3A_922, %sub3A_925 : vector<32xbf16>
        %bitcast3A_927 = vector.bitcast %mul3A_926 : vector<32xbf16> to vector<16xi32>
        %bitcast3A_928 = vector.bitcast %get3A_909 : vector<16xi32> to vector<32xbf16>
        %bitcast3A_929 = vector.bitcast %get3A_921 : vector<16xi32> to vector<32xbf16>
        %bitcast3A_930 = vector.bitcast %get3A_915 : vector<16xi32> to vector<32xbf16>
        %sub3A_931 = arith.subf %bitcast3A_929, %bitcast3A_930 : vector<32xbf16>
        %mul3A_932 = arith.mulf %bitcast3A_928, %sub3A_931 : vector<32xbf16>
        %bitcast3A_933 = vector.bitcast %mul3A_932 : vector<32xbf16> to vector<16xi32>
        %shift_left3A_934 = arith.constant 16 : i32
        %shift_left3A_935 = vector.broadcast %shift_left3A_934 : i32 to vector<16xi32>
        %shift_left3A_936 = arith.shli %bitcast3A_927, %shift_left3A_935 : vector<16xi32>
        %bitcast3A_937 = vector.bitcast %shift_left3A_936 : vector<16xi32> to vector<16xf32>
        %and3A_938 = arith.andi %bitcast3A_927, %broadcast_in_dim3A_108 : vector<16xi32>
        %bitcast3A_939 = vector.bitcast %and3A_938 : vector<16xi32> to vector<16xf32>
        %shift_left3A_940 = arith.constant 16 : i32
        %shift_left3A_941 = vector.broadcast %shift_left3A_940 : i32 to vector<16xi32>
        %shift_left3A_942 = arith.shli %bitcast3A_933, %shift_left3A_941 : vector<16xi32>
        %bitcast3A_943 = vector.bitcast %shift_left3A_942 : vector<16xi32> to vector<16xf32>
        %and3A_944 = arith.andi %bitcast3A_933, %broadcast_in_dim3A_108 : vector<16xi32>
        %bitcast3A_945 = vector.bitcast %and3A_944 : vector<16xi32> to vector<16xf32>
        %add3A_946 = arith.addf %bitcast3A_937, %bitcast3A_939 : vector<16xf32>
        %add3A_947 = arith.addf %bitcast3A_943, %bitcast3A_945 : vector<16xf32>
        %add3A_948 = arith.addf %add3A_946, %add3A_947 : vector<16xf32>
        %swap3A_949 = arith.constant 15 : i32
        %swap3A_950 = arith.index_cast %swap3A_949 : i32 to index
        %swap3A_951 = arith.constant 0 : index
        %swap3A_952 = tpu.vector_load %arg19[%swap3A_950, %swap3A_951] {strides = array<i32>} : memref<16x16xf32, #tpu.memory_space<vmem>>, vector<16xf32>,
        tpu.vector_store %arg19[%swap3A_950, %swap3A_951], %add3A_948 {strides = array<i32>} : memref<16x16xf32, #tpu.memory_space<vmem>>, vector<16xf32>,
        %xor3A = arith.constant 0 : i32
        %xor3A_953 = vector.broadcast %xor3A : i32 to vector<16xi32>
        %xor3A_954 = arith.xori %iota3A, %xor3A_953 : vector<16xi32>
        %gather3A = tpu.vector_load_idx %arg19[%iota3A, %xor3A_954] : memref<16x16xf32, #tpu.memory_space<vmem>>[vector<16xi32>, vector<16xi32>], vector<16xf32>,
        %add3A_955 = arith.addf %broadcast_in_dim3A_106, %gather3A : vector<16xf32>
        %xor3A_956 = arith.constant 1 : i32
        %xor3A_957 = vector.broadcast %xor3A_956 : i32 to vector<16xi32>
        %xor3A_958 = arith.xori %iota3A, %xor3A_957 : vector<16xi32>
        %gather3A_959 = tpu.vector_load_idx %arg19[%iota3A, %xor3A_958] : memref<16x16xf32, #tpu.memory_space<vmem>>[vector<16xi32>, vector<16xi32>], vector<16xf32>,
        %add3A_960 = arith.addf %broadcast_in_dim3A_106, %gather3A_959 : vector<16xf32>
        %xor3A_961 = arith.constant 2 : i32
        %xor3A_962 = vector.broadcast %xor3A_961 : i32 to vector<16xi32>
        %xor3A_963 = arith.xori %iota3A, %xor3A_962 : vector<16xi32>
        %gather3A_964 = tpu.vector_load_idx %arg19[%iota3A, %xor3A_963] : memref<16x16xf32, #tpu.memory_space<vmem>>[vector<16xi32>, vector<16xi32>], vector<16xf32>,
        %add3A_965 = arith.addf %broadcast_in_dim3A_106, %gather3A_964 : vector<16xf32>
        %xor3A_966 = arith.constant 3 : i32
        %xor3A_967 = vector.broadcast %xor3A_966 : i32 to vector<16xi32>
        %xor3A_968 = arith.xori %iota3A, %xor3A_967 : vector<16xi32>
        %gather3A_969 = tpu.vector_load_idx %arg19[%iota3A, %xor3A_968] : memref<16x16xf32, #tpu.memory_space<vmem>>[vector<16xi32>, vector<16xi32>], vector<16xf32>,
        %add3A_970 = arith.addf %broadcast_in_dim3A_106, %gather3A_969 : vector<16xf32>
        %xor3A_971 = arith.constant 4 : i32
        %xor3A_972 = vector.broadcast %xor3A_971 : i32 to vector<16xi32>
        %xor3A_973 = arith.xori %iota3A, %xor3A_972 : vector<16xi32>
        %gather3A_974 = tpu.vector_load_idx %arg19[%iota3A, %xor3A_973] : memref<16x16xf32, #tpu.memory_space<vmem>>[vector<16xi32>, vector<16xi32>], vector<16xf32>,
        %add3A_975 = arith.addf %add3A_955, %gather3A_974 : vector<16xf32>
        %xor3A_976 = arith.constant 5 : i32
        %xor3A_977 = vector.broadcast %xor3A_976 : i32 to vector<16xi32>
        %xor3A_978 = arith.xori %iota3A, %xor3A_977 : vector<16xi32>
        %gather3A_979 = tpu.vector_load_idx %arg19[%iota3A, %xor3A_978] : memref<16x16xf32, #tpu.memory_space<vmem>>[vector<16xi32>, vector<16xi32>], vector<16xf32>,
        %add3A_980 = arith.addf %add3A_960, %gather3A_979 : vector<16xf32>
        %xor3A_981 = arith.constant 6 : i32
        %xor3A_982 = vector.broadcast %xor3A_981 : i32 to vector<16xi32>
        %xor3A_983 = arith.xori %iota3A, %xor3A_982 : vector<16xi32>
        %gather3A_984 = tpu.vector_load_idx %arg19[%iota3A, %xor3A_983] : memref<16x16xf32, #tpu.memory_space<vmem>>[vector<16xi32>, vector<16xi32>], vector<16xf32>,
        %add3A_985 = arith.addf %add3A_965, %gather3A_984 : vector<16xf32>
        %xor3A_986 = arith.constant 7 : i32
        %xor3A_987 = vector.broadcast %xor3A_986 : i32 to vector<16xi32>
        %xor3A_988 = arith.xori %iota3A, %xor3A_987 : vector<16xi32>
        %gather3A_989 = tpu.vector_load_idx %arg19[%iota3A, %xor3A_988] : memref<16x16xf32, #tpu.memory_space<vmem>>[vector<16xi32>, vector<16xi32>], vector<16xf32>,
        %add3A_990 = arith.addf %add3A_970, %gather3A_989 : vector<16xf32>
        %xor3A_991 = arith.constant 8 : i32
        %xor3A_992 = vector.broadcast %xor3A_991 : i32 to vector<16xi32>
        %xor3A_993 = arith.xori %iota3A, %xor3A_992 : vector<16xi32>
        %gather3A_994 = tpu.vector_load_idx %arg19[%iota3A, %xor3A_993] : memref<16x16xf32, #tpu.memory_space<vmem>>[vector<16xi32>, vector<16xi32>], vector<16xf32>,
        %add3A_995 = arith.addf %add3A_975, %gather3A_994 : vector<16xf32>
        %xor3A_996 = arith.constant 9 : i32
        %xor3A_997 = vector.broadcast %xor3A_996 : i32 to vector<16xi32>
        %xor3A_998 = arith.xori %iota3A, %xor3A_997 : vector<16xi32>
        %gather3A_999 = tpu.vector_load_idx %arg19[%iota3A, %xor3A_998] : memref<16x16xf32, #tpu.memory_space<vmem>>[vector<16xi32>, vector<16xi32>], vector<16xf32>,
        %add3A_1000 = arith.addf %add3A_980, %gather3A_999 : vector<16xf32>
        %xor3A_1001 = arith.constant 10 : i32
        %xor3A_1002 = vector.broadcast %xor3A_1001 : i32 to vector<16xi32>
        %xor3A_1003 = arith.xori %iota3A, %xor3A_1002 : vector<16xi32>
        %gather3A_1004 = tpu.vector_load_idx %arg19[%iota3A, %xor3A_1003] : memref<16x16xf32, #tpu.memory_space<vmem>>[vector<16xi32>, vector<16xi32>], vector<16xf32>,
        %add3A_1005 = arith.addf %add3A_985, %gather3A_1004 : vector<16xf32>
        %xor3A_1006 = arith.constant 11 : i32
        %xor3A_1007 = vector.broadcast %xor3A_1006 : i32 to vector<16xi32>
        %xor3A_1008 = arith.xori %iota3A, %xor3A_1007 : vector<16xi32>
        %gather3A_1009 = tpu.vector_load_idx %arg19[%iota3A, %xor3A_1008] : memref<16x16xf32, #tpu.memory_space<vmem>>[vector<16xi32>, vector<16xi32>], vector<16xf32>,
        %add3A_1010 = arith.addf %add3A_990, %gather3A_1009 : vector<16xf32>
        %xor3A_1011 = arith.constant 12 : i32
        %xor3A_1012 = vector.broadcast %xor3A_1011 : i32 to vector<16xi32>
        %xor3A_1013 = arith.xori %iota3A, %xor3A_1012 : vector<16xi32>
        %gather3A_1014 = tpu.vector_load_idx %arg19[%iota3A, %xor3A_1013] : memref<16x16xf32, #tpu.memory_space<vmem>>[vector<16xi32>, vector<16xi32>], vector<16xf32>,
        %add3A_1015 = arith.addf %add3A_995, %gather3A_1014 : vector<16xf32>
        %xor3A_1016 = arith.constant 13 : i32
        %xor3A_1017 = vector.broadcast %xor3A_1016 : i32 to vector<16xi32>
        %xor3A_1018 = arith.xori %iota3A, %xor3A_1017 : vector<16xi32>
        %gather3A_1019 = tpu.vector_load_idx %arg19[%iota3A, %xor3A_1018] : memref<16x16xf32, #tpu.memory_space<vmem>>[vector<16xi32>, vector<16xi32>], vector<16xf32>,
        %add3A_1020 = arith.addf %add3A_1000, %gather3A_1019 : vector<16xf32>
        %xor3A_1021 = arith.constant 14 : i32
        %xor3A_1022 = vector.broadcast %xor3A_1021 : i32 to vector<16xi32>
        %xor3A_1023 = arith.xori %iota3A, %xor3A_1022 : vector<16xi32>
        %gather3A_1024 = tpu.vector_load_idx %arg19[%iota3A, %xor3A_1023] : memref<16x16xf32, #tpu.memory_space<vmem>>[vector<16xi32>, vector<16xi32>], vector<16xf32>,
        %add3A_1025 = arith.addf %add3A_1005, %gather3A_1024 : vector<16xf32>
        %xor3A_1026 = arith.constant 15 : i32
        %xor3A_1027 = vector.broadcast %xor3A_1026 : i32 to vector<16xi32>
        %xor3A_1028 = arith.xori %iota3A, %xor3A_1027 : vector<16xi32>
        %gather3A_1029 = tpu.vector_load_idx %arg19[%iota3A, %xor3A_1028] : memref<16x16xf32, #tpu.memory_space<vmem>>[vector<16xi32>, vector<16xi32>], vector<16xf32>,
        %add3A_1030 = arith.addf %add3A_1010, %gather3A_1029 : vector<16xf32>
        %add3A_1031 = arith.addf %add3A_1015, %add3A_1020 : vector<16xf32>
        %add3A_1032 = arith.addf %add3A_1025, %add3A_1030 : vector<16xf32>
        %add3A_1033 = arith.addf %add3A_1031, %add3A_1032 : vector<16xf32>
        %add3A_1034 = arith.addf %add3A_1033, %get3A_104 : vector<16xf32>
        %max3A = arith.constant 0.000000e+00 : f32
        %max3A_1035 = vector.broadcast %max3A : f32 to vector<16xf32>
        %max3A_1036 = arith.maximumf %add3A_1034, %max3A_1035 : vector<16xf32>
        %add3A_1037 = arith.addf %scan3A_99, %max3A_1036 : vector<16xf32>
        %gt3A = arith.constant 0.000000e+00 : f32
        %gt3A_1038 = vector.broadcast %gt3A : f32 to vector<16xf32>
        %gt3A_1039 = arith.cmpf ogt, %add3A_1034, %gt3A_1038 : vector<16xf32>
        %jit3A = arith.constant 1 : i32
        %jit3A_1040 = arith.constant 0 : i32
        %broadcast_in_dim3A_1041 = vector.broadcast %jit3A : i32 to vector<16xi32>
        %broadcast_in_dim3A_1042 = vector.broadcast %jit3A_1040 : i32 to vector<16xi32>
        %select_n3A = arith.select %gt3A_1039, %broadcast_in_dim3A_1041, %broadcast_in_dim3A_1042 : vector<16xi1>, vector<16xi32>
        %add3A_1043 = arith.addi %scan3A_100, %select_n3A : vector<16xi32>
        scf.yield %add3A_1037, %add3A_1043 : vector<16xf32>, vector<16xi32>
      }
      %scan3A_97 = arith.constant 8 : i32
      scf.yield %scan3A_96#0, %scan3A_96#1 : vector<16xf32>, vector<16xi32>
    }
    %scan3A_24 = arith.constant 32 : i32
    %swap3A = arith.constant 0 : index
    %swap3A_25 = tpu.vector_load %arg20[%swap3A] {strides = array<i32>} : memref<16xf32, #tpu.memory_space<vmem>>, vector<16xf32>,
    tpu.vector_store %arg20[%swap3A], %scan3A_23#0 {strides = array<i32>} : memref<16xf32, #tpu.memory_space<vmem>>, vector<16xf32>,
    %swap3A_26 = arith.constant 0 : index
    %swap3A_27 = tpu.vector_load %arg21[%swap3A_26] {strides = array<i32>} : memref<16xi32, #tpu.memory_space<vmem>>, vector<16xi32>,
    tpu.vector_store %arg21[%swap3A_26], %scan3A_23#1 {strides = array<i32>} : memref<16xi32, #tpu.memory_space<vmem>>, vector<16xi32>,
    "tpu.region"() ({
      %run_scoped3A = tpu.sem_alloc : memref<!tpu.dma_semaphore, #tpu.memory_space<semaphore_mem>>
      %dma_start3A_28 = arith.constant 0 : i32
      %dma_start3A_29 = tpu.memref_slice %arg7[%add3A, %dma_start3A_28] : memref<32x16xf32, #tpu.memory_space<hbm>> -> memref<1x16xf32, #tpu.memory_space<hbm>>
      %dma_start3A_30 = tpu.memref_squeeze %dma_start3A_29 : memref<1x16xf32, #tpu.memory_space<hbm>> -> memref<16xf32, #tpu.memory_space<hbm>>
      %dma_start3A_31 = arith.constant 0 : i32
      %dma_start3A_32 = tpu.memref_slice %arg7[%add3A, %dma_start3A_31] : memref<32x16xf32, #tpu.memory_space<hbm>> -> memref<1x16xf32, #tpu.memory_space<hbm>>
      %dma_start3A_33 = tpu.memref_squeeze %dma_start3A_32 : memref<1x16xf32, #tpu.memory_space<hbm>> -> memref<16xf32, #tpu.memory_space<hbm>>
      tpu.enqueue_dma source(%arg20 : memref<16xf32, #tpu.memory_space<vmem>>) target(%dma_start3A_33 : memref<16xf32, #tpu.memory_space<hbm>>) target_semaphore(%run_scoped3A : memref<!tpu.dma_semaphore, #tpu.memory_space<semaphore_mem>>)
      %dma_wait3A = arith.constant 0 : i32
      %dma_wait3A_34 = tpu.memref_slice %arg7[%add3A, %dma_wait3A] : memref<32x16xf32, #tpu.memory_space<hbm>> -> memref<1x16xf32, #tpu.memory_space<hbm>>
      %dma_wait3A_35 = tpu.memref_squeeze %dma_wait3A_34 : memref<1x16xf32, #tpu.memory_space<hbm>> -> memref<16xf32, #tpu.memory_space<hbm>>
      %dma_wait3A_36 = arith.constant 0 : i32
      %dma_wait3A_37 = tpu.memref_slice %arg7[%add3A, %dma_wait3A_36] : memref<32x16xf32, #tpu.memory_space<hbm>> -> memref<1x16xf32, #tpu.memory_space<hbm>>
      %dma_wait3A_38 = tpu.memref_squeeze %dma_wait3A_37 : memref<1x16xf32, #tpu.memory_space<hbm>> -> memref<16xf32, #tpu.memory_space<hbm>>
      tpu.wait_dma2 semaphore(%run_scoped3A : memref<!tpu.dma_semaphore, #tpu.memory_space<semaphore_mem>>) src(%arg20 : memref<16xf32, #tpu.memory_space<vmem>>) dst(%dma_wait3A_38 : memref<16xf32, #tpu.memory_space<hbm>>)
      tpu.yield
    }) : () -> ()
    "tpu.region"() ({
      %run_scoped3A = tpu.sem_alloc : memref<!tpu.dma_semaphore, #tpu.memory_space<semaphore_mem>>
      %dma_start3A_28 = arith.constant 0 : i32
      %dma_start3A_29 = tpu.memref_slice %arg8[%add3A, %dma_start3A_28] : memref<32x16xi32, #tpu.memory_space<hbm>> -> memref<1x16xi32, #tpu.memory_space<hbm>>
      %dma_start3A_30 = tpu.memref_squeeze %dma_start3A_29 : memref<1x16xi32, #tpu.memory_space<hbm>> -> memref<16xi32, #tpu.memory_space<hbm>>
      %dma_start3A_31 = arith.constant 0 : i32
      %dma_start3A_32 = tpu.memref_slice %arg8[%add3A, %dma_start3A_31] : memref<32x16xi32, #tpu.memory_space<hbm>> -> memref<1x16xi32, #tpu.memory_space<hbm>>
      %dma_start3A_33 = tpu.memref_squeeze %dma_start3A_32 : memref<1x16xi32, #tpu.memory_space<hbm>> -> memref<16xi32, #tpu.memory_space<hbm>>
      tpu.enqueue_dma source(%arg21 : memref<16xi32, #tpu.memory_space<vmem>>) target(%dma_start3A_33 : memref<16xi32, #tpu.memory_space<hbm>>) target_semaphore(%run_scoped3A : memref<!tpu.dma_semaphore, #tpu.memory_space<semaphore_mem>>)
      %dma_wait3A = arith.constant 0 : i32
      %dma_wait3A_34 = tpu.memref_slice %arg8[%add3A, %dma_wait3A] : memref<32x16xi32, #tpu.memory_space<hbm>> -> memref<1x16xi32, #tpu.memory_space<hbm>>
      %dma_wait3A_35 = tpu.memref_squeeze %dma_wait3A_34 : memref<1x16xi32, #tpu.memory_space<hbm>> -> memref<16xi32, #tpu.memory_space<hbm>>
      %dma_wait3A_36 = arith.constant 0 : i32
      %dma_wait3A_37 = tpu.memref_slice %arg8[%add3A, %dma_wait3A_36] : memref<32x16xi32, #tpu.memory_space<hbm>> -> memref<1x16xi32, #tpu.memory_space<hbm>>
      %dma_wait3A_38 = tpu.memref_squeeze %dma_wait3A_37 : memref<1x16xi32, #tpu.memory_space<hbm>> -> memref<16xi32, #tpu.memory_space<hbm>>
      tpu.wait_dma2 semaphore(%run_scoped3A : memref<!tpu.dma_semaphore, #tpu.memory_space<semaphore_mem>>) src(%arg21 : memref<16xi32, #tpu.memory_space<vmem>>) dst(%dma_wait3A_38 : memref<16xi32, #tpu.memory_space<hbm>>)
      tpu.yield
    }) : () -> ()
    return
  }
}

module attributes {stable_mosaic.version = 14 : i64} {
  func.func @body(%arg0: memref<16384x64xf32, #tpu.memory_space<vmem>>, %arg1: memref<16384x64xf32, #tpu.memory_space<vmem>>) attributes {dimension_semantics = [], scalar_prefetch = 0 : i64, scratch_operands = 0 : i64, tpu.core_type = #tpu.core_type<tc>} {
    %get3A = arith.constant 0 : index
    %get3A_0 = arith.constant 0 : index
    %get3A_1 = vector.load %arg0[%get3A, %get3A_0] : memref<16384x64xf32, #tpu.memory_space<vmem>>, vector<16384x64xf32>
    %mul3A = arith.mulf %get3A_1, %get3A_1 : vector<16384x64xf32>
    %reduce_sum3A = arith.constant dense<0.000000e+00> : vector<16384xf32>
    %reduce_sum3A_2 = vector.multi_reduction <add>, %mul3A, %reduce_sum3A [1] : vector<16384x64xf32> to vector<16384xf32>
    %broadcast_in_dim3A = vector.shape_cast %reduce_sum3A_2 : vector<16384xf32> to vector<16384x1xf32>
    %sqrt3A = math.sqrt %broadcast_in_dim3A : vector<16384x1xf32>
    %div3A = vector.broadcast %sqrt3A : vector<16384x1xf32> to vector<16384x64xf32>
    %div3A_3 = arith.divf %get3A_1, %div3A : vector<16384x64xf32>
    %swap3A = arith.constant 0 : index
    %swap3A_4 = arith.constant 0 : index
    %swap3A_5 = vector.load %arg1[%swap3A, %swap3A_4] : memref<16384x64xf32, #tpu.memory_space<vmem>>, vector<16384x64xf32>
    tpu.vector_store %arg1[%swap3A, %swap3A_4], %div3A_3 {strides = array<i32>} : memref<16384x64xf32, #tpu.memory_space<vmem>>, vector<16384x64xf32>,
    return
  }
}

module attributes {stable_mosaic.version = 14 : i64} {
  func.func @body(%arg0: memref<32x16xf32, #tpu.memory_space<vmem>>, %arg1: memref<32x16xi32, #tpu.memory_space<vmem>>, %arg2: memref<1x1xf32, #tpu.memory_space<smem>>, %arg3: memref<1x1xi32, #tpu.memory_space<smem>>) attributes {dimension_semantics = [], scalar_prefetch = 0 : i64, scratch_operands = 0 : i64, tpu.core_type = #tpu.core_type<tc>} {
    %get3A = arith.constant 0 : index
    %get3A_0 = arith.constant 0 : index
    %get3A_1 = vector.load %arg0[%get3A, %get3A_0] : memref<32x16xf32, #tpu.memory_space<vmem>>, vector<32x16xf32>
    %reduce_sum3A = vector.shape_cast %get3A_1 : vector<32x16xf32> to vector<1x32x16xf32>
    %reduce_sum3A_2 = arith.constant dense<0.000000e+00> : vector<1xf32>
    %reduce_sum3A_3 = vector.multi_reduction <add>, %reduce_sum3A, %reduce_sum3A_2 [1, 2] : vector<1x32x16xf32> to vector<1xf32>
    %reduce_sum3A_4 = vector.shape_cast %reduce_sum3A_3 : vector<1xf32> to vector<1x1x1xf32>
    %reduce_sum3A_5 = vector.extract %reduce_sum3A_4[0, 0, 0] : f32 from vector<1x1x1xf32>
    %mul3A = arith.constant 3.81469727E-6 : f32
    %mul3A_6 = arith.mulf %reduce_sum3A_5, %mul3A : f32
    %swap3A = arith.constant 0 : index
    %swap3A_7 = arith.constant 0 : index
    %swap3A_8 = memref.load %arg2[%swap3A, %swap3A_7] : memref<1x1xf32, #tpu.memory_space<smem>>
    memref.store %mul3A_6, %arg2[%swap3A, %swap3A_7] : memref<1x1xf32, #tpu.memory_space<smem>>
    %get3A_9 = arith.constant 0 : index
    %get3A_10 = arith.constant 0 : index
    %get3A_11 = vector.load %arg1[%get3A_9, %get3A_10] : memref<32x16xi32, #tpu.memory_space<vmem>>, vector<32x16xi32>
    %reduce_sum3A_12 = vector.shape_cast %get3A_11 : vector<32x16xi32> to vector<1x32x16xi32>
    %reduce_sum3A_13 = arith.constant dense<0> : vector<1xi32>
    %reduce_sum3A_14 = vector.multi_reduction <add>, %reduce_sum3A_12, %reduce_sum3A_13 [1, 2] : vector<1x32x16xi32> to vector<1xi32>
    %reduce_sum3A_15 = vector.shape_cast %reduce_sum3A_14 : vector<1xi32> to vector<1x1x1xi32>
    %reduce_sum3A_16 = vector.extract %reduce_sum3A_15[0, 0, 0] : i32 from vector<1x1x1xi32>
    %swap3A_17 = arith.constant 0 : index
    %swap3A_18 = arith.constant 0 : index
    %swap3A_19 = memref.load %arg3[%swap3A_17, %swap3A_18] : memref<1x1xi32, #tpu.memory_space<smem>>
    memref.store %reduce_sum3A_16, %arg3[%swap3A_17, %swap3A_18] : memref<1x1xi32, #tpu.memory_space<smem>>
    return
  }
}

</mosaic_0001>

<sc_bundles>
// kernel: kernel.5.cloned.1.call-start
scs
__scs_entry_jumppad:
0x0: {  	(pc) =	sbr.rel $0x88, $3  }
0x1: {  	(tag) =	ssettag $0x0;
	lr =	simm.s32 $0x1  }
0x2: {  	[smem:$0x3F9E] =	sst lr;
	_ =	strace $0xD0000000  }
0x3: {  	_ = 	snop  }
0x4: {  	_ = 	snop  }
0x5: {  	_ = 	snop  }
0x6: {  	_ = 	snop  }
0x7: {  	_ = 	snop  }
__scs_overlays_trampoline_lowered:
0x8: {  	[smem:$0x3FAD] =	sst s0  }
0x9: {  	[smem:$0x3FAE] =	sst s1  }
0xa: {  	[smem:$0x3FAF] =	sst s2  }
0xb: {  	[smem:$0x3FB0] =	sst s3  }
0xc: {  	[smem:$0x3FB1] =	sst s4  }
0xd: {  	[smem:$0x3FB2] =	sst s5  }
0xe: {  	[smem:$0x3FB3] =	sst s6  }
0xf: {  	[smem:$0x3FB4] =	sst s7  }
0x10: {  	[smem:$0x3FB5] =	sst s8  }
0x11: {  	[smem:$0x3FB6] =	sst s9;
	s0 =	simm.s32 @!p0 $0x0  }
0x12: {  	s1 =	sld [smem:$0x3F9C];
	s0 =	simm.s32 @p0 $0x1  }
0x13: {  	[smem:$0x3FB7] =	sst s0;
	s0 =	simm.s32 @!p1 $0x0  }
0x14: {  	s2 =	sld [smem:$0x3F9B];
	s0 =	simm.s32 @p1 $0x1  }
0x15: {  	[smem:$0x3FB8] =	sst s0;
	s0 =	simm.s32 @!p2 $0x0  }
0x16: {  	s3 =	sld [smem:$0x3FDB];
	s0 =	simm.s32 @p2 $0x1  }
0x17: {  	s4 =	simm.s32 $0x1BF5;
	[smem:$0x3FBA] =	sst s0  }
0x18: {  	s0 =	sld [smem:$0x3F9D];
	_ =	swait.ge [sflag:s4], $0x0  }
0x19: {  	s7 =	sld [smem:$0x3F9E]  }
0x1a: {  	s8 =	sadd.s32 $0xFFFFE003, lr  }
0x1b: {  	s9 =	sadd.s32 $0xFFFFFEF7, lr;
	s5 =	simm.s32 $0xFFFFFFFF;
	p2 =	slt.u32 s8, $0xFFFFF086  }
0x1c: {  	p1 =	slt.u32 s9, $0xF7A;
	s5 =	simm.s32 @!p2 $0x0  }
0x1d: {  	s5 =	simm.s32 @p1 $0x1;
	p0 =	seq.s32 s7, s2  }
0x1e: {  	s7 =	smul.u32 @!p0 $0xF7A, s2;
	p2 =	seq.s32 @!p0 s5, $0x0  }
0x1f: {  	s9 =	smul.u32 $0xF7A, s1;
	s8 =	simm.s32 @!p0 $0x1BF5;
	p2 =	por !p2, p0  }
0x20: {  	[sflag:s8] =	ssyncset.s32 @!p0 $0xFFFFF086;
	s6 =	sadd.s32 @!p0 s3, s7;
	s7 =	simm.s32 @!p0 $0x108  }
0x21: {  	s3 =	sadd.s32 s3, s9;
	s6 =	sadd.s32 @!p0 $0x88, s6;
	s7 =	simm.s32 @p2 $0x1082  }
0x22: {  	[simem:s7], [sflag:s8] =	dma.local @!p0 [hbm:s6], $0xF7A  }
0x23: {  	s9 =	sor.u32 $0xD0000000, s2;
	s6 =	simm.s32 $0x108;
	_ =	swait.ge @!p0 [sflag:s8], $0x0  }
0x24: {  	s3 =	sadd.s32 $0x88, s3;
	s6 =	simm.s32 @!p1 $0x1082;
	[sflag:s4] =	ssyncset.s32 $0xFFFFF086  }
0x25: {  	[simem:s6], [sflag:s4] =	dma.local [hbm:s3], $0xF7A  }
0x26: {  	[smem:$0x3F9E] =	sst s1;
	(tag) =	ssettag s2;
	_ =	strace s9  }
0x27: {  	s1 =	sld [smem:$0x3FAE]  }
0x28: {  	s2 =	sld [smem:$0x3FAF]  }
0x29: {  	s4 =	sld [smem:$0x3FB1]  }
0x2a: {  	p0 =	seq.s32 s5, $0x0;
	s5 =	sld [smem:$0x3FB2]  }
0x2b: {  	s6 =	sld [smem:$0x3FB3]  }
0x2c: {  	s7 =	sld [smem:$0x3FB4]  }
0x2d: {  	s3 =	simm.s32 $0x108;
	s8 =	sld [smem:$0x3FB5]  }
0x2e: {  	s3 =	simm.s32 @!p0 $0x1082;
	s9 =	sld [smem:$0x3FB6]  }
0x2f: {  	lr =	sadd.s32 s0, s3;
	s0 =	sld [smem:$0x3FAD]  }
0x30: {  	s3 =	sld [smem:$0x3FB0]  }
0x31: {  	[smem:$0x3FB9] =	sst s10  }
0x32: {  	s10 =	sld [smem:$0x3FB7];
	_ =	sdelay $0x3  }
0x33: {  	p0 =	seq.s32 s10, $0x1;
	s10 =	sld [smem:$0x3FB9];
	_ =	sdelay $0x3  }
0x34: {  	[smem:$0x3FB9] =	sst s10  }
0x35: {  	s10 =	sld [smem:$0x3FB8];
	_ =	sdelay $0x3  }
0x36: {  	p1 =	seq.s32 s10, $0x1;
	s10 =	sld [smem:$0x3FB9];
	_ =	sdelay $0x3  }
0x37: {  	[smem:$0x3FB9] =	sst s10  }
0x38: {  	s10 =	sld [smem:$0x3FBA]  }
0x39: {  	_ = 	snop;
	(pc) =	sbr.ind lr, $3  }
0x3a: {  	_ = 	snop  }
0x3b: {  	_ = 	snop  }
0x3c: {  	p2 =	seq.s32 s10, $0x1;
	s10 =	sld [smem:$0x3FB9]  }
0x3d: {  	_ =	shalt  }
0x3e: {  	_ =	shalt  }
0x3f: {  	_ =	shalt  }
0x40: {  	_ =	shalt  }
0x41: {  	_ =	shalt  }
0x42: {  	_ =	shalt  }
0x43: {  	_ =	shalt  }
0x44: {  	_ =	shalt  }
0x45: {  	_ =	shalt  }
0x46: {  	_ =	shalt  }
0x47: {  	_ =	shalt  }
0x48: {  	_ =	shalt  }
0x49: {  	_ =	shalt  }
0x4a: {  	_ =	shalt  }
0x4b: {  	_ =	shalt  }
0x4c: {  	_ =	shalt  }
0x4d: {  	_ =	shalt  }
0x4e: {  	_ =	shalt  }
0x4f: {  	_ =	shalt  }
0x50: {  	_ =	shalt  }
0x51: {  	_ =	shalt  }
0x52: {  	_ =	shalt  }
0x53: {  	_ =	shalt  }
0x54: {  	_ =	shalt  }
0x55: {  	_ =	shalt  }
0x56: {  	_ =	shalt  }
0x57: {  	_ =	shalt  }
0x58: {  	_ =	shalt  }
0x59: {  	_ =	shalt  }
0x5a: {  	_ =	shalt  }
0x5b: {  	_ =	shalt  }
0x5c: {  	_ =	shalt  }
0x5d: {  	_ =	shalt  }
0x5e: {  	_ =	shalt  }
0x5f: {  	_ =	shalt  }
0x60: {  	_ =	shalt  }
0x61: {  	_ =	shalt  }
0x62: {  	_ =	shalt  }
0x63: {  	_ =	shalt  }
0x64: {  	_ =	shalt  }
0x65: {  	_ =	shalt  }
0x66: {  	_ =	shalt  }
0x67: {  	_ =	shalt  }
0x68: {  	_ =	shalt  }
0x69: {  	_ =	shalt  }
0x6a: {  	_ =	shalt  }
0x6b: {  	_ =	shalt  }
0x6c: {  	_ =	shalt  }
0x6d: {  	_ =	shalt  }
0x6e: {  	_ =	shalt  }
0x6f: {  	_ =	shalt  }
0x70: {  	_ =	shalt  }
0x71: {  	_ =	shalt  }
0x72: {  	_ =	shalt  }
0x73: {  	_ =	shalt  }
0x74: {  	_ =	shalt  }
0x75: {  	_ =	shalt  }
0x76: {  	_ =	shalt  }
0x77: {  	_ =	shalt  }
0x78: {  	_ =	shalt  }
0x79: {  	_ =	shalt  }
0x7a: {  	_ =	shalt  }
0x7b: {  	_ =	shalt  }
0x7c: {  	_ =	shalt  }
0x7d: {  	_ =	shalt  }
0x7e: {  	_ =	shalt  }
0x7f: {  	_ =	shalt  }
0x80: {  	_ =	shalt  }
0x81: {  	_ =	shalt  }
0x82: {  	_ =	shalt  }
0x83: {  	_ =	shalt  }
0x84: {  	_ =	shalt  }
0x85: {  	_ =	shalt  }
0x86: {  	_ =	shalt  }
0x87: {  	_ =	shalt  }
.Lfunc_end0:
.L_simem_size_0:
called_computation_lowered:
.L_overlay_start_0:
0x88: {  	s2 =	sld [smem:$0x3FD9]  }
0x89: {  	s3 =	sld [smem:$0x3FFE];
	_ =	sdelay $0x1  }
0x8a: {  	s1 =	srdreg.scid  }
0x8b: {  	s0 =	sand.u32 $0x1, s1  }
0x8c: {  	s17 =	sshll.u32 s0, $0xA;
	s2 =	sadd.s32 s3, s2  }
0x8d: {  	s2 =	sadd.s32 s2, s17  }
0x8e: {  	[smem:$0x3FC5] =	sst s2  }
0x8f: {  	_ = 	snop  }
0x90: {  	s2 =	sld [smem:$0x3FC7];
	(tm) =	ssettm $0x1  }
0x91: {  	s18 =	sld [smem:$0x3FFB];
	_ =	sdelay $0x3  }
0x92: {  	_ =	strace s18  }
0x93: {  	s3 =	sld [smem:$0x3FFC];
	_ =	sdelay $0x3  }
0x94: {  	_ =	strace s3  }
0x95: {  	s3 =	sld [smem:$0x3FFD];
	_ =	sdelay $0x3  }
0x96: {  	_ =	strace s3  }
0x97: {  	_ =	strace $0x8FFFFFFF  }
0x98: {  	s19 =	sld [smem:$0x3FDB];
	_ =	sdelay $0x1  }
0x99: {  	s4 =	simm.s32 $_scs_section_size  }
0x9a: {  	s5 =	simm.s32 $_size__tile_overlayer_lowered;
	s6 =	simm.s32 $_tile_overlayer_lowered  }
0x9b: {  	s22 =	simm.s32 $0x1BFF;
	s21 =	sshll.u32 s6, $0x1;
	s3 =	sadd.s32 s4, s19  }
0x9c: {  	s7 =	simm.s32 $0x0;
	s20 =	sshll.u32 s5, $0x1;
	s5 =	sadd.s32 s21, s3  }
0x9d: {  	[timem:s7], [sflag:s22] =	dma.local [hbm:s5], s20  }
0x9e: {  	_ =	swait.ge [sflag:s22], s20  }
0x9f: {  	s4 =	ssub.s32 $0x0, s20;
	[sflag:s22] =	ssyncset.done $0x0  }
0xa0: {  	[sflag:s22] =	ssyncadd.s32 s4;
	_ =	sdelay $0x1  }
0xa1: {  	s23 =	simm.s32 $0x1B8B  }
0xa2: {  	_ =	swait.ge [sflag:s23], $0x1  }
0xa3: {  	[sflag:s23] =	ssyncset.done $0x0  }
0xa4: {  	s25 =	simm.s32 $0x1B8E;
	s24 =	sld [smem:$0x3FFE];
	[sflag:s23] =	ssyncadd.s32 $0xFFFFFFFF  }
0xa5: {  	s26 =	simm.s32 $execute0_lowered;
	[smem:$0x3FD2] =	sst s25  }
0xa6: {  	s5 =	sshll.u32 s26, $0x1;
	_ =	strace $0x80000046;
	[dreg:$0x1] =	wrdreg $0xFFFFFFFF  }
0xa7: {  	s28 =	simm.s32 $_size_execute0_lowered;
	s3 =	sadd.s32 s3, s5;
	[dreg:$0x0] =	wrdreg $0x0  }
0xa8: {  	s5 =	sshll.u32 s28, $0x1;
	[dreg:$0x2] =	wrdreg s3  }
0xa9: {  	[dreg:$0x3] =	wrdreg s5  }
0xaa: {  	[dreg:$0x4] =	wrdreg $0xC0  }
0xab: {  	_ =	task [dreg:s7], $0x5FFFF  }
0xac: {  	[dreg:$0x1] =	wrdreg $0xFFFFFFFF  }
0xad: {  	[dreg:$0x0] =	wrdreg $0x60  }
0xae: {  	[dreg:$0x2] =	wrdreg s24  }
0xaf: {  	[dreg:$0x3] =	wrdreg s2  }
0xb0: {  	[dreg:$0x4] =	wrdreg $0x9  }
0xb1: {  	_ =	task.clear_ibuf [dreg:s7], $0x5FFFF;
	_ =	strace $0x90000046  }
0xb2: {  	s29 =	simm.s32 $0x9;
	_ =	strace $0x80000048  }
0xb3: {  	_ =	swait.ge [sflag:s29], $0x1  }
0xb4: {  	[sflag:s29] =	ssyncadd.s32 $0xFFFFFFFF  }
0xb5: {  	_ =	strace $0x90000048  }
0xb6: {  	_ =	sfence  }
0xb7: {  	s30 =	sld [smem:$0x0];
	_ =	sdelay $0x2  }
0xb8: {  	s31 =	sshll.u32 s1, $0xD;
	s1 =	sshrl.u32 s1, $0x2  }
0xb9: {  	s3 =	sand.u32 $0x4000, s31;
	s1 =	sadd.s32 s1, s30  }
0xba: {  	s0 =	sor.u32 s3, s0;
	s1 =	sshll.u32 s1, $0x11  }
0xbb: {  	s0 =	sor.u32 s1, s0  }
0xbc: {  	s0 =	sadd.s32 $0x8F2B, s0  }
0xbd: {  	[sflag:s0] =	ssyncadd.remote.s32 $0x1  }
0xbe: {  	_ =	sfence.sel $0xFFFF  }
0xbf: {  	[dreg:$0x0] =	wrdreg $0xFFFFFFFF;
	(pc) =	sbr.abs _section_cstart, $3  }
0xc0: {  	[dreg:$0x1] =	wrdreg $0xFFFFFFFF  }
0xc1: {  	_ =	task.clear_ibuf [dreg:s7], $0x2FFFF;
	_ =	strace $0x9FFFFFFF  }
0xc2: {  	(tm) =	ssettm $0x7FFFFFFF  }
0xc3: {  	_ =	shalt  }
tec
execute0_lowered:
.L_overlay_start_1:
0x0: {  	(tag) =	ssettag $0x1  }
0x1: {  	v0 =	vimm.s32 $0xBAAB9889;
	v1 =	vimm.s32 $0xFEEFDCCD;
	vm0 =	vcmask $0x1F10  }
0x2: {  	v2 =	vimm.s32 $0x76675445;
	v3 =	vimm.s32 $0xB9A89B8A;
	v4 =	vimm.s32 $0xFDECDFCE  }
0x3: {  	v5 =	vimm.s32 $0x31201302;
	v6 =	vimm.s32 $0x75645746;
	v7 =	vimm.s32 $0xB8A99A8B  }
0x4: {  	v8 =	vimm.s32 $0xFCEDDECF;
	v9 =	vimm.s32 $0x35241706;
	v10 =	vimm.s32 $0x71605342  }
0x5: {  	v11 =	vimm.s32 $0xBCAD9E8F;
	v12 =	vimm.s32 $0xF8E9DACB;
	v13 =	vimm.s32 $0x39281B0A  }
0x6: {  	v14 =	vimm.s32 $0x7D6C5F4E;
	v15 =	vimm.s32 $0xB0A19283;
	v16 =	vimm.s32 $0xF4E5D6C7  }
0x7: {  	v17 =	vlaneseq.u32;
	v0 =	vunpack.c.0.s8.s32 v0;
	v1 =	vunpack.c.0.s8.s32 v1  }
0x8: {  	v2 =	vunpack.c.0.s8.s32 v2;
	v3 =	vunpack.c.0.s8.s32 v3;
	v4 =	vunpack.c.0.s8.s32 v4  }
0x9: {  	v5 =	vunpack.c.0.s8.s32 v5;
	v0 =	vsel vm0, v1, v0;
	v1 =	vimm.s32 $0x32231001  }
0xa: {  	v6 =	vunpack.c.0.s8.s32 v6;
	v7 =	vunpack.c.0.s8.s32 v7;
	v1 =	vunpack.c.0.s8.s32 v1  }
0xb: {  	v8 =	vunpack.c.0.s8.s32 v8;
	v9 =	vunpack.c.0.s8.s32 v9;
	v10 =	vunpack.c.0.s8.s32 v10  }
0xc: {  	v13 =	vunpack.c.0.s8.s32 v13;
	v14 =	vunpack.c.0.s8.s32 v14;
	v1 =	vsel vm0, v2, v1  }
0xd: {  	v2 =	vsel vm0, v6, v5;
	v5 =	vimm.s32 $0xBFAE9D8C;
	v6 =	vimm.s32 $0xFBEAD9C8  }
0xe: {  	v1 =	vcombine.low v1, v0;
	v0 =	vsel vm0, v4, v3;
	v3 =	vimm.s32 $0x30211203  }
0xf: {  	v4 =	vimm.s32 $0x74655647;
	v5 =	vunpack.c.0.s8.s32 v5;
	v6 =	vunpack.c.0.s8.s32 v6  }
0x10: {  	v2 =	vcombine.low v2, v0;
	v3 =	vunpack.c.0.s8.s32 v3;
	v4 =	vunpack.c.0.s8.s32 v4  }
0x11: {  	v0 =	vsel vm0, v8, v7;
	v7 =	vimm.s32 $0x37261504;
	v8 =	vimm.s32 $0x73625140  }
0x12: {  	v3 =	vsel vm0, v4, v3;
	v4 =	vunpack.c.0.s8.s32 v7;
	v7 =	vunpack.c.0.s8.s32 v8  }
0x13: {  	v5 =	vsel vm0, v6, v5;
	v6 =	vimm.s32 $0xBEAF9C8D;
	v8 =	vimm.s32 $0xFAEBD8C9  }
0x14: {  	v6 =	vunpack.c.0.s8.s32 v6;
	v4 =	vsel vm0, v7, v4;
	v7 =	vunpack.c.0.s8.s32 v8  }
0x15: {  	v3 =	vcombine.low v3, v0;
	v8 =	vimm.s32 $0xF9E8DBCA;
	v4 =	vcombine.low v4, v5  }
0x16: {  	v5 =	vimm.s32 $0x36271405;
	v0 =	vsel vm0, v7, v6;
	v6 =	vimm.s32 $0x72635041  }
0x17: {  	v5 =	vunpack.c.0.s8.s32 v5;
	v7 =	vimm.s32 $0xBDAC9F8E;
	v6 =	vunpack.c.0.s8.s32 v6  }
0x18: {  	v1 =	vand.u32 $0xFF, v1;
	v8 =	vunpack.c.0.s8.s32 v8;
	v7 =	vunpack.c.0.s8.s32 v7  }
0x19: {  	v5 =	vsel vm0, v6, v5;
	v6 =	vunpack.c.0.s8.s32 v11;
	v11 =	vunpack.c.0.s8.s32 v12  }
0x1a: {  	v12 =	vimm.s32 $0x7F6E5D4C;
	v5 =	vcombine.low v5, v0;
	v0 =	vsel vm0, v8, v7  }
0x1b: {  	v7 =	vsel vm0, v10, v9;
	v8 =	vimm.s32 $0x70615243;
	v9 =	vimm.s32 $0xB3A29180  }
0x1c: {  	v7 =	vcombine.low v7, v0;
	v0 =	vsel vm0, v11, v6;
	v6 =	vimm.s32 $0x34251607  }
0x1d: {  	v10 =	vimm.s32 $0xF7E6D5C4;
	v8 =	vunpack.c.0.s8.s32 v8;
	v6 =	vunpack.c.0.s8.s32 v6  }
0x1e: {  	v9 =	vunpack.c.0.s8.s32 v9;
	v10 =	vunpack.c.0.s8.s32 v10;
	v11 =	vimm.s32 $0x3B2A1908  }
0x1f: {  	v6 =	vsel vm0, v8, v6;
	v8 =	vunpack.c.0.s8.s32 v11;
	v11 =	vunpack.c.0.s8.s32 v12  }
0x20: {  	v9 =	vsel vm0, v10, v9;
	v10 =	vimm.s32 $0xB2A39081;
	v12 =	vimm.s32 $0xF6E7D4C5  }
0x21: {  	v10 =	vunpack.c.0.s8.s32 v10;
	v8 =	vsel vm0, v11, v8;
	v11 =	vunpack.c.0.s8.s32 v12  }
0x22: {  	v12 =	vcombine.low v6, v0;
	v6 =	vimm.s32 $0x3A2B1809;
	v8 =	vcombine.low v8, v9  }
0x23: {  	v9 =	vimm.s32 $0x7E6F5C4D;
	v6 =	vunpack.c.0.s8.s32 v6;
	v0 =	vsel vm0, v11, v10  }
0x24: {  	v9 =	vunpack.c.0.s8.s32 v9;
	v10 =	vimm.s32 $0xB1A09382;
	v11 =	vimm.s32 $0xF5E4D7C6  }
0x25: {  	v2 =	vand.u32 $0xFF, v2;
	v10 =	vunpack.c.0.s8.s32 v10;
	v11 =	vunpack.c.0.s8.s32 v11  }
0x26: {  	v6 =	vsel vm0, v9, v6;
	v9 =	vunpack.c.0.s8.s32 v15;
	v15 =	vunpack.c.0.s8.s32 v16  }
0x27: {  	v16 =	vcombine.low v6, v0;
	v0 =	vsel vm0, v11, v10;
	v6 =	vsel vm0, v14, v13  }
0x28: {  	v11 =	vimm.s32 $0xB7A69584;
	v13 =	vimm.s32 $0xF3E2D1C0;
	v10 =	vcombine.low v6, v0  }
0x29: {  	v0 =	vsel vm0, v15, v9;
	v6 =	vimm.s32 $0x38291A0B;
	v9 =	vimm.s32 $0x7C6D5E4F  }
0x2a: {  	v14 =	vimm.s32 $0x3F2E1D0C;
	v6 =	vunpack.c.0.s8.s32 v6;
	v9 =	vunpack.c.0.s8.s32 v9  }
0x2b: {  	v11 =	vunpack.c.0.s8.s32 v11;
	v13 =	vunpack.c.0.s8.s32 v13;
	v15 =	vimm.s32 $0x7B6A5948  }
0x2c: {  	v6 =	vsel vm0, v9, v6;
	v9 =	vunpack.c.0.s8.s32 v14;
	v14 =	vunpack.c.0.s8.s32 v15  }
0x2d: {  	s0 =	rddreg [dreg:$0x0];
	v15 =	vcombine.low v6, v0;
	v0 =	vsel vm0, v13, v11;
	v6 =	vimm.s32 $0xB6A79485  }
0x2e: {  	s1 =	rddreg [dreg:$0x1];
	s2 =	simm.s32 $0x0;
	s3 =	srdreg.scid;
	v11 =	vimm.s32 $0xF2E3D0C1;
	v13 =	vimm.s32 $0x3E2F1C0D;
	v9 =	vsel vm0, v14, v9  }
0x2f: {  	s5 =	stileid.u32;
	s11 =	simm.s32 $0x3;
	s12 =	simm.s32 $0x2000;
	v6 =	vunpack.c.0.s8.s32 v6;
	v11 =	vunpack.c.0.s8.s32 v11;
	v14 =	vimm.s32 $0x7A6B5849  }
0x30: {  	s13 =	simm.s32 $0x4000;
	s14 =	simm.s32 $0x80;
	s16 =	simm.s32 $0x9000;
	v3 =	vand.u32 $0xFF, v3;
	v13 =	vunpack.c.0.s8.s32 v13;
	v14 =	vunpack.c.0.s8.s32 v14  }
0x31: {  	s17 =	simm.s32 $0xA000;
	s18 =	simm.s32 $0xB000;
	s19 =	simm.s32 $0xC000;
	v4 =	vand.u32 $0xFF, v4;
	v18 =	vcombine.low v9, v0;
	v6 =	vsel vm0, v11, v6  }
0x32: {  	s20 =	simm.s32 $0xD000;
	s21 =	simm.s32 $0x1;
	s22 =	simm.s32 $0xE000;
	v11 =	vimm.s32 $0xB5A49786;
	v9 =	vsel vm0, v14, v13;
	v13 =	vimm.s32 $0xF1E0D3C2  }
0x33: {  	s23 =	simm.s32 $0x2;
	s24 =	simm.s32 $0xE100;
	s25 =	simm.s32 $0xE110;
	v5 =	vand.u32 $0xFF, v5;
	v11 =	vunpack.c.0.s8.s32 v11;
	v13 =	vunpack.c.0.s8.s32 v13  }
0x34: {  	s26 =	simm.s32 $0x0;
	s4 =	sand.u32 $0x1, s3;
	s5 =	sshll.u32 s5, $0x1;
	v14 =	vcombine.low v9, v6;
	v6 =	vimm.s32 $0x3D2C1F0E;
	v9 =	vimm.s32 $0x79685B4A  }
0x35: {  	[smem:$0x7FF] =	sst s2;
	s3 =	sadd.s32 $0xA00, s0;
	s5 =	sor.u32 s4, s5;
	v19 =	vunpack.c.0.s8.s32 v9;
	v11 =	vsel vm0, v13, v11;
	v13 =	vunpack.c.0.s8.s32 v6  }
0x36: {  	_ =	strace $0x80000047;
	s4 =	ssub.s32 $0x2, s4;
	s7 =	sshll.u32 s5, $0xA;
	v8 =	vand.u32 $0xFF, v8;
	v10 =	vand.u32 $0xFF, v10;
	v0 =	vmul.u32 $0x11, v17  }
0x37: {  	s5 =	sshll.u32 s5, $0x1;
	s31 =	sshrl.u32 s4, $0x1;
	s6 =	sadd.s32 s7, s0;
	v6 =	vand.u32 $0xFF, v7;
	v7 =	vand.u32 $0xFF, v12;
	v12 =	vsel vm0, v19, v13  }
0x38: {  	s0 =	sadd.s32 s5, s0;
	s10 =	ssub.s32 s4, s31;
	s7 =	sadd.s32 s1, s7;
	v17 =	vmul.u32 $0xF, v17;
	v9 =	vand.u32 $0xFF, v16;
	v16 =	vcombine.low v12, v11  }
0x39: {  	s4 =	sadd.s32 $0x20A00, s6;
	s5 =	sadd.s32 $0x18A00, s6;
	s6 =	sadd.s32 $0x10A00, s6;
	v13 =	vand.u32 $0xFF, v14;
	v11 =	vand.u32 $0xFF, v15;
	v12 =	vand.u32 $0xFF, v18  }
0x3a: {  	s8 =	sadd.s32 $0x28A00, s0;
	s9 =	sadd.s32 $0x28C00, s0;
	s10 =	smax.u32 s10, $0x1;
	v15 =	vadd.s32 $0xF, v17;
	v14 =	vand.u32 $0xFF, v16;
	v16 =	vimm.s32 $0x0  }
.LBB2_1:
0x3b: {  	[tilespmem:s2], [sflag:$0x3] =	stream.linear.gather [hbm4b:s4+s2], $0x2000, $0x38;
	[tilespmem:$0xE120] =	vst v63  }
0x3c: {  	_ =	swait.ge [sflag:s11], $0x2000  }
0x3d: {  	[sflag:s11] =	ssyncset.done $0x0  }
0x3e: {  	[sflag:s11] =	ssyncadd.s32 $0xFFFFE000  }
0x3f: {  	[tilespmem:s12], [sflag:$0x3] =	stream.linear.gather [hbm4b:s5+s2], $0x2000, $0x38;
	[tilespmem:$0xE120] =	vst v63  }
0x40: {  	_ =	swait.ge [sflag:s11], $0x2000  }
0x41: {  	[sflag:s11] =	ssyncset.done $0x0  }
0x42: {  	[sflag:s11] =	ssyncadd.s32 $0xFFFFE000  }
0x43: {  	[tilespmem:s13], [sflag:$0x3] =	stream.linear.gather [hbm4b:s6+s2], $0x2000, $0x38;
	[tilespmem:$0xE120] =	vst v63  }
0x44: {  	_ =	swait.ge [sflag:s11], $0x2000  }
0x45: {  	[sflag:s11] =	ssyncset.done $0x0  }
0x46: {  	s1 =	simm.s32 $0x6000;
	[sflag:s11] =	ssyncadd.s32 $0xFFFFE000  }
0x47: {  	[tilespmem:s1], [sflag:$0x3] =	stream.linear.gather [hbm4b:s7+s2], $0x2000, $0x38;
	[tilespmem:$0xE120] =	vst v63  }
0x48: {  	_ =	swait.ge [sflag:s11], $0x2000  }
0x49: {  	[sflag:s11] =	ssyncset.done $0x0  }
0x4a: {  	s0 =	simm.s32 $0x8000;
	[sflag:s11] =	ssyncadd.s32 $0xFFFFE000  }
0x4b: {  	[tilespmem:s0], [sflag:$0x1] =	stream.indirect.gather [hbm4b:s3+s14], $0x20, s2, s14, $0xb8;
	[tilespmem:$0xE120] =	vst v63  }
0x4c: {  	_ = 	snop  }
0x4d: {  	[tilespmem:s16], [sflag:$0x1] =	stream.indirect.gather [hbm4b:s3+s14], $0x20, s12, s14, $0xb8;
	[tilespmem:$0xE120] =	vst v63  }
0x4e: {  	s29 =	simm.s32 $0x6080;
	s30 =	simm.s32 $0x0  }
0x4f: {  	v17 =	vimm.f32 $0.0e+00;
	v18 =	vimm.s32 $0x0;
	[tilespmem:s17], [sflag:$0x1] =	stream.indirect.gather [hbm4b:s3+s14], $0x20, s13, s14, $0xb8;
	[tilespmem:$0xE120] =	vst v63  }
.LBB2_2:
0x50: {  	s31 =	sshll.u32 s30, $0x8  }
0x51: {  	s0 =	sor.u32 $0x80, s31  }
0x52: {  	[tilespmem:s18], [sflag:$0x2] =	stream.indirect.gather [hbm4b:s3+s14], $0x20, s0, s14, $0xb8;
	[tilespmem:$0xE120] =	vst v63  }
0x53: {  	s15 =	sadd.s32 $0x2080, s31  }
0x54: {  	[tilespmem:s19], [sflag:$0x2] =	stream.indirect.gather [hbm4b:s3+s14], $0x20, s15, s14, $0xb8;
	[tilespmem:$0xE120] =	vst v63  }
0x55: {  	s15 =	sadd.s32 $0x4080, s31  }
0x56: {  	[tilespmem:s20], [sflag:$0x2] =	stream.indirect.gather [hbm4b:s3+s14], $0x20, s15, s14, $0xb8;
	[tilespmem:$0xE120] =	vst v63  }
0x57: {  	_ =	swait.ge [sflag:s21], $0x1000  }
0x58: {  	[sflag:s21] =	ssyncset.done $0x0  }
0x59: {  	[sflag:s21] =	ssyncadd.s32 $0xFFFFF000  }
0x5a: {  	_ =	swait.ge [sflag:s21], $0x1000  }
0x5b: {  	[sflag:s21] =	ssyncset.done $0x0  }
0x5c: {  	[sflag:s21] =	ssyncadd.s32 $0xFFFFF000  }
0x5d: {  	_ =	swait.ge [sflag:s21], $0x1000  }
0x5e: {  	[sflag:s21] =	ssyncset.done $0x0  }
0x5f: {  	s28 =	smov.u32 s1;
	s0 =	simm.s32 $0x0;
	[sflag:s21] =	ssyncadd.s32 $0xFFFFF000  }
.LBB2_3:
0x60: {  	s15 =	sshra.s32 s0, $0x2  }
0x61: {  	v19 =	vld [tilespmem:s15+$0x9000]  }
0x62: {  	v20 =	vld [tilespmem:s15+$0x9010]  }
0x63: {  	v21 =	vld [tilespmem:s15+$0xA000]  }
0x64: {  	v22 =	vld [tilespmem:s15+$0xA010]  }
0x65: {  	v23 =	vld [tilespmem:s15+$0x8000]  }
0x66: {  	v24 =	vld [tilespmem:s15+$0x8010];
	_ =	sdelay $0x1  }
0x67: {  	v19 =	vsub.bf16 v21, v19  }
0x68: {  	v20 =	vsub.bf16 v22, v20  }
0x69: {  	v19 =	vmul.bf16 v19, v23  }
0x6a: {  	v20 =	vmul.bf16 v20, v24  }
0x6b: {  	v60 =	vshll.u32 v19, $0x10  }
0x6c: {  	v19 =	vand.u32 $0xFFFF0000, v19;
	v61 =	vshll.u32 v20, $0x10;
	v20 =	vand.u32 $0xFFFF0000, v20  }
0x6d: {  	v19 =	vadd.f32 v19, v60;
	v20 =	vadd.f32 v20, v61;
	_ =	sdelay $0x1  }
0x6e: {  	v20 =	vadd.f32 v20, v19;
	_ =	sdelay $0x1  }
0x6f: {  	v19 =	vld [tilespmem:s28+$0x0];
	[tilespmem:$0xE000] =	vst v20  }
0x70: {  	v20 =	vld [tilespmem:s15+$0x9020]  }
0x71: {  	v62 =	vld [tilespmem:s15+$0x9030]  }
0x72: {  	v63 =	vld [tilespmem:s15+$0xA020]  }
0x73: {  	v28 =	vld [tilespmem:s15+$0xA030]  }
0x74: {  	v29 =	vld [tilespmem:s15+$0x8020]  }
0x75: {  	v25 =	vld [tilespmem:s15+$0x8030];
	_ =	sdelay $0x1  }
0x76: {  	v20 =	vsub.bf16 v63, v20  }
0x77: {  	v21 =	vsub.bf16 v28, v62  }
0x78: {  	v20 =	vmul.bf16 v20, v29  }
0x79: {  	v21 =	vmul.bf16 v21, v25  }
0x7a: {  	v30 =	vshll.u32 v20, $0x10  }
0x7b: {  	v20 =	vand.u32 $0xFFFF0000, v20;
	v31 =	vshll.u32 v21, $0x10;
	v21 =	vand.u32 $0xFFFF0000, v21  }
0x7c: {  	v20 =	vadd.f32 v20, v30;
	v21 =	vadd.f32 v21, v31;
	_ =	sdelay $0x1  }
0x7d: {  	v20 =	vadd.f32 v21, v20;
	_ =	sdelay $0x1  }
0x7e: {  	[tilespmem:$0xE010] =	vst v20  }
0x7f: {  	v20 =	vld [tilespmem:s15+$0x9040]  }
0x80: {  	v32 =	vld [tilespmem:s15+$0x9050]  }
0x81: {  	v33 =	vld [tilespmem:s15+$0xA040]  }
0x82: {  	v34 =	vld [tilespmem:s15+$0xA050]  }
0x83: {  	v35 =	vld [tilespmem:s15+$0x8040]  }
0x84: {  	v36 =	vld [tilespmem:s15+$0x8050];
	_ =	sdelay $0x1  }
0x85: {  	v20 =	vsub.bf16 v33, v20  }
0x86: {  	v21 =	vsub.bf16 v34, v32  }
0x87: {  	v20 =	vmul.bf16 v20, v35  }
0x88: {  	v21 =	vmul.bf16 v21, v36  }
0x89: {  	v37 =	vshll.u32 v20, $0x10  }
0x8a: {  	v20 =	vand.u32 $0xFFFF0000, v20;
	v38 =	vshll.u32 v21, $0x10;
	v21 =	vand.u32 $0xFFFF0000, v21  }
0x8b: {  	v20 =	vadd.f32 v20, v37;
	v21 =	vadd.f32 v21, v38;
	_ =	sdelay $0x1  }
0x8c: {  	v20 =	vadd.f32 v21, v20;
	_ =	sdelay $0x1  }
0x8d: {  	[tilespmem:$0xE020] =	vst v20  }
0x8e: {  	v20 =	vld [tilespmem:s15+$0x9060]  }
0x8f: {  	v39 =	vld [tilespmem:s15+$0x9070]  }
0x90: {  	v40 =	vld [tilespmem:s15+$0xA060]  }
0x91: {  	v41 =	vld [tilespmem:s15+$0xA070]  }
0x92: {  	v42 =	vld [tilespmem:s15+$0x8060]  }
0x93: {  	v43 =	vld [tilespmem:s15+$0x8070];
	_ =	sdelay $0x1  }
0x94: {  	v20 =	vsub.bf16 v40, v20  }
0x95: {  	v21 =	vsub.bf16 v41, v39  }
0x96: {  	v20 =	vmul.bf16 v20, v42  }
0x97: {  	v21 =	vmul.bf16 v21, v43  }
0x98: {  	v44 =	vshll.u32 v20, $0x10  }
0x99: {  	v20 =	vand.u32 $0xFFFF0000, v20;
	v45 =	vshll.u32 v21, $0x10;
	v21 =	vand.u32 $0xFFFF0000, v21  }
0x9a: {  	v20 =	vadd.f32 v20, v44;
	v21 =	vadd.f32 v21, v45;
	_ =	sdelay $0x1  }
0x9b: {  	v20 =	vadd.f32 v21, v20;
	_ =	sdelay $0x1  }
0x9c: {  	[tilespmem:$0xE030] =	vst v20  }
0x9d: {  	v20 =	vld [tilespmem:s15+$0x9080]  }
0x9e: {  	v46 =	vld [tilespmem:s15+$0x9090]  }
0x9f: {  	v47 =	vld [tilespmem:s15+$0xA080]  }
0xa0: {  	v48 =	vld [tilespmem:s15+$0xA090]  }
0xa1: {  	v49 =	vld [tilespmem:s15+$0x8080]  }
0xa2: {  	v50 =	vld [tilespmem:s15+$0x8090];
	_ =	sdelay $0x1  }
0xa3: {  	v20 =	vsub.bf16 v47, v20  }
0xa4: {  	v21 =	vsub.bf16 v48, v46  }
0xa5: {  	v20 =	vmul.bf16 v20, v49  }
0xa6: {  	v21 =	vmul.bf16 v21, v50  }
0xa7: {  	v51 =	vshll.u32 v20, $0x10  }
0xa8: {  	v20 =	vand.u32 $0xFFFF0000, v20;
	v52 =	vshll.u32 v21, $0x10;
	v21 =	vand.u32 $0xFFFF0000, v21  }
0xa9: {  	v20 =	vadd.f32 v20, v51;
	v21 =	vadd.f32 v21, v52;
	_ =	sdelay $0x1  }
0xaa: {  	v20 =	vadd.f32 v21, v20;
	_ =	sdelay $0x1  }
0xab: {  	[tilespmem:$0xE040] =	vst v20  }
0xac: {  	v20 =	vld [tilespmem:s15+$0x90A0]  }
0xad: {  	v53 =	vld [tilespmem:s15+$0x90B0]  }
0xae: {  	v54 =	vld [tilespmem:s15+$0xA0A0]  }
0xaf: {  	v55 =	vld [tilespmem:s15+$0xA0B0]  }
0xb0: {  	v56 =	vld [tilespmem:s15+$0x80A0]  }
0xb1: {  	v57 =	vld [tilespmem:s15+$0x80B0];
	_ =	sdelay $0x1  }
0xb2: {  	v20 =	vsub.bf16 v54, v20  }
0xb3: {  	v21 =	vsub.bf16 v55, v53  }
0xb4: {  	v20 =	vmul.bf16 v20, v56  }
0xb5: {  	v21 =	vmul.bf16 v21, v57  }
0xb6: {  	v58 =	vshll.u32 v20, $0x10  }
0xb7: {  	v20 =	vand.u32 $0xFFFF0000, v20;
	v59 =	vshll.u32 v21, $0x10;
	v21 =	vand.u32 $0xFFFF0000, v21  }
0xb8: {  	v20 =	vadd.f32 v20, v58;
	v21 =	vadd.f32 v21, v59;
	_ =	sdelay $0x1  }
0xb9: {  	v20 =	vadd.f32 v21, v20;
	_ =	sdelay $0x1  }
0xba: {  	[tilespmem:$0xE050] =	vst v20  }
0xbb: {  	v20 =	vld [tilespmem:s15+$0x90C0]  }
0xbc: {  	v60 =	vld [tilespmem:s15+$0x90D0]  }
0xbd: {  	v61 =	vld [tilespmem:s15+$0xA0C0]  }
0xbe: {  	v62 =	vld [tilespmem:s15+$0xA0D0]  }
0xbf: {  	v63 =	vld [tilespmem:s15+$0x80C0]  }
0xc0: {  	v28 =	vld [tilespmem:s15+$0x80D0];
	_ =	sdelay $0x1  }
0xc1: {  	v20 =	vsub.bf16 v61, v20  }
0xc2: {  	v21 =	vsub.bf16 v62, v60  }
0xc3: {  	v20 =	vmul.bf16 v20, v63  }
0xc4: {  	v21 =	vmul.bf16 v21, v28  }
0xc5: {  	v29 =	vshll.u32 v20, $0x10  }
0xc6: {  	v20 =	vand.u32 $0xFFFF0000, v20;
	v30 =	vshll.u32 v21, $0x10;
	v21 =	vand.u32 $0xFFFF0000, v21  }
0xc7: {  	v20 =	vadd.f32 v20, v29;
	v21 =	vadd.f32 v21, v30;
	_ =	sdelay $0x1  }
0xc8: {  	v20 =	vadd.f32 v21, v20;
	_ =	sdelay $0x1  }
0xc9: {  	[tilespmem:$0xE060] =	vst v20  }
0xca: {  	v20 =	vld [tilespmem:s15+$0x90E0]  }
0xcb: {  	v31 =	vld [tilespmem:s15+$0x90F0]  }
0xcc: {  	v32 =	vld [tilespmem:s15+$0xA0E0]  }
0xcd: {  	v33 =	vld [tilespmem:s15+$0xA0F0]  }
0xce: {  	v34 =	vld [tilespmem:s15+$0x80E0]  }
0xcf: {  	v35 =	vld [tilespmem:s15+$0x80F0];
	_ =	sdelay $0x1  }
0xd0: {  	v20 =	vsub.bf16 v32, v20  }
0xd1: {  	v21 =	vsub.bf16 v33, v31  }
0xd2: {  	v20 =	vmul.bf16 v20, v34  }
0xd3: {  	v21 =	vmul.bf16 v21, v35  }
0xd4: {  	v36 =	vshll.u32 v20, $0x10  }
0xd5: {  	v20 =	vand.u32 $0xFFFF0000, v20;
	v37 =	vshll.u32 v21, $0x10;
	v21 =	vand.u32 $0xFFFF0000, v21  }
0xd6: {  	v20 =	vadd.f32 v20, v36;
	v21 =	vadd.f32 v21, v37;
	_ =	sdelay $0x1  }
0xd7: {  	v20 =	vadd.f32 v21, v20;
	_ =	sdelay $0x1  }
0xd8: {  	[tilespmem:$0xE070] =	vst v20  }
0xd9: {  	v20 =	vld [tilespmem:s15+$0x9100]  }
0xda: {  	v38 =	vld [tilespmem:s15+$0x9110]  }
0xdb: {  	v39 =	vld [tilespmem:s15+$0xA100]  }
0xdc: {  	v40 =	vld [tilespmem:s15+$0xA110]  }
0xdd: {  	v41 =	vld [tilespmem:s15+$0x8100]  }
0xde: {  	v42 =	vld [tilespmem:s15+$0x8110];
	_ =	sdelay $0x1  }
0xdf: {  	v20 =	vsub.bf16 v39, v20  }
0xe0: {  	v21 =	vsub.bf16 v40, v38  }
0xe1: {  	v20 =	vmul.bf16 v20, v41  }
0xe2: {  	v21 =	vmul.bf16 v21, v42  }
0xe3: {  	v43 =	vshll.u32 v20, $0x10  }
0xe4: {  	v20 =	vand.u32 $0xFFFF0000, v20;
	v44 =	vshll.u32 v21, $0x10;
	v21 =	vand.u32 $0xFFFF0000, v21  }
0xe5: {  	v20 =	vadd.f32 v20, v43;
	v21 =	vadd.f32 v21, v44;
	_ =	sdelay $0x1  }
0xe6: {  	v20 =	vadd.f32 v21, v20;
	_ =	sdelay $0x1  }
0xe7: {  	[tilespmem:$0xE080] =	vst v20  }
0xe8: {  	v20 =	vld [tilespmem:s15+$0x9120]  }
0xe9: {  	v45 =	vld [tilespmem:s15+$0x9130]  }
0xea: {  	v46 =	vld [tilespmem:s15+$0xA120]  }
0xeb: {  	v47 =	vld [tilespmem:s15+$0xA130]  }
0xec: {  	v48 =	vld [tilespmem:s15+$0x8120]  }
0xed: {  	v49 =	vld [tilespmem:s15+$0x8130];
	_ =	sdelay $0x1  }
0xee: {  	v20 =	vsub.bf16 v46, v20  }
0xef: {  	v21 =	vsub.bf16 v47, v45  }
0xf0: {  	v20 =	vmul.bf16 v20, v48  }
0xf1: {  	v21 =	vmul.bf16 v21, v49  }
0xf2: {  	v50 =	vshll.u32 v20, $0x10  }
0xf3: {  	v20 =	vand.u32 $0xFFFF0000, v20;
	v51 =	vshll.u32 v21, $0x10;
	v21 =	vand.u32 $0xFFFF0000, v21  }
0xf4: {  	v20 =	vadd.f32 v20, v50;
	v21 =	vadd.f32 v21, v51;
	_ =	sdelay $0x1  }
0xf5: {  	v20 =	vadd.f32 v21, v20;
	_ =	sdelay $0x1  }
0xf6: {  	[tilespmem:$0xE090] =	vst v20  }
0xf7: {  	v20 =	vld [tilespmem:s15+$0x9140]  }
0xf8: {  	v52 =	vld [tilespmem:s15+$0x9150]  }
0xf9: {  	v53 =	vld [tilespmem:s15+$0xA140]  }
0xfa: {  	v54 =	vld [tilespmem:s15+$0xA150]  }
0xfb: {  	v55 =	vld [tilespmem:s15+$0x8140]  }
0xfc: {  	v56 =	vld [tilespmem:s15+$0x8150];
	_ =	sdelay $0x1  }
0xfd: {  	v20 =	vsub.bf16 v53, v20  }
0xfe: {  	v21 =	vsub.bf16 v54, v52  }
0xff: {  	v20 =	vmul.bf16 v20, v55  }
0x100: {  	v21 =	vmul.bf16 v21, v56  }
0x101: {  	v57 =	vshll.u32 v20, $0x10  }
0x102: {  	v20 =	vand.u32 $0xFFFF0000, v20;
	v58 =	vshll.u32 v21, $0x10;
	v21 =	vand.u32 $0xFFFF0000, v21  }
0x103: {  	v20 =	vadd.f32 v20, v57;
	v21 =	vadd.f32 v21, v58;
	_ =	sdelay $0x1  }
0x104: {  	v20 =	vadd.f32 v21, v20;
	_ =	sdelay $0x1  }
0x105: {  	[tilespmem:$0xE0A0] =	vst v20  }
0x106: {  	v20 =	vld [tilespmem:s15+$0x9160]  }
0x107: {  	v59 =	vld [tilespmem:s15+$0x9170]  }
0x108: {  	v60 =	vld [tilespmem:s15+$0xA160]  }
0x109: {  	v61 =	vld [tilespmem:s15+$0xA170]  }
0x10a: {  	v62 =	vld [tilespmem:s15+$0x8160]  }
0x10b: {  	v63 =	vld [tilespmem:s15+$0x8170];
	_ =	sdelay $0x1  }
0x10c: {  	v20 =	vsub.bf16 v60, v20  }
0x10d: {  	v21 =	vsub.bf16 v61, v59  }
0x10e: {  	v20 =	vmul.bf16 v20, v62  }
0x10f: {  	v21 =	vmul.bf16 v21, v63  }
0x110: {  	v27 =	vshll.u32 v20, $0x10  }
0x111: {  	v20 =	vand.u32 $0xFFFF0000, v20;
	v28 =	vshll.u32 v21, $0x10;
	v21 =	vand.u32 $0xFFFF0000, v21  }
0x112: {  	v20 =	vadd.f32 v20, v27;
	v21 =	vadd.f32 v21, v28;
	_ =	sdelay $0x1  }
0x113: {  	v20 =	vadd.f32 v21, v20;
	_ =	sdelay $0x1  }
0x114: {  	[tilespmem:$0xE0B0] =	vst v20  }
0x115: {  	v20 =	vld [tilespmem:s15+$0x9180]  }
0x116: {  	v29 =	vld [tilespmem:s15+$0x9190]  }
0x117: {  	v30 =	vld [tilespmem:s15+$0xA180]  }
0x118: {  	v31 =	vld [tilespmem:s15+$0xA190]  }
0x119: {  	v32 =	vld [tilespmem:s15+$0x8180]  }
0x11a: {  	v33 =	vld [tilespmem:s15+$0x8190];
	_ =	sdelay $0x1  }
0x11b: {  	v20 =	vsub.bf16 v30, v20  }
0x11c: {  	v21 =	vsub.bf16 v31, v29  }
0x11d: {  	v20 =	vmul.bf16 v20, v32  }
0x11e: {  	v21 =	vmul.bf16 v21, v33  }
0x11f: {  	v34 =	vshll.u32 v20, $0x10  }
0x120: {  	v20 =	vand.u32 $0xFFFF0000, v20;
	v35 =	vshll.u32 v21, $0x10;
	v21 =	vand.u32 $0xFFFF0000, v21  }
0x121: {  	v20 =	vadd.f32 v20, v34;
	v21 =	vadd.f32 v21, v35;
	_ =	sdelay $0x1  }
0x122: {  	v20 =	vadd.f32 v21, v20;
	_ =	sdelay $0x1  }
0x123: {  	[tilespmem:$0xE0C0] =	vst v20  }
0x124: {  	v20 =	vld [tilespmem:s15+$0x91A0]  }
0x125: {  	v36 =	vld [tilespmem:s15+$0x91B0]  }
0x126: {  	v37 =	vld [tilespmem:s15+$0xA1A0]  }
0x127: {  	v38 =	vld [tilespmem:s15+$0xA1B0]  }
0x128: {  	v39 =	vld [tilespmem:s15+$0x81A0]  }
0x129: {  	v40 =	vld [tilespmem:s15+$0x81B0];
	_ =	sdelay $0x1  }
0x12a: {  	v20 =	vsub.bf16 v37, v20  }
0x12b: {  	v21 =	vsub.bf16 v38, v36  }
0x12c: {  	v20 =	vmul.bf16 v20, v39  }
0x12d: {  	v21 =	vmul.bf16 v21, v40  }
0x12e: {  	v41 =	vshll.u32 v20, $0x10  }
0x12f: {  	v20 =	vand.u32 $0xFFFF0000, v20;
	v42 =	vshll.u32 v21, $0x10;
	v21 =	vand.u32 $0xFFFF0000, v21  }
0x130: {  	v20 =	vadd.f32 v20, v41;
	v21 =	vadd.f32 v21, v42;
	_ =	sdelay $0x1  }
0x131: {  	v20 =	vadd.f32 v21, v20;
	_ =	sdelay $0x1  }
0x132: {  	[tilespmem:$0xE0D0] =	vst v20  }
0x133: {  	v20 =	vld [tilespmem:s15+$0x91C0]  }
0x134: {  	v43 =	vld [tilespmem:s15+$0x91D0]  }
0x135: {  	v44 =	vld [tilespmem:s15+$0xA1C0]  }
0x136: {  	v45 =	vld [tilespmem:s15+$0xA1D0]  }
0x137: {  	v46 =	vld [tilespmem:s15+$0x81C0]  }
0x138: {  	v47 =	vld [tilespmem:s15+$0x81D0];
	_ =	sdelay $0x1  }
0x139: {  	v20 =	vsub.bf16 v44, v20  }
0x13a: {  	v21 =	vsub.bf16 v45, v43  }
0x13b: {  	v20 =	vmul.bf16 v20, v46  }
0x13c: {  	v21 =	vmul.bf16 v21, v47  }
0x13d: {  	v48 =	vshll.u32 v20, $0x10  }
0x13e: {  	v20 =	vand.u32 $0xFFFF0000, v20;
	v49 =	vshll.u32 v21, $0x10;
	v21 =	vand.u32 $0xFFFF0000, v21  }
0x13f: {  	v20 =	vadd.f32 v20, v48;
	v21 =	vadd.f32 v21, v49;
	_ =	sdelay $0x1  }
0x140: {  	v20 =	vadd.f32 v21, v20;
	_ =	sdelay $0x1  }
0x141: {  	[tilespmem:$0xE0E0] =	vst v20  }
0x142: {  	v20 =	vld [tilespmem:s15+$0x91E0]  }
0x143: {  	v50 =	vld [tilespmem:s15+$0x91F0]  }
0x144: {  	v51 =	vld [tilespmem:s15+$0xA1E0]  }
0x145: {  	v52 =	vld [tilespmem:s15+$0xA1F0]  }
0x146: {  	v53 =	vld [tilespmem:s15+$0x81E0]  }
0x147: {  	v54 =	vld [tilespmem:s15+$0x81F0];
	_ =	sdelay $0x1  }
0x148: {  	v20 =	vsub.bf16 v51, v20  }
0x149: {  	v21 =	vsub.bf16 v52, v50  }
0x14a: {  	v20 =	vmul.bf16 v20, v53  }
0x14b: {  	v21 =	vmul.bf16 v21, v54  }
0x14c: {  	v55 =	vshll.u32 v20, $0x10  }
0x14d: {  	v20 =	vand.u32 $0xFFFF0000, v20;
	v56 =	vshll.u32 v21, $0x10;
	v21 =	vand.u32 $0xFFFF0000, v21  }
0x14e: {  	v20 =	vadd.f32 v20, v55;
	v21 =	vadd.f32 v21, v56;
	_ =	sdelay $0x1  }
0x14f: {  	v20 =	vadd.f32 v21, v20;
	_ =	sdelay $0x1  }
0x150: {  	[tilespmem:$0xE0F0] =	vst v20  }
0x151: {  	v20 =	vld.idx.msk [tilespmem:v0+s22+$0x0], $0xffff  }
0x152: {  	v57 =	vld.idx.msk [tilespmem:v1+s22+$0x0], $0xffff  }
0x153: {  	v58 =	vld.idx.msk [tilespmem:v2+s22+$0x0], $0xffff  }
0x154: {  	v59 =	vld.idx.msk [tilespmem:v3+s22+$0x0], $0xffff  }
0x155: {  	v60 =	vld.idx.msk [tilespmem:v4+s22+$0x0], $0xffff  }
0x156: {  	v61 =	vld.idx.msk [tilespmem:v5+s22+$0x0], $0xffff  }
0x157: {  	v26 =	vld.idx.msk [tilespmem:v6+s22+$0x0], $0xffff  }
0x158: {  	v27 =	vld.idx.msk [tilespmem:v7+s22+$0x0], $0xffff  }
0x159: {  	v28 =	vld.idx.msk [tilespmem:v8+s22+$0x0], $0xffff  }
0x15a: {  	v29 =	vld.idx.msk [tilespmem:v9+s22+$0x0], $0xffff  }
0x15b: {  	v30 =	vld.idx.msk [tilespmem:v10+s22+$0x0], $0xffff  }
0x15c: {  	v31 =	vld.idx.msk [tilespmem:v11+s22+$0x0], $0xffff  }
0x15d: {  	v32 =	vld.idx.msk [tilespmem:v12+s22+$0x0], $0xffff  }
0x15e: {  	v33 =	vld.idx.msk [tilespmem:v13+s22+$0x0], $0xffff;
	v20 =	vadd.f32 $0.0e+00, v20;
	v21 =	vadd.f32 $0.0e+00, v57  }
0x15f: {  	v34 =	vld.idx.msk [tilespmem:v14+s22+$0x0], $0xffff;
	v22 =	vadd.f32 $0.0e+00, v58;
	v23 =	vadd.f32 $0.0e+00, v59  }
0x160: {  	v62 =	vld.idx.msk [tilespmem:v15+s22+$0x0], $0xffff;
	v20 =	vadd.f32 v60, v20;
	v21 =	vadd.f32 v61, v21  }
0x161: {  	v22 =	vadd.f32 v26, v22;
	v23 =	vadd.f32 v27, v23  }
0x162: {  	v20 =	vadd.f32 v28, v20;
	v21 =	vadd.f32 v29, v21  }
0x163: {  	v22 =	vadd.f32 v30, v22;
	v23 =	vadd.f32 v31, v23  }
0x164: {  	v20 =	vadd.f32 v32, v20;
	v21 =	vadd.f32 v33, v21  }
0x165: {  	v22 =	vadd.f32 v34, v22;
	v23 =	vadd.f32 v62, v23;
	_ =	sdelay $0x1  }
0x166: {  	v20 =	vadd.f32 v21, v20;
	v63 =	vadd.f32 v23, v22;
	_ =	sdelay $0x1  }
0x167: {  	v20 =	vadd.f32 v63, v20  }
0x168: {  	p0 =	sne.s32 s0, $0x3800  }
.Ltmp0:
0x169: {  	v19 =	vadd.f32 v20, v19;
	(pc) =	sbr.rel @p0 .LBB2_3-.Ltmp0, $4  }
0x16a: {  	_ = 	snop  }
0x16b: {  	vm0 =	vgt.f32 v19, $0.0e+00  }
0x16c: {  	v19 =	vmax.f32 v19, $0.0e+00;
	v20 =	vsel vm0, $0x1, v16  }
0x16d: {  	s0 =	sadd.s32 $0x800, s0;
	s28 =	sadd.s32 $0x10, s28;
	v17 =	vadd.f32 v19, v17;
	v18 =	vadd.s32 v20, v18  }
0x16e: {  	p0 =	seq.s32 s30, $0x1F  }
0x16f: {  	s0 =	sadd.s32 @!p0 $0x100, s31;
	s15 =	simm.s32 @!p0 $0x80;
	s28 =	simm.s32 @!p0 $0x8000  }
0x170: {  	[tilespmem:s28], [sflag:$0x1] =	stream.indirect.gather @!p0 [hbm4b:s3+s15], $0x20, s0, s15, $0xb8;
	[tilespmem:$0xE120] =	vst v63  }
0x171: {  	s0 =	sadd.s32 @!p0 $0x2100, s31;
	s28 =	simm.s32 @!p0 $0x9000  }
0x172: {  	[tilespmem:s28], [sflag:$0x1] =	stream.indirect.gather @!p0 [hbm4b:s3+s15], $0x20, s0, s15, $0xb8;
	[tilespmem:$0xE120] =	vst v63  }
0x173: {  	s0 =	sadd.s32 @!p0 $0x4100, s31;
	s28 =	simm.s32 @!p0 $0xA000  }
0x174: {  	[tilespmem:s28], [sflag:$0x1] =	stream.indirect.gather @!p0 [hbm4b:s3+s15], $0x20, s0, s15, $0xb8;
	[tilespmem:$0xE120] =	vst v63  }
0x175: {  	_ =	swait.ge [sflag:s23], $0x1000  }
0x176: {  	[sflag:s23] =	ssyncset.done $0x0  }
0x177: {  	[sflag:s23] =	ssyncadd.s32 $0xFFFFF000  }
0x178: {  	_ =	swait.ge [sflag:s23], $0x1000  }
0x179: {  	[sflag:s23] =	ssyncset.done $0x0  }
0x17a: {  	[sflag:s23] =	ssyncadd.s32 $0xFFFFF000  }
0x17b: {  	_ =	swait.ge [sflag:s23], $0x1000  }
0x17c: {  	[sflag:s23] =	ssyncset.done $0x0  }
0x17d: {  	s0 =	simm.s32 $0x0;
	s28 =	smov.u32 s29;
	[sflag:s23] =	ssyncadd.s32 $0xFFFFF000  }
.LBB2_5:
0x17e: {  	s15 =	sshra.s32 s0, $0x2  }
0x17f: {  	v19 =	vld [tilespmem:s15+$0xC000]  }
0x180: {  	v20 =	vld [tilespmem:s15+$0xC010]  }
0x181: {  	v21 =	vld [tilespmem:s15+$0xD000]  }
0x182: {  	v22 =	vld [tilespmem:s15+$0xD010]  }
0x183: {  	v23 =	vld [tilespmem:s15+$0xB000]  }
0x184: {  	v24 =	vld [tilespmem:s15+$0xB010];
	_ =	sdelay $0x1  }
0x185: {  	v19 =	vsub.bf16 v21, v19  }
0x186: {  	v20 =	vsub.bf16 v22, v20  }
0x187: {  	v19 =	vmul.bf16 v19, v23  }
0x188: {  	v20 =	vmul.bf16 v20, v24  }
0x189: {  	v60 =	vshll.u32 v19, $0x10  }
0x18a: {  	v19 =	vand.u32 $0xFFFF0000, v19;
	v61 =	vshll.u32 v20, $0x10;
	v20 =	vand.u32 $0xFFFF0000, v20  }
0x18b: {  	v19 =	vadd.f32 v19, v60;
	v20 =	vadd.f32 v20, v61;
	_ =	sdelay $0x1  }
0x18c: {  	v20 =	vadd.f32 v20, v19;
	_ =	sdelay $0x1  }
0x18d: {  	v19 =	vld [tilespmem:s28+$0x0];
	[tilespmem:$0xE000] =	vst v20  }
0x18e: {  	v20 =	vld [tilespmem:s15+$0xC020]  }
0x18f: {  	v62 =	vld [tilespmem:s15+$0xC030]  }
0x190: {  	v63 =	vld [tilespmem:s15+$0xD020]  }
0x191: {  	v28 =	vld [tilespmem:s15+$0xD030]  }
0x192: {  	v29 =	vld [tilespmem:s15+$0xB020]  }
0x193: {  	v25 =	vld [tilespmem:s15+$0xB030];
	_ =	sdelay $0x1  }
0x194: {  	v20 =	vsub.bf16 v63, v20  }
0x195: {  	v21 =	vsub.bf16 v28, v62  }
0x196: {  	v20 =	vmul.bf16 v20, v29  }
0x197: {  	v21 =	vmul.bf16 v21, v25  }
0x198: {  	v30 =	vshll.u32 v20, $0x10  }
0x199: {  	v20 =	vand.u32 $0xFFFF0000, v20;
	v31 =	vshll.u32 v21, $0x10;
	v21 =	vand.u32 $0xFFFF0000, v21  }
0x19a: {  	v20 =	vadd.f32 v20, v30;
	v21 =	vadd.f32 v21, v31;
	_ =	sdelay $0x1  }
0x19b: {  	v20 =	vadd.f32 v21, v20;
	_ =	sdelay $0x1  }
0x19c: {  	[tilespmem:$0xE010] =	vst v20  }
0x19d: {  	v20 =	vld [tilespmem:s15+$0xC040]  }
0x19e: {  	v32 =	vld [tilespmem:s15+$0xC050]  }
0x19f: {  	v33 =	vld [tilespmem:s15+$0xD040]  }
0x1a0: {  	v34 =	vld [tilespmem:s15+$0xD050]  }
0x1a1: {  	v35 =	vld [tilespmem:s15+$0xB040]  }
0x1a2: {  	v36 =	vld [tilespmem:s15+$0xB050];
	_ =	sdelay $0x1  }
0x1a3: {  	v20 =	vsub.bf16 v33, v20  }
0x1a4: {  	v21 =	vsub.bf16 v34, v32  }
0x1a5: {  	v20 =	vmul.bf16 v20, v35  }
0x1a6: {  	v21 =	vmul.bf16 v21, v36  }
0x1a7: {  	v37 =	vshll.u32 v20, $0x10  }
0x1a8: {  	v20 =	vand.u32 $0xFFFF0000, v20;
	v38 =	vshll.u32 v21, $0x10;
	v21 =	vand.u32 $0xFFFF0000, v21  }
0x1a9: {  	v20 =	vadd.f32 v20, v37;
	v21 =	vadd.f32 v21, v38;
	_ =	sdelay $0x1  }
0x1aa: {  	v20 =	vadd.f32 v21, v20;
	_ =	sdelay $0x1  }
0x1ab: {  	[tilespmem:$0xE020] =	vst v20  }
0x1ac: {  	v20 =	vld [tilespmem:s15+$0xC060]  }
0x1ad: {  	v39 =	vld [tilespmem:s15+$0xC070]  }
0x1ae: {  	v40 =	vld [tilespmem:s15+$0xD060]  }
0x1af: {  	v41 =	vld [tilespmem:s15+$0xD070]  }
0x1b0: {  	v42 =	vld [tilespmem:s15+$0xB060]  }
0x1b1: {  	v43 =	vld [tilespmem:s15+$0xB070];
	_ =	sdelay $0x1  }
0x1b2: {  	v20 =	vsub.bf16 v40, v20  }
0x1b3: {  	v21 =	vsub.bf16 v41, v39  }
0x1b4: {  	v20 =	vmul.bf16 v20, v42  }
0x1b5: {  	v21 =	vmul.bf16 v21, v43  }
0x1b6: {  	v44 =	vshll.u32 v20, $0x10  }
0x1b7: {  	v20 =	vand.u32 $0xFFFF0000, v20;
	v45 =	vshll.u32 v21, $0x10;
	v21 =	vand.u32 $0xFFFF0000, v21  }
0x1b8: {  	v20 =	vadd.f32 v20, v44;
	v21 =	vadd.f32 v21, v45;
	_ =	sdelay $0x1  }
0x1b9: {  	v20 =	vadd.f32 v21, v20;
	_ =	sdelay $0x1  }
0x1ba: {  	[tilespmem:$0xE030] =	vst v20  }
0x1bb: {  	v20 =	vld [tilespmem:s15+$0xC080]  }
0x1bc: {  	v46 =	vld [tilespmem:s15+$0xC090]  }
0x1bd: {  	v47 =	vld [tilespmem:s15+$0xD080]  }
0x1be: {  	v48 =	vld [tilespmem:s15+$0xD090]  }
0x1bf: {  	v49 =	vld [tilespmem:s15+$0xB080]  }
0x1c0: {  	v50 =	vld [tilespmem:s15+$0xB090];
	_ =	sdelay $0x1  }
0x1c1: {  	v20 =	vsub.bf16 v47, v20  }
0x1c2: {  	v21 =	vsub.bf16 v48, v46  }
0x1c3: {  	v20 =	vmul.bf16 v20, v49  }
0x1c4: {  	v21 =	vmul.bf16 v21, v50  }
0x1c5: {  	v51 =	vshll.u32 v20, $0x10  }
0x1c6: {  	v20 =	vand.u32 $0xFFFF0000, v20;
	v52 =	vshll.u32 v21, $0x10;
	v21 =	vand.u32 $0xFFFF0000, v21  }
0x1c7: {  	v20 =	vadd.f32 v20, v51;
	v21 =	vadd.f32 v21, v52;
	_ =	sdelay $0x1  }
0x1c8: {  	v20 =	vadd.f32 v21, v20;
	_ =	sdelay $0x1  }
0x1c9: {  	[tilespmem:$0xE040] =	vst v20  }
0x1ca: {  	v20 =	vld [tilespmem:s15+$0xC0A0]  }
0x1cb: {  	v53 =	vld [tilespmem:s15+$0xC0B0]  }
0x1cc: {  	v54 =	vld [tilespmem:s15+$0xD0A0]  }
0x1cd: {  	v55 =	vld [tilespmem:s15+$0xD0B0]  }
0x1ce: {  	v56 =	vld [tilespmem:s15+$0xB0A0]  }
0x1cf: {  	v57 =	vld [tilespmem:s15+$0xB0B0];
	_ =	sdelay $0x1  }
0x1d0: {  	v20 =	vsub.bf16 v54, v20  }
0x1d1: {  	v21 =	vsub.bf16 v55, v53  }
0x1d2: {  	v20 =	vmul.bf16 v20, v56  }
0x1d3: {  	v21 =	vmul.bf16 v21, v57  }
0x1d4: {  	v58 =	vshll.u32 v20, $0x10  }
0x1d5: {  	v20 =	vand.u32 $0xFFFF0000, v20;
	v59 =	vshll.u32 v21, $0x10;
	v21 =	vand.u32 $0xFFFF0000, v21  }
0x1d6: {  	v20 =	vadd.f32 v20, v58;
	v21 =	vadd.f32 v21, v59;
	_ =	sdelay $0x1  }
0x1d7: {  	v20 =	vadd.f32 v21, v20;
	_ =	sdelay $0x1  }
0x1d8: {  	[tilespmem:$0xE050] =	vst v20  }
0x1d9: {  	v20 =	vld [tilespmem:s15+$0xC0C0]  }
0x1da: {  	v60 =	vld [tilespmem:s15+$0xC0D0]  }
0x1db: {  	v61 =	vld [tilespmem:s15+$0xD0C0]  }
0x1dc: {  	v62 =	vld [tilespmem:s15+$0xD0D0]  }
0x1dd: {  	v63 =	vld [tilespmem:s15+$0xB0C0]  }
0x1de: {  	v28 =	vld [tilespmem:s15+$0xB0D0];
	_ =	sdelay $0x1  }
0x1df: {  	v20 =	vsub.bf16 v61, v20  }
0x1e0: {  	v21 =	vsub.bf16 v62, v60  }
0x1e1: {  	v20 =	vmul.bf16 v20, v63  }
0x1e2: {  	v21 =	vmul.bf16 v21, v28  }
0x1e3: {  	v29 =	vshll.u32 v20, $0x10  }
0x1e4: {  	v20 =	vand.u32 $0xFFFF0000, v20;
	v30 =	vshll.u32 v21, $0x10;
	v21 =	vand.u32 $0xFFFF0000, v21  }
0x1e5: {  	v20 =	vadd.f32 v20, v29;
	v21 =	vadd.f32 v21, v30;
	_ =	sdelay $0x1  }
0x1e6: {  	v20 =	vadd.f32 v21, v20;
	_ =	sdelay $0x1  }
0x1e7: {  	[tilespmem:$0xE060] =	vst v20  }
0x1e8: {  	v20 =	vld [tilespmem:s15+$0xC0E0]  }
0x1e9: {  	v31 =	vld [tilespmem:s15+$0xC0F0]  }
0x1ea: {  	v32 =	vld [tilespmem:s15+$0xD0E0]  }
0x1eb: {  	v33 =	vld [tilespmem:s15+$0xD0F0]  }
0x1ec: {  	v34 =	vld [tilespmem:s15+$0xB0E0]  }
0x1ed: {  	v35 =	vld [tilespmem:s15+$0xB0F0];
	_ =	sdelay $0x1  }
0x1ee: {  	v20 =	vsub.bf16 v32, v20  }
0x1ef: {  	v21 =	vsub.bf16 v33, v31  }
0x1f0: {  	v20 =	vmul.bf16 v20, v34  }
0x1f1: {  	v21 =	vmul.bf16 v21, v35  }
0x1f2: {  	v36 =	vshll.u32 v20, $0x10  }
0x1f3: {  	v20 =	vand.u32 $0xFFFF0000, v20;
	v37 =	vshll.u32 v21, $0x10;
	v21 =	vand.u32 $0xFFFF0000, v21  }
0x1f4: {  	v20 =	vadd.f32 v20, v36;
	v21 =	vadd.f32 v21, v37;
	_ =	sdelay $0x1  }
0x1f5: {  	v20 =	vadd.f32 v21, v20;
	_ =	sdelay $0x1  }
0x1f6: {  	[tilespmem:$0xE070] =	vst v20  }
0x1f7: {  	v20 =	vld [tilespmem:s15+$0xC100]  }
0x1f8: {  	v38 =	vld [tilespmem:s15+$0xC110]  }
0x1f9: {  	v39 =	vld [tilespmem:s15+$0xD100]  }
0x1fa: {  	v40 =	vld [tilespmem:s15+$0xD110]  }
0x1fb: {  	v41 =	vld [tilespmem:s15+$0xB100]  }
0x1fc: {  	v42 =	vld [tilespmem:s15+$0xB110];
	_ =	sdelay $0x1  }
0x1fd: {  	v20 =	vsub.bf16 v39, v20  }
0x1fe: {  	v21 =	vsub.bf16 v40, v38  }
0x1ff: {  	v20 =	vmul.bf16 v20, v41  }
0x200: {  	v21 =	vmul.bf16 v21, v42  }
0x201: {  	v43 =	vshll.u32 v20, $0x10  }
0x202: {  	v20 =	vand.u32 $0xFFFF0000, v20;
	v44 =	vshll.u32 v21, $0x10;
	v21 =	vand.u32 $0xFFFF0000, v21  }
0x203: {  	v20 =	vadd.f32 v20, v43;
	v21 =	vadd.f32 v21, v44;
	_ =	sdelay $0x1  }
0x204: {  	v20 =	vadd.f32 v21, v20;
	_ =	sdelay $0x1  }
0x205: {  	[tilespmem:$0xE080] =	vst v20  }
0x206: {  	v20 =	vld [tilespmem:s15+$0xC120]  }
0x207: {  	v45 =	vld [tilespmem:s15+$0xC130]  }
0x208: {  	v46 =	vld [tilespmem:s15+$0xD120]  }
0x209: {  	v47 =	vld [tilespmem:s15+$0xD130]  }
0x20a: {  	v48 =	vld [tilespmem:s15+$0xB120]  }
0x20b: {  	v49 =	vld [tilespmem:s15+$0xB130];
	_ =	sdelay $0x1  }
0x20c: {  	v20 =	vsub.bf16 v46, v20  }
0x20d: {  	v21 =	vsub.bf16 v47, v45  }
0x20e: {  	v20 =	vmul.bf16 v20, v48  }
0x20f: {  	v21 =	vmul.bf16 v21, v49  }
0x210: {  	v50 =	vshll.u32 v20, $0x10  }
0x211: {  	v20 =	vand.u32 $0xFFFF0000, v20;
	v51 =	vshll.u32 v21, $0x10;
	v21 =	vand.u32 $0xFFFF0000, v21  }
0x212: {  	v20 =	vadd.f32 v20, v50;
	v21 =	vadd.f32 v21, v51;
	_ =	sdelay $0x1  }
0x213: {  	v20 =	vadd.f32 v21, v20;
	_ =	sdelay $0x1  }
0x214: {  	[tilespmem:$0xE090] =	vst v20  }
0x215: {  	v20 =	vld [tilespmem:s15+$0xC140]  }
0x216: {  	v52 =	vld [tilespmem:s15+$0xC150]  }
0x217: {  	v53 =	vld [tilespmem:s15+$0xD140]  }
0x218: {  	v54 =	vld [tilespmem:s15+$0xD150]  }
0x219: {  	v55 =	vld [tilespmem:s15+$0xB140]  }
0x21a: {  	v56 =	vld [tilespmem:s15+$0xB150];
	_ =	sdelay $0x1  }
0x21b: {  	v20 =	vsub.bf16 v53, v20  }
0x21c: {  	v21 =	vsub.bf16 v54, v52  }
0x21d: {  	v20 =	vmul.bf16 v20, v55  }
0x21e: {  	v21 =	vmul.bf16 v21, v56  }
0x21f: {  	v57 =	vshll.u32 v20, $0x10  }
0x220: {  	v20 =	vand.u32 $0xFFFF0000, v20;
	v58 =	vshll.u32 v21, $0x10;
	v21 =	vand.u32 $0xFFFF0000, v21  }
0x221: {  	v20 =	vadd.f32 v20, v57;
	v21 =	vadd.f32 v21, v58;
	_ =	sdelay $0x1  }
0x222: {  	v20 =	vadd.f32 v21, v20;
	_ =	sdelay $0x1  }
0x223: {  	[tilespmem:$0xE0A0] =	vst v20  }
0x224: {  	v20 =	vld [tilespmem:s15+$0xC160]  }
0x225: {  	v59 =	vld [tilespmem:s15+$0xC170]  }
0x226: {  	v60 =	vld [tilespmem:s15+$0xD160]  }
0x227: {  	v61 =	vld [tilespmem:s15+$0xD170]  }
0x228: {  	v62 =	vld [tilespmem:s15+$0xB160]  }
0x229: {  	v63 =	vld [tilespmem:s15+$0xB170];
	_ =	sdelay $0x1  }
0x22a: {  	v20 =	vsub.bf16 v60, v20  }
0x22b: {  	v21 =	vsub.bf16 v61, v59  }
0x22c: {  	v20 =	vmul.bf16 v20, v62  }
0x22d: {  	v21 =	vmul.bf16 v21, v63  }
0x22e: {  	v27 =	vshll.u32 v20, $0x10  }
0x22f: {  	v20 =	vand.u32 $0xFFFF0000, v20;
	v28 =	vshll.u32 v21, $0x10;
	v21 =	vand.u32 $0xFFFF0000, v21  }
0x230: {  	v20 =	vadd.f32 v20, v27;
	v21 =	vadd.f32 v21, v28;
	_ =	sdelay $0x1  }
0x231: {  	v20 =	vadd.f32 v21, v20;
	_ =	sdelay $0x1  }
0x232: {  	[tilespmem:$0xE0B0] =	vst v20  }
0x233: {  	v20 =	vld [tilespmem:s15+$0xC180]  }
0x234: {  	v29 =	vld [tilespmem:s15+$0xC190]  }
0x235: {  	v30 =	vld [tilespmem:s15+$0xD180]  }
0x236: {  	v31 =	vld [tilespmem:s15+$0xD190]  }
0x237: {  	v32 =	vld [tilespmem:s15+$0xB180]  }
0x238: {  	v33 =	vld [tilespmem:s15+$0xB190];
	_ =	sdelay $0x1  }
0x239: {  	v20 =	vsub.bf16 v30, v20  }
0x23a: {  	v21 =	vsub.bf16 v31, v29  }
0x23b: {  	v20 =	vmul.bf16 v20, v32  }
0x23c: {  	v21 =	vmul.bf16 v21, v33  }
0x23d: {  	v34 =	vshll.u32 v20, $0x10  }
0x23e: {  	v20 =	vand.u32 $0xFFFF0000, v20;
	v35 =	vshll.u32 v21, $0x10;
	v21 =	vand.u32 $0xFFFF0000, v21  }
0x23f: {  	v20 =	vadd.f32 v20, v34;
	v21 =	vadd.f32 v21, v35;
	_ =	sdelay $0x1  }
0x240: {  	v20 =	vadd.f32 v21, v20;
	_ =	sdelay $0x1  }
0x241: {  	[tilespmem:$0xE0C0] =	vst v20  }
0x242: {  	v20 =	vld [tilespmem:s15+$0xC1A0]  }
0x243: {  	v36 =	vld [tilespmem:s15+$0xC1B0]  }
0x244: {  	v37 =	vld [tilespmem:s15+$0xD1A0]  }
0x245: {  	v38 =	vld [tilespmem:s15+$0xD1B0]  }
0x246: {  	v39 =	vld [tilespmem:s15+$0xB1A0]  }
0x247: {  	v40 =	vld [tilespmem:s15+$0xB1B0];
	_ =	sdelay $0x1  }
0x248: {  	v20 =	vsub.bf16 v37, v20  }
0x249: {  	v21 =	vsub.bf16 v38, v36  }
0x24a: {  	v20 =	vmul.bf16 v20, v39  }
0x24b: {  	v21 =	vmul.bf16 v21, v40  }
0x24c: {  	v41 =	vshll.u32 v20, $0x10  }
0x24d: {  	v20 =	vand.u32 $0xFFFF0000, v20;
	v42 =	vshll.u32 v21, $0x10;
	v21 =	vand.u32 $0xFFFF0000, v21  }
0x24e: {  	v20 =	vadd.f32 v20, v41;
	v21 =	vadd.f32 v21, v42;
	_ =	sdelay $0x1  }
0x24f: {  	v20 =	vadd.f32 v21, v20;
	_ =	sdelay $0x1  }
0x250: {  	[tilespmem:$0xE0D0] =	vst v20  }
0x251: {  	v20 =	vld [tilespmem:s15+$0xC1C0]  }
0x252: {  	v43 =	vld [tilespmem:s15+$0xC1D0]  }
0x253: {  	v44 =	vld [tilespmem:s15+$0xD1C0]  }
0x254: {  	v45 =	vld [tilespmem:s15+$0xD1D0]  }
0x255: {  	v46 =	vld [tilespmem:s15+$0xB1C0]  }
0x256: {  	v47 =	vld [tilespmem:s15+$0xB1D0];
	_ =	sdelay $0x1  }
0x257: {  	v20 =	vsub.bf16 v44, v20  }
0x258: {  	v21 =	vsub.bf16 v45, v43  }
0x259: {  	v20 =	vmul.bf16 v20, v46  }
0x25a: {  	v21 =	vmul.bf16 v21, v47  }
0x25b: {  	v48 =	vshll.u32 v20, $0x10  }
0x25c: {  	v20 =	vand.u32 $0xFFFF0000, v20;
	v49 =	vshll.u32 v21, $0x10;
	v21 =	vand.u32 $0xFFFF0000, v21  }
0x25d: {  	v20 =	vadd.f32 v20, v48;
	v21 =	vadd.f32 v21, v49;
	_ =	sdelay $0x1  }
0x25e: {  	v20 =	vadd.f32 v21, v20;
	_ =	sdelay $0x1  }
0x25f: {  	[tilespmem:$0xE0E0] =	vst v20  }
0x260: {  	v20 =	vld [tilespmem:s15+$0xC1E0]  }
0x261: {  	v50 =	vld [tilespmem:s15+$0xC1F0]  }
0x262: {  	v51 =	vld [tilespmem:s15+$0xD1E0]  }
0x263: {  	v52 =	vld [tilespmem:s15+$0xD1F0]  }
0x264: {  	v53 =	vld [tilespmem:s15+$0xB1E0]  }
0x265: {  	v54 =	vld [tilespmem:s15+$0xB1F0];
	_ =	sdelay $0x1  }
0x266: {  	v20 =	vsub.bf16 v51, v20  }
0x267: {  	v21 =	vsub.bf16 v52, v50  }
0x268: {  	v20 =	vmul.bf16 v20, v53  }
0x269: {  	v21 =	vmul.bf16 v21, v54  }
0x26a: {  	v55 =	vshll.u32 v20, $0x10  }
0x26b: {  	v20 =	vand.u32 $0xFFFF0000, v20;
	v56 =	vshll.u32 v21, $0x10;
	v21 =	vand.u32 $0xFFFF0000, v21  }
0x26c: {  	v20 =	vadd.f32 v20, v55;
	v21 =	vadd.f32 v21, v56;
	_ =	sdelay $0x1  }
0x26d: {  	v20 =	vadd.f32 v21, v20;
	_ =	sdelay $0x1  }
0x26e: {  	[tilespmem:$0xE0F0] =	vst v20  }
0x26f: {  	v20 =	vld.idx.msk [tilespmem:v0+s22+$0x0], $0xffff  }
0x270: {  	v57 =	vld.idx.msk [tilespmem:v1+s22+$0x0], $0xffff  }
0x271: {  	v58 =	vld.idx.msk [tilespmem:v2+s22+$0x0], $0xffff  }
0x272: {  	v59 =	vld.idx.msk [tilespmem:v3+s22+$0x0], $0xffff  }
0x273: {  	v60 =	vld.idx.msk [tilespmem:v4+s22+$0x0], $0xffff  }
0x274: {  	v61 =	vld.idx.msk [tilespmem:v5+s22+$0x0], $0xffff  }
0x275: {  	v26 =	vld.idx.msk [tilespmem:v6+s22+$0x0], $0xffff  }
0x276: {  	v27 =	vld.idx.msk [tilespmem:v7+s22+$0x0], $0xffff  }
0x277: {  	v28 =	vld.idx.msk [tilespmem:v8+s22+$0x0], $0xffff  }
0x278: {  	v29 =	vld.idx.msk [tilespmem:v9+s22+$0x0], $0xffff  }
0x279: {  	v30 =	vld.idx.msk [tilespmem:v10+s22+$0x0], $0xffff  }
0x27a: {  	v31 =	vld.idx.msk [tilespmem:v11+s22+$0x0], $0xffff  }
0x27b: {  	v32 =	vld.idx.msk [tilespmem:v12+s22+$0x0], $0xffff  }
0x27c: {  	v33 =	vld.idx.msk [tilespmem:v13+s22+$0x0], $0xffff;
	v20 =	vadd.f32 $0.0e+00, v20;
	v21 =	vadd.f32 $0.0e+00, v57  }
0x27d: {  	v34 =	vld.idx.msk [tilespmem:v14+s22+$0x0], $0xffff;
	v22 =	vadd.f32 $0.0e+00, v58;
	v23 =	vadd.f32 $0.0e+00, v59  }
0x27e: {  	v62 =	vld.idx.msk [tilespmem:v15+s22+$0x0], $0xffff;
	v20 =	vadd.f32 v60, v20;
	v21 =	vadd.f32 v61, v21  }
0x27f: {  	v22 =	vadd.f32 v26, v22;
	v23 =	vadd.f32 v27, v23  }
0x280: {  	v20 =	vadd.f32 v28, v20;
	v21 =	vadd.f32 v29, v21  }
0x281: {  	v22 =	vadd.f32 v30, v22;
	v23 =	vadd.f32 v31, v23  }
0x282: {  	v20 =	vadd.f32 v32, v20;
	v21 =	vadd.f32 v33, v21  }
0x283: {  	v22 =	vadd.f32 v34, v22;
	v23 =	vadd.f32 v62, v23;
	_ =	sdelay $0x1  }
0x284: {  	v20 =	vadd.f32 v21, v20;
	v63 =	vadd.f32 v23, v22;
	_ =	sdelay $0x1  }
0x285: {  	v20 =	vadd.f32 v63, v20  }
0x286: {  	p0 =	sne.s32 s0, $0x3800  }
.Ltmp1:
0x287: {  	v19 =	vadd.f32 v20, v19;
	(pc) =	sbr.rel @p0 .LBB2_5-.Ltmp1, $4  }
0x288: {  	_ = 	snop  }
0x289: {  	vm0 =	vgt.f32 v19, $0.0e+00  }
0x28a: {  	v19 =	vmax.f32 v19, $0.0e+00;
	v20 =	vsel vm0, $0x1, v16  }
0x28b: {  	s0 =	sadd.s32 $0x800, s0;
	s28 =	sadd.s32 $0x10, s28;
	v17 =	vadd.f32 v19, v17;
	v18 =	vadd.s32 v20, v18  }
0x28c: {  	s30 =	sadd.s32 $0x1, s30  }
0x28d: {  	p0 =	sne.s32 s30, $0x20  }
.Ltmp2:
0x28e: {  	_ = 	snop;
	(pc) =	sbr.rel @p0 .LBB2_2-.Ltmp2, $2  }
0x28f: {  	_ =	sdelay $0x2  }
0x290: {  	s1 =	sadd.s32 $0x100, s1;
	s29 =	sadd.s32 $0x100, s29  }
0x291: {  	[tilespmem:$0xE100] =	vst v17  }
0x292: {  	[tilespmem:$0xE110] =	vst v18  }
0x293: {  	[hbm4b:s8+s2] =	stream.linear.scatter [tilespmem:s24], [sflag:$0x3], $0x10, $0x38;
	[tilespmem:$0xE120] =	vst v63  }
0x294: {  	s26 =	sadd.s32 $0x1, s26;
	_ =	swait.ge [sflag:s11], $0x10  }
0x295: {  	p0 =	sne.s32 s26, s10;
	[sflag:s11] =	ssyncset.done $0x0  }
.Ltmp3:
0x296: {  	[sflag:s11] =	ssyncadd.s32 $0xFFFFFFF0;
	(pc) =	sbr.rel @p0 .LBB2_1-.Ltmp3, $4  }
0x297: {  	[hbm4b:s9+s2] =	stream.linear.scatter [tilespmem:s25], [sflag:$0x3], $0x10, $0x38;
	[tilespmem:$0xE120] =	vst v63  }
0x298: {  	_ =	swait.ge [sflag:s11], $0x10  }
0x299: {  	[sflag:s11] =	ssyncset.done $0x0  }
0x29a: {  	[sflag:s11] =	ssyncadd.s32 $0xFFFFFFF0  }
0x29b: {  	_ =	sfence.sel $0x180000  }
0x29c: {  	[bflag:$0x0] =	sbarrier.arrive $0xFFFF  }
0x29d: {  	_ =	strace $0x90000047  }
0x29e: {  	s0 =	stileid.u32;
	[bflag:$0x2] =	sbarrier.arrive $0xFFFF  }
0x29f: {  	p0 =	sne.s32 s0, $0x0;
	s0 =	rddreg [dreg:$0x2]  }
0x2a0: {  	s0 =	sadd.s32 @!p0 $0x100000, s0  }
0x2a1: {  	[sflag:s0] =	ssyncadd.tile.s32 @!p0 $0x1;
	_ =	shalt  }
.Lfunc_end2:
_tile_overlayer_lowered:
.L_overlay_start_2:
0x2a2: {  	(tag) =	ssettag $0x2  }
0x2a3: {  	s0 =	rddreg [dreg:$0x0];
	s2 =	stileid.u32  }
0x2a4: {  	s1 =	rddreg [dreg:$0x1];
	p0 =	sne.s32 s2, $0x0  }
0x2a5: {  	s3 =	rddreg [dreg:$0x2];
	[bflag:$0x3] =	sbarrier.arrive $0xFFFF;
	s2 =	simm.s32 @!p0 $0x1C03  }
0x2a6: {  	[timem:s3], [sflag:s2] =	dma.local @!p0 [hbm:s0], s1  }
0x2a7: {  	s0 =	simm.s32 @!p0 $0x3  }
0x2a8: {  	_ =	swait.ge @!p0 [sflag:s0], s1  }
0x2a9: {  	s1 =	ssub.s32 @!p0 $0x0, s1;
	[sflag:s0] =	ssyncset.done @!p0 $0x0  }
0x2aa: {  	[sflag:s0] =	ssyncadd.s32 @!p0 s1  }
0x2ab: {  	[bflag:$0x3] =	sbarrier.arrive $0xFFFF  }
0x2ac: {  	_ =	shalt  }

</sc_bundles>
